<compile_context>
chip_gen: v7x
topology: tpu7x:2x2x1
jax: 0.10.2.dev20260603
libtpu: 0.0.44.dev20260713+nightly
codegen_flags: <defaults>
</compile_context>

<pallas_src>
import functools

import jax
import jax.numpy as jnp
from jax import lax
from jax.experimental import pallas as pl
from jax.experimental.pallas import tpu as pltpu
from jax.experimental.pallas import tpu_sc as plsc

N = 10000
D = 128
E = 320000
L = 2

NC = 2
NS = 16
NW = NC * NS

CW = 64
CH = 160
HCH = 80
EP = NW * CH * CW
EW = CH * CW

NP = 10240
NPW = NP // NW
NSTRIPE = NP // NS

_mesh = plsc.VectorSubcoreMesh(core_axis_name="c", subcore_axis_name="s")



@functools.partial(
    pl.kernel,
    mesh=_mesh,
    out_type=jax.ShapeDtypeStruct((NP, D), jnp.float32),
    scratch_types=[
        pltpu.VMEM((4, 80), jnp.int32),
        pltpu.VMEM((2, 80, D), jnp.float32),
        pltpu.SemaphoreType.DMA,
        pltpu.SemaphoreType.DMA,
    ],
)
def _embed_sc(tab_hbm, idx_hbm, out_hbm, idx_v, rows_v, sem0, sem1):
    c = lax.axis_index("c")
    s = lax.axis_index("s")
    wid = s * NC + c
    sems = (sem0, sem1)
    pltpu.sync_copy(idx_hbm.at[wid], idx_v)

    pltpu.async_copy(tab_hbm.at[idx_v.at[0]], rows_v.at[0], sems[0])
    for j in range(4):
        b = j % 2
        if j + 1 < 4:
            pltpu.async_copy(
                tab_hbm.at[idx_v.at[j + 1]], rows_v.at[1 - b], sems[1 - b])
        pltpu.make_async_copy(
            tab_hbm.at[idx_v.at[j]], rows_v.at[b], sems[b]).wait()
        pltpu.sync_copy(rows_v.at[b],
                        out_hbm.at[pl.ds(wid * NPW + j * 80, 80)])


def _make_segsum():
    @functools.partial(
        pl.kernel,
        mesh=_mesh,
        out_type=jax.ShapeDtypeStruct((NC * NP, D), jnp.float32),
        scratch_types=[
            pltpu.VMEM((HCH, CW), jnp.int32),
            pltpu.VMEM((HCH, CW), jnp.int32),
            pltpu.VMEM((3, CW, D), jnp.float32),
            pltpu.VMEM_SHARED((NP, D), jnp.float32),
            pltpu.SemaphoreType.DMA,
            pltpu.SemaphoreType.DMA,
            pltpu.SemaphoreType.DMA,
            pltpu.SemaphoreType.DMA,
            pltpu.SemaphoreType.DMA,
            pltpu.SemaphoreType.DMA,
        ],
    )
    def _segsum_sc(h_hbm, src_hbm, dst_hbm, zer_hbm, out_hbm,
                   src_v, dst_v, rows_v, agg_sh,
                   g0, g1, g2, s0, s1, s2):
        c = lax.axis_index("c")
        s = lax.axis_index("s")
        wid = s * NC + c
        gsem = (g0, g1, g2)
        ssem = (s0, s1, s2)
        pltpu.sync_copy(zer_hbm, agg_sh.at[pl.ds(s * NSTRIPE, NSTRIPE)])
        plsc.subcore_barrier()

        def _gather(j, b):
            pltpu.async_copy(h_hbm.at[src_v.at[j]], rows_v.at[b], gsem[b])

        def _wait_gather(j, b):
            pltpu.make_async_copy(
                h_hbm.at[src_v.at[j]], rows_v.at[b], gsem[b]).wait()

        def _scatter(j, b):
            pltpu.async_copy(rows_v.at[b], agg_sh.at[dst_v.at[j]], ssem[b],
                             add=True)

        def _wait_scatter(b):
            pltpu.make_async_copy(rows_v.at[b], agg_sh.at[dst_v.at[0]],
                                  ssem[b]).wait()

        for hh in range(CH // HCH):
            pltpu.sync_copy(src_hbm.at[wid, pl.ds(hh * HCH, HCH)], src_v)
            pltpu.sync_copy(dst_hbm.at[wid, pl.ds(hh * HCH, HCH)], dst_v)
            for b in range(2):
                _gather(b, b)

            def body(g, _):
                for b in range(3):
                    j = 3 * g + b
                    bp = (b + 2) % 3

                    @pl.when(j + 2 < HCH)
                    def _():
                        if b == 0:
                            @pl.when(g >= 1)
                            def _():
                                _wait_scatter(bp)
                        else:
                            _wait_scatter(bp)
                        _gather(j + 2, bp)

                    _wait_gather(j, b)
                    _scatter(j, b)
                return ()

            lax.fori_loop(0, HCH // 3, body, (), unroll=False)
            for t in range(HCH - HCH % 3, HCH):
                b = t % 3
                _wait_gather(t, b)
                _scatter(t, b)
            for b in range(3):
                _wait_scatter(b)
        plsc.subcore_barrier()
        pltpu.sync_copy(agg_sh.at[pl.ds(s * NSTRIPE, NSTRIPE)],
                        out_hbm.at[pl.ds(c * NP + s * NSTRIPE, NSTRIPE)])

    return _segsum_sc


_segsum = _make_segsum()



_BLK = 2000
_GRID = N // _BLK


def _conv1_body(seg_ref, h_ref, wn_ref, ws_ref, b_ref, out_ref, sums_ref):
    j = pl.program_id(0)
    agg = seg_ref[0] + seg_ref[1]
    y = jnp.dot(agg, wn_ref[:], preferred_element_type=jnp.float32)
    y = y + jnp.dot(h_ref[:], ws_ref[:], preferred_element_type=jnp.float32)
    y = y + b_ref[:]
    y = jnp.where(y >= 0, y, 0.2 * y)
    out_ref[:] = y
    part = jnp.concatenate(
        [jnp.sum(h_ref[:], axis=0, keepdims=True),
         jnp.sum(y, axis=0, keepdims=True)], axis=0)

    @pl.when(j == 0)
    def _():
        sums_ref[:] = part

    @pl.when(j > 0)
    def _():
        sums_ref[:] = sums_ref[:] + part


def _conv1(seg, h, wn, ws, b):
    return pl.pallas_call(
        _conv1_body,
        grid=(_GRID,),
        in_specs=[
            pl.BlockSpec((2, _BLK, D), lambda j: (0, j, 0)),
            pl.BlockSpec((_BLK, D), lambda j: (j, 0)),
            pl.BlockSpec((D, D), lambda j: (0, 0)),
            pl.BlockSpec((D, D), lambda j: (0, 0)),
            pl.BlockSpec((1, D), lambda j: (0, 0)),
        ],
        out_specs=[
            pl.BlockSpec((_BLK, D), lambda j: (j, 0)),
            pl.BlockSpec((2, D), lambda j: (0, 0)),
        ],
        out_shape=[
            jax.ShapeDtypeStruct((NP, D), jnp.float32),
            jax.ShapeDtypeStruct((2, D), jnp.float32),
        ],
    )(seg, h, wn, ws, b)


def _conv2_body(seg_ref, h_ref, wn_ref, ws_ref, b_ref, rw_ref, rb_ref,
                sums_ref, out_ref):
    j = pl.program_id(0)
    agg = seg_ref[0] + seg_ref[1]
    y = jnp.dot(agg, wn_ref[:], preferred_element_type=jnp.float32)
    y = y + jnp.dot(h_ref[:], ws_ref[:], preferred_element_type=jnp.float32)
    y = y + b_ref[:]
    y = jnp.where(y >= 0, y, 0.2 * y)
    s2 = jnp.sum(y, axis=0, keepdims=True)
    part = jnp.dot(s2, rw_ref[2], preferred_element_type=jnp.float32)

    @pl.when(j == 0)
    def _():
        base = (jnp.dot(sums_ref[0:1], rw_ref[0],
                        preferred_element_type=jnp.float32)
                + jnp.dot(sums_ref[1:2], rw_ref[1],
                          preferred_element_type=jnp.float32)
                + N * jnp.sum(rb_ref[:], axis=0, keepdims=True))
        out_ref[:] = base + part

    @pl.when(j > 0)
    def _():
        out_ref[:] = out_ref[:] + part


def _conv2(seg, h, wn, ws, b, rw, rb, sums):
    return pl.pallas_call(
        _conv2_body,
        grid=(_GRID,),
        in_specs=[
            pl.BlockSpec((2, _BLK, D), lambda j: (0, j, 0)),
            pl.BlockSpec((_BLK, D), lambda j: (j, 0)),
            pl.BlockSpec((D, D), lambda j: (0, 0)),
            pl.BlockSpec((D, D), lambda j: (0, 0)),
            pl.BlockSpec((1, D), lambda j: (0, 0)),
            pl.BlockSpec((L + 1, D, D), lambda j: (0, 0, 0)),
            pl.BlockSpec((L + 1, D), lambda j: (0, 0)),
            pl.BlockSpec((2, D), lambda j: (0, 0)),
        ],
        out_specs=pl.BlockSpec((1, D), lambda j: (0, 0)),
        out_shape=jax.ShapeDtypeStruct((1, D), jnp.float32),
    )(seg, h, wn, ws, b, rw, rb, sums)



def kernel(nfeats, edge_index, efeats, W_embed, W_neigh, W_self, b_conv, R_w, R_b):
    src = edge_index[0]
    dst = edge_index[1]
    srcp = jnp.concatenate(
        [src, jnp.arange(EP - E, dtype=jnp.int32) % N]).reshape(NW, CH, CW)
    dstp = jnp.concatenate(
        [dst, N + jnp.arange(EP - E, dtype=jnp.int32) % (NP - N)]
    ).reshape(NW, CH, CW)
    nfp = jnp.concatenate(
        [nfeats, jnp.arange(NP - N, dtype=jnp.int32) % 128]).reshape(NW, 4, 80)
    zer = jnp.zeros((NSTRIPE, D), jnp.float32)

    h0 = _embed_sc(W_embed, nfp)
    seg1 = _segsum(h0, srcp, dstp, zer).reshape(NC, NP, D)
    h1, sums01 = _conv1(seg1, h0, W_neigh[0], W_self[0],
                        b_conv[0].reshape(1, D))
    seg2 = _segsum(h1, srcp, dstp, zer).reshape(NC, NP, D)
    return _conv2(seg2, h1, W_neigh[1], W_self[1], b_conv[1].reshape(1, D),
                  R_w, R_b, sums01)

# --- scband reference (transcript-rebuilt; emitter-appended) ---
"""Pipeline reference for scband-sirmodel-2645699854677 (READ-ONLY COPY).

The authoritative reference and input builder live on the scoring server;
editing this copy changes nothing except your own understanding.
"""

import jax, jax.numpy as jnp
import numpy as np

N = 10000
E = 320000
D = 128
OUT = 128
L = 2
VOCAB = 128
D_EDGE = 16


def leaky_relu(x):
    return jnp.where(x >= 0, x, 0.2 * x)


def setup_inputs(seed: int = 0):
    key = jax.random.key(seed)
    ks = jax.random.split(key, 12)
    nfeats = jax.random.randint(ks[0], (N,), 0, VOCAB, dtype=jnp.int32)
    edge_index = jax.random.randint(ks[1], (2, E), 0, N, dtype=jnp.int32)
    efeats = jax.random.normal(ks[2], (E, D_EDGE), dtype=jnp.float32)
    scale = 1.0 / np.sqrt(D)
    W_embed = jax.random.normal(ks[3], (VOCAB, D), dtype=jnp.float32) * scale
    W_neigh = jax.random.normal(ks[4], (L, D, D), dtype=jnp.float32) * scale
    W_self = jax.random.normal(ks[5], (L, D, D), dtype=jnp.float32) * scale
    b_conv = jnp.zeros((L, D), dtype=jnp.float32)
    R_w = jax.random.normal(ks[6], (L + 1, D, OUT), dtype=jnp.float32) * scale
    R_b = jnp.zeros((L + 1, OUT), dtype=jnp.float32)
    return {"nfeats": nfeats, "edge_index": edge_index, "efeats": efeats,
            "W_embed": W_embed, "W_neigh": W_neigh, "W_self": W_self,
            "b_conv": b_conv, "R_w": R_w, "R_b": R_b}


def reference(nfeats, edge_index, efeats, W_embed, W_neigh, W_self, b_conv, R_w, R_b):
    # node_encoder: nn.Embedding lookup (input_dropout=0 -> identity)
    h = jnp.take(W_embed, nfeats, axis=0)
    hlist = [h]
    src = edge_index[0]
    dst = edge_index[1]
    for i in range(L):
        # DropEdge(p=0) -> identity; efeats unused by conv in this config
        msg = jnp.take(h, src, axis=0)                      # gather source feats [E, D]
        agg = jax.ops.segment_sum(msg, dst, num_segments=N)  # scatter-add to dst [N, D]
        h = agg @ W_neigh[i] + h @ W_self[i] + b_conv[i]     # SIRConv (sum agg + self)
        # norm='none', then LeakyReLU(0.2); dropout=0 (eval)
        h = leaky_relu(h)
        hlist.append(h)
    # jumping knowledge: per-layer readout MLPs (readout_layers=1 -> Linear), stacked sum
    score = hlist[0] @ R_w[0] + R_b[0]
    for i in range(1, L + 1):
        score = score + hlist[i] @ R_w[i] + R_b[i]
    # dgl SumPooling over a single graph -> [1, OUT]
    out = jnp.sum(score, axis=0, keepdims=True)
    return out

if __name__ == "__main__":
    import jax
    _d = setup_inputs()
    print(jax.jit(kernel)(*tuple(_d.values())))

</pallas_src>

<mosaic_0001>
#map = affine_map<(d0, d1) -> (0, 0)>
#map1 = affine_map<(d0, d1) -> (0, 0, 0)>
module attributes {stable_mosaic.version = 14 : i64} {
  func.func @_embed_sc(%arg0: i32, %arg1: i32, %arg2: memref<128x128xf32, #tpu.memory_space<hbm>>, %arg3: memref<32x4x80xi32, #tpu.memory_space<hbm>>, %arg4: memref<10240x128xf32, #tpu.memory_space<hbm>>, %arg5: memref<4x80xi32, #tpu.memory_space<vmem>>, %arg6: memref<2x80x128xf32, #tpu.memory_space<vmem>>, %arg7: memref<!tpu.dma_semaphore, #tpu.memory_space<semaphore_mem>>, %arg8: memref<!tpu.dma_semaphore, #tpu.memory_space<semaphore_mem>>) attributes {dimension_semantics = [#tpu.dimension_semantics<core_parallel>, #tpu.dimension_semantics<subcore_parallel>], iteration_bounds = array<i64: 2, 16>, scalar_prefetch = 0 : i64, scratch_operands = 4 : i64, tpu.core_type = #tpu.core_type<sc_vector_subcore>, window_params = [{transform_indices = #map}, {transform_indices = #map1}, {transform_indices = #map}]} {
    %mul3A = arith.constant 2 : i32
    %mul3A_0 = arith.muli %arg1, %mul3A : i32
    %add3A = arith.addi %mul3A_0, %arg0 : i32
    "tpu.region"() ({
      %run_scoped3A_114 = tpu.sem_alloc : memref<!tpu.dma_semaphore, #tpu.memory_space<semaphore_mem>>
      %dma_start3A_115 = arith.constant 0 : i32
      %dma_start3A_116 = arith.constant 0 : i32
      %dma_start3A_117 = tpu.memref_slice %arg3[%add3A, %dma_start3A_115, %dma_start3A_116] : memref<32x4x80xi32, #tpu.memory_space<hbm>> -> memref<1x4x80xi32, #tpu.memory_space<hbm>>
      %dma_start3A_118 = tpu.memref_squeeze %dma_start3A_117 : memref<1x4x80xi32, #tpu.memory_space<hbm>> -> memref<4x80xi32, #tpu.memory_space<hbm>>
      %dma_start3A_119 = arith.constant 0 : i32
      %dma_start3A_120 = arith.constant 0 : i32
      %dma_start3A_121 = tpu.memref_slice %arg3[%add3A, %dma_start3A_119, %dma_start3A_120] : memref<32x4x80xi32, #tpu.memory_space<hbm>> -> memref<1x4x80xi32, #tpu.memory_space<hbm>>
      %dma_start3A_122 = tpu.memref_squeeze %dma_start3A_121 : memref<1x4x80xi32, #tpu.memory_space<hbm>> -> memref<4x80xi32, #tpu.memory_space<hbm>>
      tpu.enqueue_dma source(%dma_start3A_122 : memref<4x80xi32, #tpu.memory_space<hbm>>) target(%arg5 : memref<4x80xi32, #tpu.memory_space<vmem>>) target_semaphore(%run_scoped3A_114 : memref<!tpu.dma_semaphore, #tpu.memory_space<semaphore_mem>>)
      %dma_wait3A_123 = arith.constant 0 : i32
      %dma_wait3A_124 = arith.constant 0 : i32
      %dma_wait3A_125 = tpu.memref_slice %arg3[%add3A, %dma_wait3A_123, %dma_wait3A_124] : memref<32x4x80xi32, #tpu.memory_space<hbm>> -> memref<1x4x80xi32, #tpu.memory_space<hbm>>
      %dma_wait3A_126 = tpu.memref_squeeze %dma_wait3A_125 : memref<1x4x80xi32, #tpu.memory_space<hbm>> -> memref<4x80xi32, #tpu.memory_space<hbm>>
      %dma_wait3A_127 = arith.constant 0 : i32
      %dma_wait3A_128 = arith.constant 0 : i32
      %dma_wait3A_129 = tpu.memref_slice %arg3[%add3A, %dma_wait3A_127, %dma_wait3A_128] : memref<32x4x80xi32, #tpu.memory_space<hbm>> -> memref<1x4x80xi32, #tpu.memory_space<hbm>>
      %dma_wait3A_130 = tpu.memref_squeeze %dma_wait3A_129 : memref<1x4x80xi32, #tpu.memory_space<hbm>> -> memref<4x80xi32, #tpu.memory_space<hbm>>
      tpu.wait_dma2 semaphore(%run_scoped3A_114 : memref<!tpu.dma_semaphore, #tpu.memory_space<semaphore_mem>>) src(%dma_wait3A_130 : memref<4x80xi32, #tpu.memory_space<hbm>>) dst(%arg5 : memref<4x80xi32, #tpu.memory_space<vmem>>)
      tpu.yield
    }) : () -> ()
    %dma_start3A = arith.constant 0 : i32
    %dma_start3A_1 = arith.constant 0 : i32
    %dma_start3A_2 = arith.constant 0 : i32
    %dma_start3A_3 = arith.constant 0 : i32
    %dma_start3A_4 = tpu.memref_slice %arg6[%dma_start3A_1, %dma_start3A_2, %dma_start3A_3] : memref<2x80x128xf32, #tpu.memory_space<vmem>> -> memref<1x80x128xf32, #tpu.memory_space<vmem>>
    %dma_start3A_5 = tpu.memref_squeeze %dma_start3A_4 : memref<1x80x128xf32, #tpu.memory_space<vmem>> -> memref<80x128xf32, #tpu.memory_space<vmem>>
    %dma_start3A_6 = arith.constant 0 : i32
    %dma_start3A_7 = tpu.memref_slice %arg5[%dma_start3A, %dma_start3A_6] : memref<4x80xi32, #tpu.memory_space<vmem>> -> memref<1x80xi32, #tpu.memory_space<vmem>>
    %dma_start3A_8 = tpu.memref_squeeze %dma_start3A_7 : memref<1x80xi32, #tpu.memory_space<vmem>> -> memref<80xi32, #tpu.memory_space<vmem>>
    %dma_start3A_9 = arith.constant 0 : i32
    %dma_start3A_10 = arith.constant 0 : i32
    %dma_start3A_11 = tpu.memref_slice %arg2[%dma_start3A_9, %dma_start3A_10] : memref<128x128xf32, #tpu.memory_space<hbm>> -> memref<128x128xf32, #tpu.memory_space<hbm>>
    tpu.enqueue_indirect_dma source(%dma_start3A_11 : memref<128x128xf32, #tpu.memory_space<hbm>>) target(%dma_start3A_5 : memref<80x128xf32, #tpu.memory_space<vmem>>) offsets(%dma_start3A_8 : memref<80xi32, #tpu.memory_space<vmem>>) semaphore(%arg7 : memref<!tpu.dma_semaphore, #tpu.memory_space<semaphore_mem>>)
    %dma_start3A_12 = arith.constant 1 : i32
    %dma_start3A_13 = arith.constant 1 : i32
    %dma_start3A_14 = arith.constant 0 : i32
    %dma_start3A_15 = arith.constant 0 : i32
    %dma_start3A_16 = tpu.memref_slice %arg6[%dma_start3A_13, %dma_start3A_14, %dma_start3A_15] : memref<2x80x128xf32, #tpu.memory_space<vmem>> -> memref<1x80x128xf32, #tpu.memory_space<vmem>>
    %dma_start3A_17 = tpu.memref_squeeze %dma_start3A_16 : memref<1x80x128xf32, #tpu.memory_space<vmem>> -> memref<80x128xf32, #tpu.memory_space<vmem>>
    %dma_start3A_18 = arith.constant 0 : i32
    %dma_start3A_19 = tpu.memref_slice %arg5[%dma_start3A_12, %dma_start3A_18] : memref<4x80xi32, #tpu.memory_space<vmem>> -> memref<1x80xi32, #tpu.memory_space<vmem>>
    %dma_start3A_20 = tpu.memref_squeeze %dma_start3A_19 : memref<1x80xi32, #tpu.memory_space<vmem>> -> memref<80xi32, #tpu.memory_space<vmem>>
    %dma_start3A_21 = arith.constant 0 : i32
    %dma_start3A_22 = arith.constant 0 : i32
    %dma_start3A_23 = tpu.memref_slice %arg2[%dma_start3A_21, %dma_start3A_22] : memref<128x128xf32, #tpu.memory_space<hbm>> -> memref<128x128xf32, #tpu.memory_space<hbm>>
    tpu.enqueue_indirect_dma source(%dma_start3A_23 : memref<128x128xf32, #tpu.memory_space<hbm>>) target(%dma_start3A_17 : memref<80x128xf32, #tpu.memory_space<vmem>>) offsets(%dma_start3A_20 : memref<80xi32, #tpu.memory_space<vmem>>) semaphore(%arg8 : memref<!tpu.dma_semaphore, #tpu.memory_space<semaphore_mem>>)
    %dma_wait3A = arith.constant 0 : i32
    %dma_wait3A_24 = arith.constant 0 : i32
    %dma_wait3A_25 = arith.constant 0 : i32
    %dma_wait3A_26 = arith.constant 0 : i32
    %dma_wait3A_27 = tpu.memref_slice %arg6[%dma_wait3A_24, %dma_wait3A_25, %dma_wait3A_26] : memref<2x80x128xf32, #tpu.memory_space<vmem>> -> memref<1x80x128xf32, #tpu.memory_space<vmem>>
    %dma_wait3A_28 = tpu.memref_squeeze %dma_wait3A_27 : memref<1x80x128xf32, #tpu.memory_space<vmem>> -> memref<80x128xf32, #tpu.memory_space<vmem>>
    %dma_wait3A_29 = arith.constant 0 : i32
    %dma_wait3A_30 = tpu.memref_slice %arg5[%dma_wait3A, %dma_wait3A_29] : memref<4x80xi32, #tpu.memory_space<vmem>> -> memref<1x80xi32, #tpu.memory_space<vmem>>
    %dma_wait3A_31 = tpu.memref_squeeze %dma_wait3A_30 : memref<1x80xi32, #tpu.memory_space<vmem>> -> memref<80xi32, #tpu.memory_space<vmem>>
    %dma_wait3A_32 = arith.constant 0 : i32
    %dma_wait3A_33 = arith.constant 0 : i32
    %dma_wait3A_34 = tpu.memref_slice %arg2[%dma_wait3A_32, %dma_wait3A_33] : memref<128x128xf32, #tpu.memory_space<hbm>> -> memref<128x128xf32, #tpu.memory_space<hbm>>
    tpu.wait_indirect_dma semaphore(%arg7 : memref<!tpu.dma_semaphore, #tpu.memory_space<semaphore_mem>>) src(%dma_wait3A_34 : memref<128x128xf32, #tpu.memory_space<hbm>>) dst(%dma_wait3A_28 : memref<80x128xf32, #tpu.memory_space<vmem>>)
    %mul3A_35 = arith.constant 320 : i32
    %mul3A_36 = arith.muli %add3A, %mul3A_35 : i32
    %add3A_37 = arith.constant 0 : i32
    %add3A_38 = arith.addi %mul3A_36, %add3A_37 : i32
    %run_scoped3A = arith.constant 0 : i32
    "tpu.region"() ({
      %run_scoped3A_114 = tpu.sem_alloc : memref<!tpu.dma_semaphore, #tpu.memory_space<semaphore_mem>>
      %dma_start3A_115 = arith.constant 0 : i32
      %dma_start3A_116 = arith.constant 0 : i32
      %dma_start3A_117 = tpu.memref_slice %arg6[%run_scoped3A, %dma_start3A_115, %dma_start3A_116] : memref<2x80x128xf32, #tpu.memory_space<vmem>> -> memref<1x80x128xf32, #tpu.memory_space<vmem>>
      %dma_start3A_118 = tpu.memref_squeeze %dma_start3A_117 : memref<1x80x128xf32, #tpu.memory_space<vmem>> -> memref<80x128xf32, #tpu.memory_space<vmem>>
      %dma_start3A_119 = arith.constant 0 : i32
      %dma_start3A_120 = tpu.memref_slice %arg4[%add3A_38, %dma_start3A_119] : memref<10240x128xf32, #tpu.memory_space<hbm>> -> memref<80x128xf32, #tpu.memory_space<hbm>>
      %dma_start3A_121 = arith.constant 0 : i32
      %dma_start3A_122 = tpu.memref_slice %arg4[%add3A_38, %dma_start3A_121] : memref<10240x128xf32, #tpu.memory_space<hbm>> -> memref<80x128xf32, #tpu.memory_space<hbm>>
      %dma_start3A_123 = arith.constant 0 : i32
      %dma_start3A_124 = arith.constant 0 : i32
      %dma_start3A_125 = tpu.memref_slice %arg6[%run_scoped3A, %dma_start3A_123, %dma_start3A_124] : memref<2x80x128xf32, #tpu.memory_space<vmem>> -> memref<1x80x128xf32, #tpu.memory_space<vmem>>
      %dma_start3A_126 = tpu.memref_squeeze %dma_start3A_125 : memref<1x80x128xf32, #tpu.memory_space<vmem>> -> memref<80x128xf32, #tpu.memory_space<vmem>>
      tpu.enqueue_dma source(%dma_start3A_126 : memref<80x128xf32, #tpu.memory_space<vmem>>) target(%dma_start3A_122 : memref<80x128xf32, #tpu.memory_space<hbm>>) target_semaphore(%run_scoped3A_114 : memref<!tpu.dma_semaphore, #tpu.memory_space<semaphore_mem>>)
      %dma_wait3A_127 = arith.constant 0 : i32
      %dma_wait3A_128 = arith.constant 0 : i32
      %dma_wait3A_129 = tpu.memref_slice %arg6[%run_scoped3A, %dma_wait3A_127, %dma_wait3A_128] : memref<2x80x128xf32, #tpu.memory_space<vmem>> -> memref<1x80x128xf32, #tpu.memory_space<vmem>>
      %dma_wait3A_130 = tpu.memref_squeeze %dma_wait3A_129 : memref<1x80x128xf32, #tpu.memory_space<vmem>> -> memref<80x128xf32, #tpu.memory_space<vmem>>
      %dma_wait3A_131 = arith.constant 0 : i32
      %dma_wait3A_132 = tpu.memref_slice %arg4[%add3A_38, %dma_wait3A_131] : memref<10240x128xf32, #tpu.memory_space<hbm>> -> memref<80x128xf32, #tpu.memory_space<hbm>>
      %dma_wait3A_133 = arith.constant 0 : i32
      %dma_wait3A_134 = tpu.memref_slice %arg4[%add3A_38, %dma_wait3A_133] : memref<10240x128xf32, #tpu.memory_space<hbm>> -> memref<80x128xf32, #tpu.memory_space<hbm>>
      %dma_wait3A_135 = arith.constant 0 : i32
      %dma_wait3A_136 = arith.constant 0 : i32
      %dma_wait3A_137 = tpu.memref_slice %arg6[%run_scoped3A, %dma_wait3A_135, %dma_wait3A_136] : memref<2x80x128xf32, #tpu.memory_space<vmem>> -> memref<1x80x128xf32, #tpu.memory_space<vmem>>
      %dma_wait3A_138 = tpu.memref_squeeze %dma_wait3A_137 : memref<1x80x128xf32, #tpu.memory_space<vmem>> -> memref<80x128xf32, #tpu.memory_space<vmem>>
      tpu.wait_dma2 semaphore(%run_scoped3A_114 : memref<!tpu.dma_semaphore, #tpu.memory_space<semaphore_mem>>) src(%dma_wait3A_138 : memref<80x128xf32, #tpu.memory_space<vmem>>) dst(%dma_wait3A_134 : memref<80x128xf32, #tpu.memory_space<hbm>>)
      tpu.yield
    }) : () -> ()
    %dma_start3A_39 = arith.constant 2 : i32
    %dma_start3A_40 = arith.constant 0 : i32
    %dma_start3A_41 = arith.constant 0 : i32
    %dma_start3A_42 = arith.constant 0 : i32
    %dma_start3A_43 = tpu.memref_slice %arg6[%dma_start3A_40, %dma_start3A_41, %dma_start3A_42] : memref<2x80x128xf32, #tpu.memory_space<vmem>> -> memref<1x80x128xf32, #tpu.memory_space<vmem>>
    %dma_start3A_44 = tpu.memref_squeeze %dma_start3A_43 : memref<1x80x128xf32, #tpu.memory_space<vmem>> -> memref<80x128xf32, #tpu.memory_space<vmem>>
    %dma_start3A_45 = arith.constant 0 : i32
    %dma_start3A_46 = tpu.memref_slice %arg5[%dma_start3A_39, %dma_start3A_45] : memref<4x80xi32, #tpu.memory_space<vmem>> -> memref<1x80xi32, #tpu.memory_space<vmem>>
    %dma_start3A_47 = tpu.memref_squeeze %dma_start3A_46 : memref<1x80xi32, #tpu.memory_space<vmem>> -> memref<80xi32, #tpu.memory_space<vmem>>
    %dma_start3A_48 = arith.constant 0 : i32
    %dma_start3A_49 = arith.constant 0 : i32
    %dma_start3A_50 = tpu.memref_slice %arg2[%dma_start3A_48, %dma_start3A_49] : memref<128x128xf32, #tpu.memory_space<hbm>> -> memref<128x128xf32, #tpu.memory_space<hbm>>
    tpu.enqueue_indirect_dma source(%dma_start3A_50 : memref<128x128xf32, #tpu.memory_space<hbm>>) target(%dma_start3A_44 : memref<80x128xf32, #tpu.memory_space<vmem>>) offsets(%dma_start3A_47 : memref<80xi32, #tpu.memory_space<vmem>>) semaphore(%arg7 : memref<!tpu.dma_semaphore, #tpu.memory_space<semaphore_mem>>)
    %dma_wait3A_51 = arith.constant 1 : i32
    %dma_wait3A_52 = arith.constant 1 : i32
    %dma_wait3A_53 = arith.constant 0 : i32
    %dma_wait3A_54 = arith.constant 0 : i32
    %dma_wait3A_55 = tpu.memref_slice %arg6[%dma_wait3A_52, %dma_wait3A_53, %dma_wait3A_54] : memref<2x80x128xf32, #tpu.memory_space<vmem>> -> memref<1x80x128xf32, #tpu.memory_space<vmem>>
    %dma_wait3A_56 = tpu.memref_squeeze %dma_wait3A_55 : memref<1x80x128xf32, #tpu.memory_space<vmem>> -> memref<80x128xf32, #tpu.memory_space<vmem>>
    %dma_wait3A_57 = arith.constant 0 : i32
    %dma_wait3A_58 = tpu.memref_slice %arg5[%dma_wait3A_51, %dma_wait3A_57] : memref<4x80xi32, #tpu.memory_space<vmem>> -> memref<1x80xi32, #tpu.memory_space<vmem>>
    %dma_wait3A_59 = tpu.memref_squeeze %dma_wait3A_58 : memref<1x80xi32, #tpu.memory_space<vmem>> -> memref<80xi32, #tpu.memory_space<vmem>>
    %dma_wait3A_60 = arith.constant 0 : i32
    %dma_wait3A_61 = arith.constant 0 : i32
    %dma_wait3A_62 = tpu.memref_slice %arg2[%dma_wait3A_60, %dma_wait3A_61] : memref<128x128xf32, #tpu.memory_space<hbm>> -> memref<128x128xf32, #tpu.memory_space<hbm>>
    tpu.wait_indirect_dma semaphore(%arg8 : memref<!tpu.dma_semaphore, #tpu.memory_space<semaphore_mem>>) src(%dma_wait3A_62 : memref<128x128xf32, #tpu.memory_space<hbm>>) dst(%dma_wait3A_56 : memref<80x128xf32, #tpu.memory_space<vmem>>)
    %mul3A_63 = arith.constant 320 : i32
    %mul3A_64 = arith.muli %add3A, %mul3A_63 : i32
    %add3A_65 = arith.constant 80 : i32
    %add3A_66 = arith.addi %mul3A_64, %add3A_65 : i32
    %run_scoped3A_67 = arith.constant 1 : i32
    "tpu.region"() ({
      %run_scoped3A_114 = tpu.sem_alloc : memref<!tpu.dma_semaphore, #tpu.memory_space<semaphore_mem>>
      %dma_start3A_115 = arith.constant 0 : i32
      %dma_start3A_116 = arith.constant 0 : i32
      %dma_start3A_117 = tpu.memref_slice %arg6[%run_scoped3A_67, %dma_start3A_115, %dma_start3A_116] : memref<2x80x128xf32, #tpu.memory_space<vmem>> -> memref<1x80x128xf32, #tpu.memory_space<vmem>>
      %dma_start3A_118 = tpu.memref_squeeze %dma_start3A_117 : memref<1x80x128xf32, #tpu.memory_space<vmem>> -> memref<80x128xf32, #tpu.memory_space<vmem>>
      %dma_start3A_119 = arith.constant 0 : i32
      %dma_start3A_120 = tpu.memref_slice %arg4[%add3A_66, %dma_start3A_119] : memref<10240x128xf32, #tpu.memory_space<hbm>> -> memref<80x128xf32, #tpu.memory_space<hbm>>
      %dma_start3A_121 = arith.constant 0 : i32
      %dma_start3A_122 = tpu.memref_slice %arg4[%add3A_66, %dma_start3A_121] : memref<10240x128xf32, #tpu.memory_space<hbm>> -> memref<80x128xf32, #tpu.memory_space<hbm>>
      %dma_start3A_123 = arith.constant 0 : i32
      %dma_start3A_124 = arith.constant 0 : i32
      %dma_start3A_125 = tpu.memref_slice %arg6[%run_scoped3A_67, %dma_start3A_123, %dma_start3A_124] : memref<2x80x128xf32, #tpu.memory_space<vmem>> -> memref<1x80x128xf32, #tpu.memory_space<vmem>>
      %dma_start3A_126 = tpu.memref_squeeze %dma_start3A_125 : memref<1x80x128xf32, #tpu.memory_space<vmem>> -> memref<80x128xf32, #tpu.memory_space<vmem>>
      tpu.enqueue_dma source(%dma_start3A_126 : memref<80x128xf32, #tpu.memory_space<vmem>>) target(%dma_start3A_122 : memref<80x128xf32, #tpu.memory_space<hbm>>) target_semaphore(%run_scoped3A_114 : memref<!tpu.dma_semaphore, #tpu.memory_space<semaphore_mem>>)
      %dma_wait3A_127 = arith.constant 0 : i32
      %dma_wait3A_128 = arith.constant 0 : i32
      %dma_wait3A_129 = tpu.memref_slice %arg6[%run_scoped3A_67, %dma_wait3A_127, %dma_wait3A_128] : memref<2x80x128xf32, #tpu.memory_space<vmem>> -> memref<1x80x128xf32, #tpu.memory_space<vmem>>
      %dma_wait3A_130 = tpu.memref_squeeze %dma_wait3A_129 : memref<1x80x128xf32, #tpu.memory_space<vmem>> -> memref<80x128xf32, #tpu.memory_space<vmem>>
      %dma_wait3A_131 = arith.constant 0 : i32
      %dma_wait3A_132 = tpu.memref_slice %arg4[%add3A_66, %dma_wait3A_131] : memref<10240x128xf32, #tpu.memory_space<hbm>> -> memref<80x128xf32, #tpu.memory_space<hbm>>
      %dma_wait3A_133 = arith.constant 0 : i32
      %dma_wait3A_134 = tpu.memref_slice %arg4[%add3A_66, %dma_wait3A_133] : memref<10240x128xf32, #tpu.memory_space<hbm>> -> memref<80x128xf32, #tpu.memory_space<hbm>>
      %dma_wait3A_135 = arith.constant 0 : i32
      %dma_wait3A_136 = arith.constant 0 : i32
      %dma_wait3A_137 = tpu.memref_slice %arg6[%run_scoped3A_67, %dma_wait3A_135, %dma_wait3A_136] : memref<2x80x128xf32, #tpu.memory_space<vmem>> -> memref<1x80x128xf32, #tpu.memory_space<vmem>>
      %dma_wait3A_138 = tpu.memref_squeeze %dma_wait3A_137 : memref<1x80x128xf32, #tpu.memory_space<vmem>> -> memref<80x128xf32, #tpu.memory_space<vmem>>
      tpu.wait_dma2 semaphore(%run_scoped3A_114 : memref<!tpu.dma_semaphore, #tpu.memory_space<semaphore_mem>>) src(%dma_wait3A_138 : memref<80x128xf32, #tpu.memory_space<vmem>>) dst(%dma_wait3A_134 : memref<80x128xf32, #tpu.memory_space<hbm>>)
      tpu.yield
    }) : () -> ()
    %dma_start3A_68 = arith.constant 3 : i32
    %dma_start3A_69 = arith.constant 1 : i32
    %dma_start3A_70 = arith.constant 0 : i32
    %dma_start3A_71 = arith.constant 0 : i32
    %dma_start3A_72 = tpu.memref_slice %arg6[%dma_start3A_69, %dma_start3A_70, %dma_start3A_71] : memref<2x80x128xf32, #tpu.memory_space<vmem>> -> memref<1x80x128xf32, #tpu.memory_space<vmem>>
    %dma_start3A_73 = tpu.memref_squeeze %dma_start3A_72 : memref<1x80x128xf32, #tpu.memory_space<vmem>> -> memref<80x128xf32, #tpu.memory_space<vmem>>
    %dma_start3A_74 = arith.constant 0 : i32
    %dma_start3A_75 = tpu.memref_slice %arg5[%dma_start3A_68, %dma_start3A_74] : memref<4x80xi32, #tpu.memory_space<vmem>> -> memref<1x80xi32, #tpu.memory_space<vmem>>
    %dma_start3A_76 = tpu.memref_squeeze %dma_start3A_75 : memref<1x80xi32, #tpu.memory_space<vmem>> -> memref<80xi32, #tpu.memory_space<vmem>>
    %dma_start3A_77 = arith.constant 0 : i32
    %dma_start3A_78 = arith.constant 0 : i32
    %dma_start3A_79 = tpu.memref_slice %arg2[%dma_start3A_77, %dma_start3A_78] : memref<128x128xf32, #tpu.memory_space<hbm>> -> memref<128x128xf32, #tpu.memory_space<hbm>>
    tpu.enqueue_indirect_dma source(%dma_start3A_79 : memref<128x128xf32, #tpu.memory_space<hbm>>) target(%dma_start3A_73 : memref<80x128xf32, #tpu.memory_space<vmem>>) offsets(%dma_start3A_76 : memref<80xi32, #tpu.memory_space<vmem>>) semaphore(%arg8 : memref<!tpu.dma_semaphore, #tpu.memory_space<semaphore_mem>>)
    %dma_wait3A_80 = arith.constant 2 : i32
    %dma_wait3A_81 = arith.constant 0 : i32
    %dma_wait3A_82 = arith.constant 0 : i32
    %dma_wait3A_83 = arith.constant 0 : i32
    %dma_wait3A_84 = tpu.memref_slice %arg6[%dma_wait3A_81, %dma_wait3A_82, %dma_wait3A_83] : memref<2x80x128xf32, #tpu.memory_space<vmem>> -> memref<1x80x128xf32, #tpu.memory_space<vmem>>
    %dma_wait3A_85 = tpu.memref_squeeze %dma_wait3A_84 : memref<1x80x128xf32, #tpu.memory_space<vmem>> -> memref<80x128xf32, #tpu.memory_space<vmem>>
    %dma_wait3A_86 = arith.constant 0 : i32
    %dma_wait3A_87 = tpu.memref_slice %arg5[%dma_wait3A_80, %dma_wait3A_86] : memref<4x80xi32, #tpu.memory_space<vmem>> -> memref<1x80xi32, #tpu.memory_space<vmem>>
    %dma_wait3A_88 = tpu.memref_squeeze %dma_wait3A_87 : memref<1x80xi32, #tpu.memory_space<vmem>> -> memref<80xi32, #tpu.memory_space<vmem>>
    %dma_wait3A_89 = arith.constant 0 : i32
    %dma_wait3A_90 = arith.constant 0 : i32
    %dma_wait3A_91 = tpu.memref_slice %arg2[%dma_wait3A_89, %dma_wait3A_90] : memref<128x128xf32, #tpu.memory_space<hbm>> -> memref<128x128xf32, #tpu.memory_space<hbm>>
    tpu.wait_indirect_dma semaphore(%arg7 : memref<!tpu.dma_semaphore, #tpu.memory_space<semaphore_mem>>) src(%dma_wait3A_91 : memref<128x128xf32, #tpu.memory_space<hbm>>) dst(%dma_wait3A_85 : memref<80x128xf32, #tpu.memory_space<vmem>>)
    %mul3A_92 = arith.constant 320 : i32
    %mul3A_93 = arith.muli %add3A, %mul3A_92 : i32
    %add3A_94 = arith.constant 160 : i32
    %add3A_95 = arith.addi %mul3A_93, %add3A_94 : i32
    %run_scoped3A_96 = arith.constant 0 : i32
    "tpu.region"() ({
      %run_scoped3A_114 = tpu.sem_alloc : memref<!tpu.dma_semaphore, #tpu.memory_space<semaphore_mem>>
      %dma_start3A_115 = arith.constant 0 : i32
      %dma_start3A_116 = arith.constant 0 : i32
      %dma_start3A_117 = tpu.memref_slice %arg6[%run_scoped3A_96, %dma_start3A_115, %dma_start3A_116] : memref<2x80x128xf32, #tpu.memory_space<vmem>> -> memref<1x80x128xf32, #tpu.memory_space<vmem>>
      %dma_start3A_118 = tpu.memref_squeeze %dma_start3A_117 : memref<1x80x128xf32, #tpu.memory_space<vmem>> -> memref<80x128xf32, #tpu.memory_space<vmem>>
      %dma_start3A_119 = arith.constant 0 : i32
      %dma_start3A_120 = tpu.memref_slice %arg4[%add3A_95, %dma_start3A_119] : memref<10240x128xf32, #tpu.memory_space<hbm>> -> memref<80x128xf32, #tpu.memory_space<hbm>>
      %dma_start3A_121 = arith.constant 0 : i32
      %dma_start3A_122 = tpu.memref_slice %arg4[%add3A_95, %dma_start3A_121] : memref<10240x128xf32, #tpu.memory_space<hbm>> -> memref<80x128xf32, #tpu.memory_space<hbm>>
      %dma_start3A_123 = arith.constant 0 : i32
      %dma_start3A_124 = arith.constant 0 : i32
      %dma_start3A_125 = tpu.memref_slice %arg6[%run_scoped3A_96, %dma_start3A_123, %dma_start3A_124] : memref<2x80x128xf32, #tpu.memory_space<vmem>> -> memref<1x80x128xf32, #tpu.memory_space<vmem>>
      %dma_start3A_126 = tpu.memref_squeeze %dma_start3A_125 : memref<1x80x128xf32, #tpu.memory_space<vmem>> -> memref<80x128xf32, #tpu.memory_space<vmem>>
      tpu.enqueue_dma source(%dma_start3A_126 : memref<80x128xf32, #tpu.memory_space<vmem>>) target(%dma_start3A_122 : memref<80x128xf32, #tpu.memory_space<hbm>>) target_semaphore(%run_scoped3A_114 : memref<!tpu.dma_semaphore, #tpu.memory_space<semaphore_mem>>)
      %dma_wait3A_127 = arith.constant 0 : i32
      %dma_wait3A_128 = arith.constant 0 : i32
      %dma_wait3A_129 = tpu.memref_slice %arg6[%run_scoped3A_96, %dma_wait3A_127, %dma_wait3A_128] : memref<2x80x128xf32, #tpu.memory_space<vmem>> -> memref<1x80x128xf32, #tpu.memory_space<vmem>>
      %dma_wait3A_130 = tpu.memref_squeeze %dma_wait3A_129 : memref<1x80x128xf32, #tpu.memory_space<vmem>> -> memref<80x128xf32, #tpu.memory_space<vmem>>
      %dma_wait3A_131 = arith.constant 0 : i32
      %dma_wait3A_132 = tpu.memref_slice %arg4[%add3A_95, %dma_wait3A_131] : memref<10240x128xf32, #tpu.memory_space<hbm>> -> memref<80x128xf32, #tpu.memory_space<hbm>>
      %dma_wait3A_133 = arith.constant 0 : i32
      %dma_wait3A_134 = tpu.memref_slice %arg4[%add3A_95, %dma_wait3A_133] : memref<10240x128xf32, #tpu.memory_space<hbm>> -> memref<80x128xf32, #tpu.memory_space<hbm>>
      %dma_wait3A_135 = arith.constant 0 : i32
      %dma_wait3A_136 = arith.constant 0 : i32
      %dma_wait3A_137 = tpu.memref_slice %arg6[%run_scoped3A_96, %dma_wait3A_135, %dma_wait3A_136] : memref<2x80x128xf32, #tpu.memory_space<vmem>> -> memref<1x80x128xf32, #tpu.memory_space<vmem>>
      %dma_wait3A_138 = tpu.memref_squeeze %dma_wait3A_137 : memref<1x80x128xf32, #tpu.memory_space<vmem>> -> memref<80x128xf32, #tpu.memory_space<vmem>>
      tpu.wait_dma2 semaphore(%run_scoped3A_114 : memref<!tpu.dma_semaphore, #tpu.memory_space<semaphore_mem>>) src(%dma_wait3A_138 : memref<80x128xf32, #tpu.memory_space<vmem>>) dst(%dma_wait3A_134 : memref<80x128xf32, #tpu.memory_space<hbm>>)
      tpu.yield
    }) : () -> ()
    %dma_wait3A_97 = arith.constant 3 : i32
    %dma_wait3A_98 = arith.constant 1 : i32
    %dma_wait3A_99 = arith.constant 0 : i32
    %dma_wait3A_100 = arith.constant 0 : i32
    %dma_wait3A_101 = tpu.memref_slice %arg6[%dma_wait3A_98, %dma_wait3A_99, %dma_wait3A_100] : memref<2x80x128xf32, #tpu.memory_space<vmem>> -> memref<1x80x128xf32, #tpu.memory_space<vmem>>
    %dma_wait3A_102 = tpu.memref_squeeze %dma_wait3A_101 : memref<1x80x128xf32, #tpu.memory_space<vmem>> -> memref<80x128xf32, #tpu.memory_space<vmem>>
    %dma_wait3A_103 = arith.constant 0 : i32
    %dma_wait3A_104 = tpu.memref_slice %arg5[%dma_wait3A_97, %dma_wait3A_103] : memref<4x80xi32, #tpu.memory_space<vmem>> -> memref<1x80xi32, #tpu.memory_space<vmem>>
    %dma_wait3A_105 = tpu.memref_squeeze %dma_wait3A_104 : memref<1x80xi32, #tpu.memory_space<vmem>> -> memref<80xi32, #tpu.memory_space<vmem>>
    %dma_wait3A_106 = arith.constant 0 : i32
    %dma_wait3A_107 = arith.constant 0 : i32
    %dma_wait3A_108 = tpu.memref_slice %arg2[%dma_wait3A_106, %dma_wait3A_107] : memref<128x128xf32, #tpu.memory_space<hbm>> -> memref<128x128xf32, #tpu.memory_space<hbm>>
    tpu.wait_indirect_dma semaphore(%arg8 : memref<!tpu.dma_semaphore, #tpu.memory_space<semaphore_mem>>) src(%dma_wait3A_108 : memref<128x128xf32, #tpu.memory_space<hbm>>) dst(%dma_wait3A_102 : memref<80x128xf32, #tpu.memory_space<vmem>>)
    %mul3A_109 = arith.constant 320 : i32
    %mul3A_110 = arith.muli %add3A, %mul3A_109 : i32
    %add3A_111 = arith.constant 240 : i32
    %add3A_112 = arith.addi %mul3A_110, %add3A_111 : i32
    %run_scoped3A_113 = arith.constant 1 : i32
    "tpu.region"() ({
      %run_scoped3A_114 = tpu.sem_alloc : memref<!tpu.dma_semaphore, #tpu.memory_space<semaphore_mem>>
      %dma_start3A_115 = arith.constant 0 : i32
      %dma_start3A_116 = arith.constant 0 : i32
      %dma_start3A_117 = tpu.memref_slice %arg6[%run_scoped3A_113, %dma_start3A_115, %dma_start3A_116] : memref<2x80x128xf32, #tpu.memory_space<vmem>> -> memref<1x80x128xf32, #tpu.memory_space<vmem>>
      %dma_start3A_118 = tpu.memref_squeeze %dma_start3A_117 : memref<1x80x128xf32, #tpu.memory_space<vmem>> -> memref<80x128xf32, #tpu.memory_space<vmem>>
      %dma_start3A_119 = arith.constant 0 : i32
      %dma_start3A_120 = tpu.memref_slice %arg4[%add3A_112, %dma_start3A_119] : memref<10240x128xf32, #tpu.memory_space<hbm>> -> memref<80x128xf32, #tpu.memory_space<hbm>>
      %dma_start3A_121 = arith.constant 0 : i32
      %dma_start3A_122 = tpu.memref_slice %arg4[%add3A_112, %dma_start3A_121] : memref<10240x128xf32, #tpu.memory_space<hbm>> -> memref<80x128xf32, #tpu.memory_space<hbm>>
      %dma_start3A_123 = arith.constant 0 : i32
      %dma_start3A_124 = arith.constant 0 : i32
      %dma_start3A_125 = tpu.memref_slice %arg6[%run_scoped3A_113, %dma_start3A_123, %dma_start3A_124] : memref<2x80x128xf32, #tpu.memory_space<vmem>> -> memref<1x80x128xf32, #tpu.memory_space<vmem>>
      %dma_start3A_126 = tpu.memref_squeeze %dma_start3A_125 : memref<1x80x128xf32, #tpu.memory_space<vmem>> -> memref<80x128xf32, #tpu.memory_space<vmem>>
      tpu.enqueue_dma source(%dma_start3A_126 : memref<80x128xf32, #tpu.memory_space<vmem>>) target(%dma_start3A_122 : memref<80x128xf32, #tpu.memory_space<hbm>>) target_semaphore(%run_scoped3A_114 : memref<!tpu.dma_semaphore, #tpu.memory_space<semaphore_mem>>)
      %dma_wait3A_127 = arith.constant 0 : i32
      %dma_wait3A_128 = arith.constant 0 : i32
      %dma_wait3A_129 = tpu.memref_slice %arg6[%run_scoped3A_113, %dma_wait3A_127, %dma_wait3A_128] : memref<2x80x128xf32, #tpu.memory_space<vmem>> -> memref<1x80x128xf32, #tpu.memory_space<vmem>>
      %dma_wait3A_130 = tpu.memref_squeeze %dma_wait3A_129 : memref<1x80x128xf32, #tpu.memory_space<vmem>> -> memref<80x128xf32, #tpu.memory_space<vmem>>
      %dma_wait3A_131 = arith.constant 0 : i32
      %dma_wait3A_132 = tpu.memref_slice %arg4[%add3A_112, %dma_wait3A_131] : memref<10240x128xf32, #tpu.memory_space<hbm>> -> memref<80x128xf32, #tpu.memory_space<hbm>>
      %dma_wait3A_133 = arith.constant 0 : i32
      %dma_wait3A_134 = tpu.memref_slice %arg4[%add3A_112, %dma_wait3A_133] : memref<10240x128xf32, #tpu.memory_space<hbm>> -> memref<80x128xf32, #tpu.memory_space<hbm>>
      %dma_wait3A_135 = arith.constant 0 : i32
      %dma_wait3A_136 = arith.constant 0 : i32
      %dma_wait3A_137 = tpu.memref_slice %arg6[%run_scoped3A_113, %dma_wait3A_135, %dma_wait3A_136] : memref<2x80x128xf32, #tpu.memory_space<vmem>> -> memref<1x80x128xf32, #tpu.memory_space<vmem>>
      %dma_wait3A_138 = tpu.memref_squeeze %dma_wait3A_137 : memref<1x80x128xf32, #tpu.memory_space<vmem>> -> memref<80x128xf32, #tpu.memory_space<vmem>>
      tpu.wait_dma2 semaphore(%run_scoped3A_114 : memref<!tpu.dma_semaphore, #tpu.memory_space<semaphore_mem>>) src(%dma_wait3A_138 : memref<80x128xf32, #tpu.memory_space<vmem>>) dst(%dma_wait3A_134 : memref<80x128xf32, #tpu.memory_space<hbm>>)
      tpu.yield
    }) : () -> ()
    return
  }
}

#map = affine_map<(d0, d1) -> (0, 0)>
#map1 = affine_map<(d0, d1) -> (0, 0, 0)>
module attributes {stable_mosaic.version = 14 : i64} {
  func.func @_segsum_sc(%arg0: i32, %arg1: i32, %arg2: memref<10240x128xf32, #tpu.memory_space<hbm>>, %arg3: memref<32x160x64xi32, #tpu.memory_space<hbm>>, %arg4: memref<32x160x64xi32, #tpu.memory_space<hbm>>, %arg5: memref<640x128xf32, #tpu.memory_space<hbm>>, %arg6: memref<20480x128xf32, #tpu.memory_space<hbm>>, %arg7: memref<80x64xi32, #tpu.memory_space<vmem>>, %arg8: memref<80x64xi32, #tpu.memory_space<vmem>>, %arg9: memref<3x64x128xf32, #tpu.memory_space<vmem>>, %arg10: memref<10240x128xf32, #tpu.memory_space<vmem_shared>>, %arg11: memref<!tpu.dma_semaphore, #tpu.memory_space<semaphore_mem>>, %arg12: memref<!tpu.dma_semaphore, #tpu.memory_space<semaphore_mem>>, %arg13: memref<!tpu.dma_semaphore, #tpu.memory_space<semaphore_mem>>, %arg14: memref<!tpu.dma_semaphore, #tpu.memory_space<semaphore_mem>>, %arg15: memref<!tpu.dma_semaphore, #tpu.memory_space<semaphore_mem>>, %arg16: memref<!tpu.dma_semaphore, #tpu.memory_space<semaphore_mem>>) attributes {dimension_semantics = [#tpu.dimension_semantics<core_parallel>, #tpu.dimension_semantics<subcore_parallel>], iteration_bounds = array<i64: 2, 16>, scalar_prefetch = 0 : i64, scratch_operands = 10 : i64, tpu.core_type = #tpu.core_type<sc_vector_subcore>, window_params = [{transform_indices = #map}, {transform_indices = #map1}, {transform_indices = #map1}, {transform_indices = #map}, {transform_indices = #map}]} {
    %mul3A = arith.constant 2 : i32
    %mul3A_0 = arith.muli %arg1, %mul3A : i32
    %add3A = arith.addi %mul3A_0, %arg0 : i32
    %mul3A_1 = arith.constant 640 : i32
    %mul3A_2 = arith.muli %arg1, %mul3A_1 : i32
    "tpu.region"() ({
      %run_scoped3A = tpu.sem_alloc : memref<!tpu.dma_semaphore, #tpu.memory_space<semaphore_mem>>
      %dma_start3A_234 = arith.constant 0 : i32
      %dma_start3A_235 = tpu.memref_slice %arg10[%mul3A_2, %dma_start3A_234] : memref<10240x128xf32, #tpu.memory_space<vmem_shared>> -> memref<640x128xf32, #tpu.memory_space<vmem_shared>>
      tpu.enqueue_dma source(%arg5 : memref<640x128xf32, #tpu.memory_space<hbm>>) target(%dma_start3A_235 : memref<640x128xf32, #tpu.memory_space<vmem_shared>>) target_semaphore(%run_scoped3A : memref<!tpu.dma_semaphore, #tpu.memory_space<semaphore_mem>>)
      %dma_wait3A_236 = arith.constant 0 : i32
      %dma_wait3A_237 = tpu.memref_slice %arg10[%mul3A_2, %dma_wait3A_236] : memref<10240x128xf32, #tpu.memory_space<vmem_shared>> -> memref<640x128xf32, #tpu.memory_space<vmem_shared>>
      tpu.wait_dma2 semaphore(%run_scoped3A : memref<!tpu.dma_semaphore, #tpu.memory_space<semaphore_mem>>) src(%arg5 : memref<640x128xf32, #tpu.memory_space<hbm>>) dst(%dma_wait3A_237 : memref<640x128xf32, #tpu.memory_space<vmem_shared>>)
      tpu.yield
    }) : () -> ()
    %barrier3A = arith.constant 0 : index
    tpu.barrier barrier_id(%barrier3A)
    "tpu.region"() ({
      %run_scoped3A = tpu.sem_alloc : memref<!tpu.dma_semaphore, #tpu.memory_space<semaphore_mem>>
      %dma_start3A_234 = arith.constant 0 : i32
      %dma_start3A_235 = arith.constant 0 : i32
      %dma_start3A_236 = tpu.memref_slice %arg3[%add3A, %dma_start3A_234, %dma_start3A_235] : memref<32x160x64xi32, #tpu.memory_space<hbm>> -> memref<1x80x64xi32, #tpu.memory_space<hbm>>
      %dma_start3A_237 = tpu.memref_squeeze %dma_start3A_236 : memref<1x80x64xi32, #tpu.memory_space<hbm>> -> memref<80x64xi32, #tpu.memory_space<hbm>>
      %dma_start3A_238 = arith.constant 0 : i32
      %dma_start3A_239 = arith.constant 0 : i32
      %dma_start3A_240 = tpu.memref_slice %arg3[%add3A, %dma_start3A_238, %dma_start3A_239] : memref<32x160x64xi32, #tpu.memory_space<hbm>> -> memref<1x80x64xi32, #tpu.memory_space<hbm>>
      %dma_start3A_241 = tpu.memref_squeeze %dma_start3A_240 : memref<1x80x64xi32, #tpu.memory_space<hbm>> -> memref<80x64xi32, #tpu.memory_space<hbm>>
      tpu.enqueue_dma source(%dma_start3A_241 : memref<80x64xi32, #tpu.memory_space<hbm>>) target(%arg7 : memref<80x64xi32, #tpu.memory_space<vmem>>) target_semaphore(%run_scoped3A : memref<!tpu.dma_semaphore, #tpu.memory_space<semaphore_mem>>)
      %dma_wait3A_242 = arith.constant 0 : i32
      %dma_wait3A_243 = arith.constant 0 : i32
      %dma_wait3A_244 = tpu.memref_slice %arg3[%add3A, %dma_wait3A_242, %dma_wait3A_243] : memref<32x160x64xi32, #tpu.memory_space<hbm>> -> memref<1x80x64xi32, #tpu.memory_space<hbm>>
      %dma_wait3A_245 = tpu.memref_squeeze %dma_wait3A_244 : memref<1x80x64xi32, #tpu.memory_space<hbm>> -> memref<80x64xi32, #tpu.memory_space<hbm>>
      %dma_wait3A_246 = arith.constant 0 : i32
      %dma_wait3A_247 = arith.constant 0 : i32
      %dma_wait3A_248 = tpu.memref_slice %arg3[%add3A, %dma_wait3A_246, %dma_wait3A_247] : memref<32x160x64xi32, #tpu.memory_space<hbm>> -> memref<1x80x64xi32, #tpu.memory_space<hbm>>
      %dma_wait3A_249 = tpu.memref_squeeze %dma_wait3A_248 : memref<1x80x64xi32, #tpu.memory_space<hbm>> -> memref<80x64xi32, #tpu.memory_space<hbm>>
      tpu.wait_dma2 semaphore(%run_scoped3A : memref<!tpu.dma_semaphore, #tpu.memory_space<semaphore_mem>>) src(%dma_wait3A_249 : memref<80x64xi32, #tpu.memory_space<hbm>>) dst(%arg7 : memref<80x64xi32, #tpu.memory_space<vmem>>)
      tpu.yield
    }) : () -> ()
    "tpu.region"() ({
      %run_scoped3A = tpu.sem_alloc : memref<!tpu.dma_semaphore, #tpu.memory_space<semaphore_mem>>
      %dma_start3A_234 = arith.constant 0 : i32
      %dma_start3A_235 = arith.constant 0 : i32
      %dma_start3A_236 = tpu.memref_slice %arg4[%add3A, %dma_start3A_234, %dma_start3A_235] : memref<32x160x64xi32, #tpu.memory_space<hbm>> -> memref<1x80x64xi32, #tpu.memory_space<hbm>>
      %dma_start3A_237 = tpu.memref_squeeze %dma_start3A_236 : memref<1x80x64xi32, #tpu.memory_space<hbm>> -> memref<80x64xi32, #tpu.memory_space<hbm>>
      %dma_start3A_238 = arith.constant 0 : i32
      %dma_start3A_239 = arith.constant 0 : i32
      %dma_start3A_240 = tpu.memref_slice %arg4[%add3A, %dma_start3A_238, %dma_start3A_239] : memref<32x160x64xi32, #tpu.memory_space<hbm>> -> memref<1x80x64xi32, #tpu.memory_space<hbm>>
      %dma_start3A_241 = tpu.memref_squeeze %dma_start3A_240 : memref<1x80x64xi32, #tpu.memory_space<hbm>> -> memref<80x64xi32, #tpu.memory_space<hbm>>
      tpu.enqueue_dma source(%dma_start3A_241 : memref<80x64xi32, #tpu.memory_space<hbm>>) target(%arg8 : memref<80x64xi32, #tpu.memory_space<vmem>>) target_semaphore(%run_scoped3A : memref<!tpu.dma_semaphore, #tpu.memory_space<semaphore_mem>>)
      %dma_wait3A_242 = arith.constant 0 : i32
      %dma_wait3A_243 = arith.constant 0 : i32
      %dma_wait3A_244 = tpu.memref_slice %arg4[%add3A, %dma_wait3A_242, %dma_wait3A_243] : memref<32x160x64xi32, #tpu.memory_space<hbm>> -> memref<1x80x64xi32, #tpu.memory_space<hbm>>
      %dma_wait3A_245 = tpu.memref_squeeze %dma_wait3A_244 : memref<1x80x64xi32, #tpu.memory_space<hbm>> -> memref<80x64xi32, #tpu.memory_space<hbm>>
      %dma_wait3A_246 = arith.constant 0 : i32
      %dma_wait3A_247 = arith.constant 0 : i32
      %dma_wait3A_248 = tpu.memref_slice %arg4[%add3A, %dma_wait3A_246, %dma_wait3A_247] : memref<32x160x64xi32, #tpu.memory_space<hbm>> -> memref<1x80x64xi32, #tpu.memory_space<hbm>>
      %dma_wait3A_249 = tpu.memref_squeeze %dma_wait3A_248 : memref<1x80x64xi32, #tpu.memory_space<hbm>> -> memref<80x64xi32, #tpu.memory_space<hbm>>
      tpu.wait_dma2 semaphore(%run_scoped3A : memref<!tpu.dma_semaphore, #tpu.memory_space<semaphore_mem>>) src(%dma_wait3A_249 : memref<80x64xi32, #tpu.memory_space<hbm>>) dst(%arg8 : memref<80x64xi32, #tpu.memory_space<vmem>>)
      tpu.yield
    }) : () -> ()
    %dma_start3A = arith.constant 0 : i32
    %dma_start3A_3 = arith.constant 0 : i32
    %dma_start3A_4 = arith.constant 0 : i32
    %dma_start3A_5 = arith.constant 0 : i32
    %dma_start3A_6 = tpu.memref_slice %arg9[%dma_start3A_3, %dma_start3A_4, %dma_start3A_5] : memref<3x64x128xf32, #tpu.memory_space<vmem>> -> memref<1x64x128xf32, #tpu.memory_space<vmem>>
    %dma_start3A_7 = tpu.memref_squeeze %dma_start3A_6 : memref<1x64x128xf32, #tpu.memory_space<vmem>> -> memref<64x128xf32, #tpu.memory_space<vmem>>
    %dma_start3A_8 = arith.constant 0 : i32
    %dma_start3A_9 = tpu.memref_slice %arg7[%dma_start3A, %dma_start3A_8] : memref<80x64xi32, #tpu.memory_space<vmem>> -> memref<1x64xi32, #tpu.memory_space<vmem>>
    %dma_start3A_10 = tpu.memref_squeeze %dma_start3A_9 : memref<1x64xi32, #tpu.memory_space<vmem>> -> memref<64xi32, #tpu.memory_space<vmem>>
    %dma_start3A_11 = arith.constant 0 : i32
    %dma_start3A_12 = arith.constant 0 : i32
    %dma_start3A_13 = tpu.memref_slice %arg2[%dma_start3A_11, %dma_start3A_12] : memref<10240x128xf32, #tpu.memory_space<hbm>> -> memref<10240x128xf32, #tpu.memory_space<hbm>>
    tpu.enqueue_indirect_dma source(%dma_start3A_13 : memref<10240x128xf32, #tpu.memory_space<hbm>>) target(%dma_start3A_7 : memref<64x128xf32, #tpu.memory_space<vmem>>) offsets(%dma_start3A_10 : memref<64xi32, #tpu.memory_space<vmem>>) semaphore(%arg11 : memref<!tpu.dma_semaphore, #tpu.memory_space<semaphore_mem>>)
    %dma_start3A_14 = arith.constant 1 : i32
    %dma_start3A_15 = arith.constant 1 : i32
    %dma_start3A_16 = arith.constant 0 : i32
    %dma_start3A_17 = arith.constant 0 : i32
    %dma_start3A_18 = tpu.memref_slice %arg9[%dma_start3A_15, %dma_start3A_16, %dma_start3A_17] : memref<3x64x128xf32, #tpu.memory_space<vmem>> -> memref<1x64x128xf32, #tpu.memory_space<vmem>>
    %dma_start3A_19 = tpu.memref_squeeze %dma_start3A_18 : memref<1x64x128xf32, #tpu.memory_space<vmem>> -> memref<64x128xf32, #tpu.memory_space<vmem>>
    %dma_start3A_20 = arith.constant 0 : i32
    %dma_start3A_21 = tpu.memref_slice %arg7[%dma_start3A_14, %dma_start3A_20] : memref<80x64xi32, #tpu.memory_space<vmem>> -> memref<1x64xi32, #tpu.memory_space<vmem>>
    %dma_start3A_22 = tpu.memref_squeeze %dma_start3A_21 : memref<1x64xi32, #tpu.memory_space<vmem>> -> memref<64xi32, #tpu.memory_space<vmem>>
    %dma_start3A_23 = arith.constant 0 : i32
    %dma_start3A_24 = arith.constant 0 : i32
    %dma_start3A_25 = tpu.memref_slice %arg2[%dma_start3A_23, %dma_start3A_24] : memref<10240x128xf32, #tpu.memory_space<hbm>> -> memref<10240x128xf32, #tpu.memory_space<hbm>>
    tpu.enqueue_indirect_dma source(%dma_start3A_25 : memref<10240x128xf32, #tpu.memory_space<hbm>>) target(%dma_start3A_19 : memref<64x128xf32, #tpu.memory_space<vmem>>) offsets(%dma_start3A_22 : memref<64xi32, #tpu.memory_space<vmem>>) semaphore(%arg12 : memref<!tpu.dma_semaphore, #tpu.memory_space<semaphore_mem>>)
    %scan3A = arith.constant 0 : i32
    %scan3A_26 = arith.constant 26 : i32
    %scan3A_27 = arith.addi %scan3A, %scan3A_26 : i32
    %scan3A_28 = arith.constant 1 : i32
    scf.for %scan3A_234 = %scan3A to %scan3A_27 step %scan3A_28  : i32 {
      %mul3A_235 = arith.constant 3 : i32
      %mul3A_236 = arith.muli %mul3A_235, %scan3A_234 : i32
      %add3A_237 = arith.constant 0 : i32
      %add3A_238 = arith.addi %mul3A_236, %add3A_237 : i32
      %add3A_239 = arith.constant 2 : i32
      %add3A_240 = arith.addi %add3A_238, %add3A_239 : i32
      %lt3A = arith.constant 80 : i32
      %lt3A_241 = arith.cmpi slt, %add3A_240, %lt3A : i32
      %convert_element_type3A = arith.extui %lt3A_241 : i1 to i32
      %cond3A = arith.constant 0 : i32
      %cond3A_242 = arith.cmpi ne, %convert_element_type3A, %cond3A : i32
      scf.if %cond3A_242 {
        %ge3A = arith.constant 1 : i32
        %ge3A_331 = arith.cmpi sge, %scan3A_234, %ge3A : i32
        %convert_element_type3A_332 = arith.extui %ge3A_331 : i1 to i32
        %cond3A_333 = arith.constant 0 : i32
        %cond3A_334 = arith.cmpi ne, %convert_element_type3A_332, %cond3A_333 : i32
        scf.if %cond3A_334 {
          %dma_wait3A_348 = arith.constant 2 : i32
          %dma_wait3A_349 = arith.constant 0 : i32
          %dma_wait3A_350 = arith.constant 0 : i32
          %dma_wait3A_351 = arith.constant 0 : i32
          %dma_wait3A_352 = tpu.memref_slice %arg9[%dma_wait3A_348, %dma_wait3A_350, %dma_wait3A_351] : memref<3x64x128xf32, #tpu.memory_space<vmem>> -> memref<1x64x128xf32, #tpu.memory_space<vmem>>
          %dma_wait3A_353 = tpu.memref_squeeze %dma_wait3A_352 : memref<1x64x128xf32, #tpu.memory_space<vmem>> -> memref<64x128xf32, #tpu.memory_space<vmem>>
          %dma_wait3A_354 = arith.constant 0 : i32
          %dma_wait3A_355 = tpu.memref_slice %arg8[%dma_wait3A_349, %dma_wait3A_354] : memref<80x64xi32, #tpu.memory_space<vmem>> -> memref<1x64xi32, #tpu.memory_space<vmem>>
          %dma_wait3A_356 = tpu.memref_squeeze %dma_wait3A_355 : memref<1x64xi32, #tpu.memory_space<vmem>> -> memref<64xi32, #tpu.memory_space<vmem>>
          %dma_wait3A_357 = arith.constant 0 : i32
          %dma_wait3A_358 = arith.constant 0 : i32
          %dma_wait3A_359 = tpu.memref_slice %arg10[%dma_wait3A_357, %dma_wait3A_358] : memref<10240x128xf32, #tpu.memory_space<vmem_shared>> -> memref<10240x128xf32, #tpu.memory_space<vmem_shared>>
          tpu.wait_indirect_dma semaphore(%arg16 : memref<!tpu.dma_semaphore, #tpu.memory_space<semaphore_mem>>) src(%dma_wait3A_353 : memref<64x128xf32, #tpu.memory_space<vmem>>) dst(%dma_wait3A_359 : memref<10240x128xf32, #tpu.memory_space<vmem_shared>>)
        } else {
        }
        %add3A_335 = arith.constant 2 : i32
        %add3A_336 = arith.addi %add3A_238, %add3A_335 : i32
        %dma_start3A_337 = arith.constant 2 : i32
        %dma_start3A_338 = arith.constant 0 : i32
        %dma_start3A_339 = arith.constant 0 : i32
        %dma_start3A_340 = tpu.memref_slice %arg9[%dma_start3A_337, %dma_start3A_338, %dma_start3A_339] : memref<3x64x128xf32, #tpu.memory_space<vmem>> -> memref<1x64x128xf32, #tpu.memory_space<vmem>>
        %dma_start3A_341 = tpu.memref_squeeze %dma_start3A_340 : memref<1x64x128xf32, #tpu.memory_space<vmem>> -> memref<64x128xf32, #tpu.memory_space<vmem>>
        %dma_start3A_342 = arith.constant 0 : i32
        %dma_start3A_343 = tpu.memref_slice %arg7[%add3A_336, %dma_start3A_342] : memref<80x64xi32, #tpu.memory_space<vmem>> -> memref<1x64xi32, #tpu.memory_space<vmem>>
        %dma_start3A_344 = tpu.memref_squeeze %dma_start3A_343 : memref<1x64xi32, #tpu.memory_space<vmem>> -> memref<64xi32, #tpu.memory_space<vmem>>
        %dma_start3A_345 = arith.constant 0 : i32
        %dma_start3A_346 = arith.constant 0 : i32
        %dma_start3A_347 = tpu.memref_slice %arg2[%dma_start3A_345, %dma_start3A_346] : memref<10240x128xf32, #tpu.memory_space<hbm>> -> memref<10240x128xf32, #tpu.memory_space<hbm>>
        tpu.enqueue_indirect_dma source(%dma_start3A_347 : memref<10240x128xf32, #tpu.memory_space<hbm>>) target(%dma_start3A_341 : memref<64x128xf32, #tpu.memory_space<vmem>>) offsets(%dma_start3A_344 : memref<64xi32, #tpu.memory_space<vmem>>) semaphore(%arg13 : memref<!tpu.dma_semaphore, #tpu.memory_space<semaphore_mem>>)
      } else {
      }
      %dma_wait3A_243 = arith.constant 0 : i32
      %dma_wait3A_244 = arith.constant 0 : i32
      %dma_wait3A_245 = arith.constant 0 : i32
      %dma_wait3A_246 = tpu.memref_slice %arg9[%dma_wait3A_243, %dma_wait3A_244, %dma_wait3A_245] : memref<3x64x128xf32, #tpu.memory_space<vmem>> -> memref<1x64x128xf32, #tpu.memory_space<vmem>>
      %dma_wait3A_247 = tpu.memref_squeeze %dma_wait3A_246 : memref<1x64x128xf32, #tpu.memory_space<vmem>> -> memref<64x128xf32, #tpu.memory_space<vmem>>
      %dma_wait3A_248 = arith.constant 0 : i32
      %dma_wait3A_249 = tpu.memref_slice %arg7[%add3A_238, %dma_wait3A_248] : memref<80x64xi32, #tpu.memory_space<vmem>> -> memref<1x64xi32, #tpu.memory_space<vmem>>
      %dma_wait3A_250 = tpu.memref_squeeze %dma_wait3A_249 : memref<1x64xi32, #tpu.memory_space<vmem>> -> memref<64xi32, #tpu.memory_space<vmem>>
      %dma_wait3A_251 = arith.constant 0 : i32
      %dma_wait3A_252 = arith.constant 0 : i32
      %dma_wait3A_253 = tpu.memref_slice %arg2[%dma_wait3A_251, %dma_wait3A_252] : memref<10240x128xf32, #tpu.memory_space<hbm>> -> memref<10240x128xf32, #tpu.memory_space<hbm>>
      tpu.wait_indirect_dma semaphore(%arg11 : memref<!tpu.dma_semaphore, #tpu.memory_space<semaphore_mem>>) src(%dma_wait3A_253 : memref<10240x128xf32, #tpu.memory_space<hbm>>) dst(%dma_wait3A_247 : memref<64x128xf32, #tpu.memory_space<vmem>>)
      %dma_start3A_254 = arith.constant 0 : i32
      %dma_start3A_255 = arith.constant 0 : i32
      %dma_start3A_256 = arith.constant 0 : i32
      %dma_start3A_257 = tpu.memref_slice %arg9[%dma_start3A_254, %dma_start3A_255, %dma_start3A_256] : memref<3x64x128xf32, #tpu.memory_space<vmem>> -> memref<1x64x128xf32, #tpu.memory_space<vmem>>
      %dma_start3A_258 = tpu.memref_squeeze %dma_start3A_257 : memref<1x64x128xf32, #tpu.memory_space<vmem>> -> memref<64x128xf32, #tpu.memory_space<vmem>>
      %dma_start3A_259 = arith.constant 0 : i32
      %dma_start3A_260 = tpu.memref_slice %arg8[%add3A_238, %dma_start3A_259] : memref<80x64xi32, #tpu.memory_space<vmem>> -> memref<1x64xi32, #tpu.memory_space<vmem>>
      %dma_start3A_261 = tpu.memref_squeeze %dma_start3A_260 : memref<1x64xi32, #tpu.memory_space<vmem>> -> memref<64xi32, #tpu.memory_space<vmem>>
      %dma_start3A_262 = arith.constant 0 : i32
      %dma_start3A_263 = arith.constant 0 : i32
      %dma_start3A_264 = tpu.memref_slice %arg10[%dma_start3A_262, %dma_start3A_263] : memref<10240x128xf32, #tpu.memory_space<vmem_shared>> -> memref<10240x128xf32, #tpu.memory_space<vmem_shared>>
      tpu.enqueue_indirect_dma source(%dma_start3A_258 : memref<64x128xf32, #tpu.memory_space<vmem>>) target(%dma_start3A_264 : memref<10240x128xf32, #tpu.memory_space<vmem_shared>>) offsets(%dma_start3A_261 : memref<64xi32, #tpu.memory_space<vmem>>) semaphore(%arg14 : memref<!tpu.dma_semaphore, #tpu.memory_space<semaphore_mem>>) {add = true}
      %mul3A_265 = arith.constant 3 : i32
      %mul3A_266 = arith.muli %mul3A_265, %scan3A_234 : i32
      %add3A_267 = arith.constant 1 : i32
      %add3A_268 = arith.addi %mul3A_266, %add3A_267 : i32
      %add3A_269 = arith.constant 2 : i32
      %add3A_270 = arith.addi %add3A_268, %add3A_269 : i32
      %lt3A_271 = arith.constant 80 : i32
      %lt3A_272 = arith.cmpi slt, %add3A_270, %lt3A_271 : i32
      %convert_element_type3A_273 = arith.extui %lt3A_272 : i1 to i32
      %cond3A_274 = arith.constant 0 : i32
      %cond3A_275 = arith.cmpi ne, %convert_element_type3A_273, %cond3A_274 : i32
      scf.if %cond3A_275 {
        %dma_wait3A_331 = arith.constant 0 : i32
        %dma_wait3A_332 = arith.constant 0 : i32
        %dma_wait3A_333 = arith.constant 0 : i32
        %dma_wait3A_334 = arith.constant 0 : i32
        %dma_wait3A_335 = tpu.memref_slice %arg9[%dma_wait3A_331, %dma_wait3A_333, %dma_wait3A_334] : memref<3x64x128xf32, #tpu.memory_space<vmem>> -> memref<1x64x128xf32, #tpu.memory_space<vmem>>
        %dma_wait3A_336 = tpu.memref_squeeze %dma_wait3A_335 : memref<1x64x128xf32, #tpu.memory_space<vmem>> -> memref<64x128xf32, #tpu.memory_space<vmem>>
        %dma_wait3A_337 = arith.constant 0 : i32
        %dma_wait3A_338 = tpu.memref_slice %arg8[%dma_wait3A_332, %dma_wait3A_337] : memref<80x64xi32, #tpu.memory_space<vmem>> -> memref<1x64xi32, #tpu.memory_space<vmem>>
        %dma_wait3A_339 = tpu.memref_squeeze %dma_wait3A_338 : memref<1x64xi32, #tpu.memory_space<vmem>> -> memref<64xi32, #tpu.memory_space<vmem>>
        %dma_wait3A_340 = arith.constant 0 : i32
        %dma_wait3A_341 = arith.constant 0 : i32
        %dma_wait3A_342 = tpu.memref_slice %arg10[%dma_wait3A_340, %dma_wait3A_341] : memref<10240x128xf32, #tpu.memory_space<vmem_shared>> -> memref<10240x128xf32, #tpu.memory_space<vmem_shared>>
        tpu.wait_indirect_dma semaphore(%arg14 : memref<!tpu.dma_semaphore, #tpu.memory_space<semaphore_mem>>) src(%dma_wait3A_336 : memref<64x128xf32, #tpu.memory_space<vmem>>) dst(%dma_wait3A_342 : memref<10240x128xf32, #tpu.memory_space<vmem_shared>>)
        %add3A_343 = arith.constant 2 : i32
        %add3A_344 = arith.addi %add3A_268, %add3A_343 : i32
        %dma_start3A_345 = arith.constant 0 : i32
        %dma_start3A_346 = arith.constant 0 : i32
        %dma_start3A_347 = arith.constant 0 : i32
        %dma_start3A_348 = tpu.memref_slice %arg9[%dma_start3A_345, %dma_start3A_346, %dma_start3A_347] : memref<3x64x128xf32, #tpu.memory_space<vmem>> -> memref<1x64x128xf32, #tpu.memory_space<vmem>>
        %dma_start3A_349 = tpu.memref_squeeze %dma_start3A_348 : memref<1x64x128xf32, #tpu.memory_space<vmem>> -> memref<64x128xf32, #tpu.memory_space<vmem>>
        %dma_start3A_350 = arith.constant 0 : i32
        %dma_start3A_351 = tpu.memref_slice %arg7[%add3A_344, %dma_start3A_350] : memref<80x64xi32, #tpu.memory_space<vmem>> -> memref<1x64xi32, #tpu.memory_space<vmem>>
        %dma_start3A_352 = tpu.memref_squeeze %dma_start3A_351 : memref<1x64xi32, #tpu.memory_space<vmem>> -> memref<64xi32, #tpu.memory_space<vmem>>
        %dma_start3A_353 = arith.constant 0 : i32
        %dma_start3A_354 = arith.constant 0 : i32
        %dma_start3A_355 = tpu.memref_slice %arg2[%dma_start3A_353, %dma_start3A_354] : memref<10240x128xf32, #tpu.memory_space<hbm>> -> memref<10240x128xf32, #tpu.memory_space<hbm>>
        tpu.enqueue_indirect_dma source(%dma_start3A_355 : memref<10240x128xf32, #tpu.memory_space<hbm>>) target(%dma_start3A_349 : memref<64x128xf32, #tpu.memory_space<vmem>>) offsets(%dma_start3A_352 : memref<64xi32, #tpu.memory_space<vmem>>) semaphore(%arg11 : memref<!tpu.dma_semaphore, #tpu.memory_space<semaphore_mem>>)
      } else {
      }
      %dma_wait3A_276 = arith.constant 1 : i32
      %dma_wait3A_277 = arith.constant 0 : i32
      %dma_wait3A_278 = arith.constant 0 : i32
      %dma_wait3A_279 = tpu.memref_slice %arg9[%dma_wait3A_276, %dma_wait3A_277, %dma_wait3A_278] : memref<3x64x128xf32, #tpu.memory_space<vmem>> -> memref<1x64x128xf32, #tpu.memory_space<vmem>>
      %dma_wait3A_280 = tpu.memref_squeeze %dma_wait3A_279 : memref<1x64x128xf32, #tpu.memory_space<vmem>> -> memref<64x128xf32, #tpu.memory_space<vmem>>
      %dma_wait3A_281 = arith.constant 0 : i32
      %dma_wait3A_282 = tpu.memref_slice %arg7[%add3A_268, %dma_wait3A_281] : memref<80x64xi32, #tpu.memory_space<vmem>> -> memref<1x64xi32, #tpu.memory_space<vmem>>
      %dma_wait3A_283 = tpu.memref_squeeze %dma_wait3A_282 : memref<1x64xi32, #tpu.memory_space<vmem>> -> memref<64xi32, #tpu.memory_space<vmem>>
      %dma_wait3A_284 = arith.constant 0 : i32
      %dma_wait3A_285 = arith.constant 0 : i32
      %dma_wait3A_286 = tpu.memref_slice %arg2[%dma_wait3A_284, %dma_wait3A_285] : memref<10240x128xf32, #tpu.memory_space<hbm>> -> memref<10240x128xf32, #tpu.memory_space<hbm>>
      tpu.wait_indirect_dma semaphore(%arg12 : memref<!tpu.dma_semaphore, #tpu.memory_space<semaphore_mem>>) src(%dma_wait3A_286 : memref<10240x128xf32, #tpu.memory_space<hbm>>) dst(%dma_wait3A_280 : memref<64x128xf32, #tpu.memory_space<vmem>>)
      %dma_start3A_287 = arith.constant 1 : i32
      %dma_start3A_288 = arith.constant 0 : i32
      %dma_start3A_289 = arith.constant 0 : i32
      %dma_start3A_290 = tpu.memref_slice %arg9[%dma_start3A_287, %dma_start3A_288, %dma_start3A_289] : memref<3x64x128xf32, #tpu.memory_space<vmem>> -> memref<1x64x128xf32, #tpu.memory_space<vmem>>
      %dma_start3A_291 = tpu.memref_squeeze %dma_start3A_290 : memref<1x64x128xf32, #tpu.memory_space<vmem>> -> memref<64x128xf32, #tpu.memory_space<vmem>>
      %dma_start3A_292 = arith.constant 0 : i32
      %dma_start3A_293 = tpu.memref_slice %arg8[%add3A_268, %dma_start3A_292] : memref<80x64xi32, #tpu.memory_space<vmem>> -> memref<1x64xi32, #tpu.memory_space<vmem>>
      %dma_start3A_294 = tpu.memref_squeeze %dma_start3A_293 : memref<1x64xi32, #tpu.memory_space<vmem>> -> memref<64xi32, #tpu.memory_space<vmem>>
      %dma_start3A_295 = arith.constant 0 : i32
      %dma_start3A_296 = arith.constant 0 : i32
      %dma_start3A_297 = tpu.memref_slice %arg10[%dma_start3A_295, %dma_start3A_296] : memref<10240x128xf32, #tpu.memory_space<vmem_shared>> -> memref<10240x128xf32, #tpu.memory_space<vmem_shared>>
      tpu.enqueue_indirect_dma source(%dma_start3A_291 : memref<64x128xf32, #tpu.memory_space<vmem>>) target(%dma_start3A_297 : memref<10240x128xf32, #tpu.memory_space<vmem_shared>>) offsets(%dma_start3A_294 : memref<64xi32, #tpu.memory_space<vmem>>) semaphore(%arg15 : memref<!tpu.dma_semaphore, #tpu.memory_space<semaphore_mem>>) {add = true}
      %mul3A_298 = arith.constant 3 : i32
      %mul3A_299 = arith.muli %mul3A_298, %scan3A_234 : i32
      %add3A_300 = arith.constant 2 : i32
      %add3A_301 = arith.addi %mul3A_299, %add3A_300 : i32
      %add3A_302 = arith.constant 2 : i32
      %add3A_303 = arith.addi %add3A_301, %add3A_302 : i32
      %lt3A_304 = arith.constant 80 : i32
      %lt3A_305 = arith.cmpi slt, %add3A_303, %lt3A_304 : i32
      %convert_element_type3A_306 = arith.extui %lt3A_305 : i1 to i32
      %cond3A_307 = arith.constant 0 : i32
      %cond3A_308 = arith.cmpi ne, %convert_element_type3A_306, %cond3A_307 : i32
      scf.if %cond3A_308 {
        %dma_wait3A_331 = arith.constant 1 : i32
        %dma_wait3A_332 = arith.constant 0 : i32
        %dma_wait3A_333 = arith.constant 0 : i32
        %dma_wait3A_334 = arith.constant 0 : i32
        %dma_wait3A_335 = tpu.memref_slice %arg9[%dma_wait3A_331, %dma_wait3A_333, %dma_wait3A_334] : memref<3x64x128xf32, #tpu.memory_space<vmem>> -> memref<1x64x128xf32, #tpu.memory_space<vmem>>
        %dma_wait3A_336 = tpu.memref_squeeze %dma_wait3A_335 : memref<1x64x128xf32, #tpu.memory_space<vmem>> -> memref<64x128xf32, #tpu.memory_space<vmem>>
        %dma_wait3A_337 = arith.constant 0 : i32
        %dma_wait3A_338 = tpu.memref_slice %arg8[%dma_wait3A_332, %dma_wait3A_337] : memref<80x64xi32, #tpu.memory_space<vmem>> -> memref<1x64xi32, #tpu.memory_space<vmem>>
        %dma_wait3A_339 = tpu.memref_squeeze %dma_wait3A_338 : memref<1x64xi32, #tpu.memory_space<vmem>> -> memref<64xi32, #tpu.memory_space<vmem>>
        %dma_wait3A_340 = arith.constant 0 : i32
        %dma_wait3A_341 = arith.constant 0 : i32
        %dma_wait3A_342 = tpu.memref_slice %arg10[%dma_wait3A_340, %dma_wait3A_341] : memref<10240x128xf32, #tpu.memory_space<vmem_shared>> -> memref<10240x128xf32, #tpu.memory_space<vmem_shared>>
        tpu.wait_indirect_dma semaphore(%arg15 : memref<!tpu.dma_semaphore, #tpu.memory_space<semaphore_mem>>) src(%dma_wait3A_336 : memref<64x128xf32, #tpu.memory_space<vmem>>) dst(%dma_wait3A_342 : memref<10240x128xf32, #tpu.memory_space<vmem_shared>>)
        %add3A_343 = arith.constant 2 : i32
        %add3A_344 = arith.addi %add3A_301, %add3A_343 : i32
        %dma_start3A_345 = arith.constant 1 : i32
        %dma_start3A_346 = arith.constant 0 : i32
        %dma_start3A_347 = arith.constant 0 : i32
        %dma_start3A_348 = tpu.memref_slice %arg9[%dma_start3A_345, %dma_start3A_346, %dma_start3A_347] : memref<3x64x128xf32, #tpu.memory_space<vmem>> -> memref<1x64x128xf32, #tpu.memory_space<vmem>>
        %dma_start3A_349 = tpu.memref_squeeze %dma_start3A_348 : memref<1x64x128xf32, #tpu.memory_space<vmem>> -> memref<64x128xf32, #tpu.memory_space<vmem>>
        %dma_start3A_350 = arith.constant 0 : i32
        %dma_start3A_351 = tpu.memref_slice %arg7[%add3A_344, %dma_start3A_350] : memref<80x64xi32, #tpu.memory_space<vmem>> -> memref<1x64xi32, #tpu.memory_space<vmem>>
        %dma_start3A_352 = tpu.memref_squeeze %dma_start3A_351 : memref<1x64xi32, #tpu.memory_space<vmem>> -> memref<64xi32, #tpu.memory_space<vmem>>
        %dma_start3A_353 = arith.constant 0 : i32
        %dma_start3A_354 = arith.constant 0 : i32
        %dma_start3A_355 = tpu.memref_slice %arg2[%dma_start3A_353, %dma_start3A_354] : memref<10240x128xf32, #tpu.memory_space<hbm>> -> memref<10240x128xf32, #tpu.memory_space<hbm>>
        tpu.enqueue_indirect_dma source(%dma_start3A_355 : memref<10240x128xf32, #tpu.memory_space<hbm>>) target(%dma_start3A_349 : memref<64x128xf32, #tpu.memory_space<vmem>>) offsets(%dma_start3A_352 : memref<64xi32, #tpu.memory_space<vmem>>) semaphore(%arg12 : memref<!tpu.dma_semaphore, #tpu.memory_space<semaphore_mem>>)
      } else {
      }
      %dma_wait3A_309 = arith.constant 2 : i32
      %dma_wait3A_310 = arith.constant 0 : i32
      %dma_wait3A_311 = arith.constant 0 : i32
      %dma_wait3A_312 = tpu.memref_slice %arg9[%dma_wait3A_309, %dma_wait3A_310, %dma_wait3A_311] : memref<3x64x128xf32, #tpu.memory_space<vmem>> -> memref<1x64x128xf32, #tpu.memory_space<vmem>>
      %dma_wait3A_313 = tpu.memref_squeeze %dma_wait3A_312 : memref<1x64x128xf32, #tpu.memory_space<vmem>> -> memref<64x128xf32, #tpu.memory_space<vmem>>
      %dma_wait3A_314 = arith.constant 0 : i32
      %dma_wait3A_315 = tpu.memref_slice %arg7[%add3A_301, %dma_wait3A_314] : memref<80x64xi32, #tpu.memory_space<vmem>> -> memref<1x64xi32, #tpu.memory_space<vmem>>
      %dma_wait3A_316 = tpu.memref_squeeze %dma_wait3A_315 : memref<1x64xi32, #tpu.memory_space<vmem>> -> memref<64xi32, #tpu.memory_space<vmem>>
      %dma_wait3A_317 = arith.constant 0 : i32
      %dma_wait3A_318 = arith.constant 0 : i32
      %dma_wait3A_319 = tpu.memref_slice %arg2[%dma_wait3A_317, %dma_wait3A_318] : memref<10240x128xf32, #tpu.memory_space<hbm>> -> memref<10240x128xf32, #tpu.memory_space<hbm>>
      tpu.wait_indirect_dma semaphore(%arg13 : memref<!tpu.dma_semaphore, #tpu.memory_space<semaphore_mem>>) src(%dma_wait3A_319 : memref<10240x128xf32, #tpu.memory_space<hbm>>) dst(%dma_wait3A_313 : memref<64x128xf32, #tpu.memory_space<vmem>>)
      %dma_start3A_320 = arith.constant 2 : i32
      %dma_start3A_321 = arith.constant 0 : i32
      %dma_start3A_322 = arith.constant 0 : i32
      %dma_start3A_323 = tpu.memref_slice %arg9[%dma_start3A_320, %dma_start3A_321, %dma_start3A_322] : memref<3x64x128xf32, #tpu.memory_space<vmem>> -> memref<1x64x128xf32, #tpu.memory_space<vmem>>
      %dma_start3A_324 = tpu.memref_squeeze %dma_start3A_323 : memref<1x64x128xf32, #tpu.memory_space<vmem>> -> memref<64x128xf32, #tpu.memory_space<vmem>>
      %dma_start3A_325 = arith.constant 0 : i32
      %dma_start3A_326 = tpu.memref_slice %arg8[%add3A_301, %dma_start3A_325] : memref<80x64xi32, #tpu.memory_space<vmem>> -> memref<1x64xi32, #tpu.memory_space<vmem>>
      %dma_start3A_327 = tpu.memref_squeeze %dma_start3A_326 : memref<1x64xi32, #tpu.memory_space<vmem>> -> memref<64xi32, #tpu.memory_space<vmem>>
      %dma_start3A_328 = arith.constant 0 : i32
      %dma_start3A_329 = arith.constant 0 : i32
      %dma_start3A_330 = tpu.memref_slice %arg10[%dma_start3A_328, %dma_start3A_329] : memref<10240x128xf32, #tpu.memory_space<vmem_shared>> -> memref<10240x128xf32, #tpu.memory_space<vmem_shared>>
      tpu.enqueue_indirect_dma source(%dma_start3A_324 : memref<64x128xf32, #tpu.memory_space<vmem>>) target(%dma_start3A_330 : memref<10240x128xf32, #tpu.memory_space<vmem_shared>>) offsets(%dma_start3A_327 : memref<64xi32, #tpu.memory_space<vmem>>) semaphore(%arg16 : memref<!tpu.dma_semaphore, #tpu.memory_space<semaphore_mem>>) {add = true}
    }
    %scan3A_29 = arith.constant 26 : i32
    %dma_wait3A = arith.constant 78 : i32
    %dma_wait3A_30 = arith.constant 0 : i32
    %dma_wait3A_31 = arith.constant 0 : i32
    %dma_wait3A_32 = arith.constant 0 : i32
    %dma_wait3A_33 = tpu.memref_slice %arg9[%dma_wait3A_30, %dma_wait3A_31, %dma_wait3A_32] : memref<3x64x128xf32, #tpu.memory_space<vmem>> -> memref<1x64x128xf32, #tpu.memory_space<vmem>>
    %dma_wait3A_34 = tpu.memref_squeeze %dma_wait3A_33 : memref<1x64x128xf32, #tpu.memory_space<vmem>> -> memref<64x128xf32, #tpu.memory_space<vmem>>
    %dma_wait3A_35 = arith.constant 0 : i32
    %dma_wait3A_36 = tpu.memref_slice %arg7[%dma_wait3A, %dma_wait3A_35] : memref<80x64xi32, #tpu.memory_space<vmem>> -> memref<1x64xi32, #tpu.memory_space<vmem>>
    %dma_wait3A_37 = tpu.memref_squeeze %dma_wait3A_36 : memref<1x64xi32, #tpu.memory_space<vmem>> -> memref<64xi32, #tpu.memory_space<vmem>>
    %dma_wait3A_38 = arith.constant 0 : i32
    %dma_wait3A_39 = arith.constant 0 : i32
    %dma_wait3A_40 = tpu.memref_slice %arg2[%dma_wait3A_38, %dma_wait3A_39] : memref<10240x128xf32, #tpu.memory_space<hbm>> -> memref<10240x128xf32, #tpu.memory_space<hbm>>
    tpu.wait_indirect_dma semaphore(%arg11 : memref<!tpu.dma_semaphore, #tpu.memory_space<semaphore_mem>>) src(%dma_wait3A_40 : memref<10240x128xf32, #tpu.memory_space<hbm>>) dst(%dma_wait3A_34 : memref<64x128xf32, #tpu.memory_space<vmem>>)
    %dma_start3A_41 = arith.constant 0 : i32
    %dma_start3A_42 = arith.constant 78 : i32
    %dma_start3A_43 = arith.constant 0 : i32
    %dma_start3A_44 = arith.constant 0 : i32
    %dma_start3A_45 = tpu.memref_slice %arg9[%dma_start3A_41, %dma_start3A_43, %dma_start3A_44] : memref<3x64x128xf32, #tpu.memory_space<vmem>> -> memref<1x64x128xf32, #tpu.memory_space<vmem>>
    %dma_start3A_46 = tpu.memref_squeeze %dma_start3A_45 : memref<1x64x128xf32, #tpu.memory_space<vmem>> -> memref<64x128xf32, #tpu.memory_space<vmem>>
    %dma_start3A_47 = arith.constant 0 : i32
    %dma_start3A_48 = tpu.memref_slice %arg8[%dma_start3A_42, %dma_start3A_47] : memref<80x64xi32, #tpu.memory_space<vmem>> -> memref<1x64xi32, #tpu.memory_space<vmem>>
    %dma_start3A_49 = tpu.memref_squeeze %dma_start3A_48 : memref<1x64xi32, #tpu.memory_space<vmem>> -> memref<64xi32, #tpu.memory_space<vmem>>
    %dma_start3A_50 = arith.constant 0 : i32
    %dma_start3A_51 = arith.constant 0 : i32
    %dma_start3A_52 = tpu.memref_slice %arg10[%dma_start3A_50, %dma_start3A_51] : memref<10240x128xf32, #tpu.memory_space<vmem_shared>> -> memref<10240x128xf32, #tpu.memory_space<vmem_shared>>
    tpu.enqueue_indirect_dma source(%dma_start3A_46 : memref<64x128xf32, #tpu.memory_space<vmem>>) target(%dma_start3A_52 : memref<10240x128xf32, #tpu.memory_space<vmem_shared>>) offsets(%dma_start3A_49 : memref<64xi32, #tpu.memory_space<vmem>>) semaphore(%arg14 : memref<!tpu.dma_semaphore, #tpu.memory_space<semaphore_mem>>) {add = true}
    %dma_wait3A_53 = arith.constant 79 : i32
    %dma_wait3A_54 = arith.constant 1 : i32
    %dma_wait3A_55 = arith.constant 0 : i32
    %dma_wait3A_56 = arith.constant 0 : i32
    %dma_wait3A_57 = tpu.memref_slice %arg9[%dma_wait3A_54, %dma_wait3A_55, %dma_wait3A_56] : memref<3x64x128xf32, #tpu.memory_space<vmem>> -> memref<1x64x128xf32, #tpu.memory_space<vmem>>
    %dma_wait3A_58 = tpu.memref_squeeze %dma_wait3A_57 : memref<1x64x128xf32, #tpu.memory_space<vmem>> -> memref<64x128xf32, #tpu.memory_space<vmem>>
    %dma_wait3A_59 = arith.constant 0 : i32
    %dma_wait3A_60 = tpu.memref_slice %arg7[%dma_wait3A_53, %dma_wait3A_59] : memref<80x64xi32, #tpu.memory_space<vmem>> -> memref<1x64xi32, #tpu.memory_space<vmem>>
    %dma_wait3A_61 = tpu.memref_squeeze %dma_wait3A_60 : memref<1x64xi32, #tpu.memory_space<vmem>> -> memref<64xi32, #tpu.memory_space<vmem>>
    %dma_wait3A_62 = arith.constant 0 : i32
    %dma_wait3A_63 = arith.constant 0 : i32
    %dma_wait3A_64 = tpu.memref_slice %arg2[%dma_wait3A_62, %dma_wait3A_63] : memref<10240x128xf32, #tpu.memory_space<hbm>> -> memref<10240x128xf32, #tpu.memory_space<hbm>>
    tpu.wait_indirect_dma semaphore(%arg12 : memref<!tpu.dma_semaphore, #tpu.memory_space<semaphore_mem>>) src(%dma_wait3A_64 : memref<10240x128xf32, #tpu.memory_space<hbm>>) dst(%dma_wait3A_58 : memref<64x128xf32, #tpu.memory_space<vmem>>)
    %dma_start3A_65 = arith.constant 1 : i32
    %dma_start3A_66 = arith.constant 79 : i32
    %dma_start3A_67 = arith.constant 0 : i32
    %dma_start3A_68 = arith.constant 0 : i32
    %dma_start3A_69 = tpu.memref_slice %arg9[%dma_start3A_65, %dma_start3A_67, %dma_start3A_68] : memref<3x64x128xf32, #tpu.memory_space<vmem>> -> memref<1x64x128xf32, #tpu.memory_space<vmem>>
    %dma_start3A_70 = tpu.memref_squeeze %dma_start3A_69 : memref<1x64x128xf32, #tpu.memory_space<vmem>> -> memref<64x128xf32, #tpu.memory_space<vmem>>
    %dma_start3A_71 = arith.constant 0 : i32
    %dma_start3A_72 = tpu.memref_slice %arg8[%dma_start3A_66, %dma_start3A_71] : memref<80x64xi32, #tpu.memory_space<vmem>> -> memref<1x64xi32, #tpu.memory_space<vmem>>
    %dma_start3A_73 = tpu.memref_squeeze %dma_start3A_72 : memref<1x64xi32, #tpu.memory_space<vmem>> -> memref<64xi32, #tpu.memory_space<vmem>>
    %dma_start3A_74 = arith.constant 0 : i32
    %dma_start3A_75 = arith.constant 0 : i32
    %dma_start3A_76 = tpu.memref_slice %arg10[%dma_start3A_74, %dma_start3A_75] : memref<10240x128xf32, #tpu.memory_space<vmem_shared>> -> memref<10240x128xf32, #tpu.memory_space<vmem_shared>>
    tpu.enqueue_indirect_dma source(%dma_start3A_70 : memref<64x128xf32, #tpu.memory_space<vmem>>) target(%dma_start3A_76 : memref<10240x128xf32, #tpu.memory_space<vmem_shared>>) offsets(%dma_start3A_73 : memref<64xi32, #tpu.memory_space<vmem>>) semaphore(%arg15 : memref<!tpu.dma_semaphore, #tpu.memory_space<semaphore_mem>>) {add = true}
    %dma_wait3A_77 = arith.constant 0 : i32
    %dma_wait3A_78 = arith.constant 0 : i32
    %dma_wait3A_79 = arith.constant 0 : i32
    %dma_wait3A_80 = arith.constant 0 : i32
    %dma_wait3A_81 = tpu.memref_slice %arg9[%dma_wait3A_77, %dma_wait3A_79, %dma_wait3A_80] : memref<3x64x128xf32, #tpu.memory_space<vmem>> -> memref<1x64x128xf32, #tpu.memory_space<vmem>>
    %dma_wait3A_82 = tpu.memref_squeeze %dma_wait3A_81 : memref<1x64x128xf32, #tpu.memory_space<vmem>> -> memref<64x128xf32, #tpu.memory_space<vmem>>
    %dma_wait3A_83 = arith.constant 0 : i32
    %dma_wait3A_84 = tpu.memref_slice %arg8[%dma_wait3A_78, %dma_wait3A_83] : memref<80x64xi32, #tpu.memory_space<vmem>> -> memref<1x64xi32, #tpu.memory_space<vmem>>
    %dma_wait3A_85 = tpu.memref_squeeze %dma_wait3A_84 : memref<1x64xi32, #tpu.memory_space<vmem>> -> memref<64xi32, #tpu.memory_space<vmem>>
    %dma_wait3A_86 = arith.constant 0 : i32
    %dma_wait3A_87 = arith.constant 0 : i32
    %dma_wait3A_88 = tpu.memref_slice %arg10[%dma_wait3A_86, %dma_wait3A_87] : memref<10240x128xf32, #tpu.memory_space<vmem_shared>> -> memref<10240x128xf32, #tpu.memory_space<vmem_shared>>
    tpu.wait_indirect_dma semaphore(%arg14 : memref<!tpu.dma_semaphore, #tpu.memory_space<semaphore_mem>>) src(%dma_wait3A_82 : memref<64x128xf32, #tpu.memory_space<vmem>>) dst(%dma_wait3A_88 : memref<10240x128xf32, #tpu.memory_space<vmem_shared>>)
    %dma_wait3A_89 = arith.constant 1 : i32
    %dma_wait3A_90 = arith.constant 0 : i32
    %dma_wait3A_91 = arith.constant 0 : i32
    %dma_wait3A_92 = arith.constant 0 : i32
    %dma_wait3A_93 = tpu.memref_slice %arg9[%dma_wait3A_89, %dma_wait3A_91, %dma_wait3A_92] : memref<3x64x128xf32, #tpu.memory_space<vmem>> -> memref<1x64x128xf32, #tpu.memory_space<vmem>>
    %dma_wait3A_94 = tpu.memref_squeeze %dma_wait3A_93 : memref<1x64x128xf32, #tpu.memory_space<vmem>> -> memref<64x128xf32, #tpu.memory_space<vmem>>
    %dma_wait3A_95 = arith.constant 0 : i32
    %dma_wait3A_96 = tpu.memref_slice %arg8[%dma_wait3A_90, %dma_wait3A_95] : memref<80x64xi32, #tpu.memory_space<vmem>> -> memref<1x64xi32, #tpu.memory_space<vmem>>
    %dma_wait3A_97 = tpu.memref_squeeze %dma_wait3A_96 : memref<1x64xi32, #tpu.memory_space<vmem>> -> memref<64xi32, #tpu.memory_space<vmem>>
    %dma_wait3A_98 = arith.constant 0 : i32
    %dma_wait3A_99 = arith.constant 0 : i32
    %dma_wait3A_100 = tpu.memref_slice %arg10[%dma_wait3A_98, %dma_wait3A_99] : memref<10240x128xf32, #tpu.memory_space<vmem_shared>> -> memref<10240x128xf32, #tpu.memory_space<vmem_shared>>
    tpu.wait_indirect_dma semaphore(%arg15 : memref<!tpu.dma_semaphore, #tpu.memory_space<semaphore_mem>>) src(%dma_wait3A_94 : memref<64x128xf32, #tpu.memory_space<vmem>>) dst(%dma_wait3A_100 : memref<10240x128xf32, #tpu.memory_space<vmem_shared>>)
    %dma_wait3A_101 = arith.constant 2 : i32
    %dma_wait3A_102 = arith.constant 0 : i32
    %dma_wait3A_103 = arith.constant 0 : i32
    %dma_wait3A_104 = arith.constant 0 : i32
    %dma_wait3A_105 = tpu.memref_slice %arg9[%dma_wait3A_101, %dma_wait3A_103, %dma_wait3A_104] : memref<3x64x128xf32, #tpu.memory_space<vmem>> -> memref<1x64x128xf32, #tpu.memory_space<vmem>>
    %dma_wait3A_106 = tpu.memref_squeeze %dma_wait3A_105 : memref<1x64x128xf32, #tpu.memory_space<vmem>> -> memref<64x128xf32, #tpu.memory_space<vmem>>
    %dma_wait3A_107 = arith.constant 0 : i32
    %dma_wait3A_108 = tpu.memref_slice %arg8[%dma_wait3A_102, %dma_wait3A_107] : memref<80x64xi32, #tpu.memory_space<vmem>> -> memref<1x64xi32, #tpu.memory_space<vmem>>
    %dma_wait3A_109 = tpu.memref_squeeze %dma_wait3A_108 : memref<1x64xi32, #tpu.memory_space<vmem>> -> memref<64xi32, #tpu.memory_space<vmem>>
    %dma_wait3A_110 = arith.constant 0 : i32
    %dma_wait3A_111 = arith.constant 0 : i32
    %dma_wait3A_112 = tpu.memref_slice %arg10[%dma_wait3A_110, %dma_wait3A_111] : memref<10240x128xf32, #tpu.memory_space<vmem_shared>> -> memref<10240x128xf32, #tpu.memory_space<vmem_shared>>
    tpu.wait_indirect_dma semaphore(%arg16 : memref<!tpu.dma_semaphore, #tpu.memory_space<semaphore_mem>>) src(%dma_wait3A_106 : memref<64x128xf32, #tpu.memory_space<vmem>>) dst(%dma_wait3A_112 : memref<10240x128xf32, #tpu.memory_space<vmem_shared>>)
    "tpu.region"() ({
      %run_scoped3A = tpu.sem_alloc : memref<!tpu.dma_semaphore, #tpu.memory_space<semaphore_mem>>
      %dma_start3A_234 = arith.constant 80 : i32
      %dma_start3A_235 = arith.constant 0 : i32
      %dma_start3A_236 = tpu.memref_slice %arg3[%add3A, %dma_start3A_234, %dma_start3A_235] : memref<32x160x64xi32, #tpu.memory_space<hbm>> -> memref<1x80x64xi32, #tpu.memory_space<hbm>>
      %dma_start3A_237 = tpu.memref_squeeze %dma_start3A_236 : memref<1x80x64xi32, #tpu.memory_space<hbm>> -> memref<80x64xi32, #tpu.memory_space<hbm>>
      %dma_start3A_238 = arith.constant 80 : i32
      %dma_start3A_239 = arith.constant 0 : i32
      %dma_start3A_240 = tpu.memref_slice %arg3[%add3A, %dma_start3A_238, %dma_start3A_239] : memref<32x160x64xi32, #tpu.memory_space<hbm>> -> memref<1x80x64xi32, #tpu.memory_space<hbm>>
      %dma_start3A_241 = tpu.memref_squeeze %dma_start3A_240 : memref<1x80x64xi32, #tpu.memory_space<hbm>> -> memref<80x64xi32, #tpu.memory_space<hbm>>
      tpu.enqueue_dma source(%dma_start3A_241 : memref<80x64xi32, #tpu.memory_space<hbm>>) target(%arg7 : memref<80x64xi32, #tpu.memory_space<vmem>>) target_semaphore(%run_scoped3A : memref<!tpu.dma_semaphore, #tpu.memory_space<semaphore_mem>>)
      %dma_wait3A_242 = arith.constant 80 : i32
      %dma_wait3A_243 = arith.constant 0 : i32
      %dma_wait3A_244 = tpu.memref_slice %arg3[%add3A, %dma_wait3A_242, %dma_wait3A_243] : memref<32x160x64xi32, #tpu.memory_space<hbm>> -> memref<1x80x64xi32, #tpu.memory_space<hbm>>
      %dma_wait3A_245 = tpu.memref_squeeze %dma_wait3A_244 : memref<1x80x64xi32, #tpu.memory_space<hbm>> -> memref<80x64xi32, #tpu.memory_space<hbm>>
      %dma_wait3A_246 = arith.constant 80 : i32
      %dma_wait3A_247 = arith.constant 0 : i32
      %dma_wait3A_248 = tpu.memref_slice %arg3[%add3A, %dma_wait3A_246, %dma_wait3A_247] : memref<32x160x64xi32, #tpu.memory_space<hbm>> -> memref<1x80x64xi32, #tpu.memory_space<hbm>>
      %dma_wait3A_249 = tpu.memref_squeeze %dma_wait3A_248 : memref<1x80x64xi32, #tpu.memory_space<hbm>> -> memref<80x64xi32, #tpu.memory_space<hbm>>
      tpu.wait_dma2 semaphore(%run_scoped3A : memref<!tpu.dma_semaphore, #tpu.memory_space<semaphore_mem>>) src(%dma_wait3A_249 : memref<80x64xi32, #tpu.memory_space<hbm>>) dst(%arg7 : memref<80x64xi32, #tpu.memory_space<vmem>>)
      tpu.yield
    }) : () -> ()
    "tpu.region"() ({
      %run_scoped3A = tpu.sem_alloc : memref<!tpu.dma_semaphore, #tpu.memory_space<semaphore_mem>>
      %dma_start3A_234 = arith.constant 80 : i32
      %dma_start3A_235 = arith.constant 0 : i32
      %dma_start3A_236 = tpu.memref_slice %arg4[%add3A, %dma_start3A_234, %dma_start3A_235] : memref<32x160x64xi32, #tpu.memory_space<hbm>> -> memref<1x80x64xi32, #tpu.memory_space<hbm>>
      %dma_start3A_237 = tpu.memref_squeeze %dma_start3A_236 : memref<1x80x64xi32, #tpu.memory_space<hbm>> -> memref<80x64xi32, #tpu.memory_space<hbm>>
      %dma_start3A_238 = arith.constant 80 : i32
      %dma_start3A_239 = arith.constant 0 : i32
      %dma_start3A_240 = tpu.memref_slice %arg4[%add3A, %dma_start3A_238, %dma_start3A_239] : memref<32x160x64xi32, #tpu.memory_space<hbm>> -> memref<1x80x64xi32, #tpu.memory_space<hbm>>
      %dma_start3A_241 = tpu.memref_squeeze %dma_start3A_240 : memref<1x80x64xi32, #tpu.memory_space<hbm>> -> memref<80x64xi32, #tpu.memory_space<hbm>>
      tpu.enqueue_dma source(%dma_start3A_241 : memref<80x64xi32, #tpu.memory_space<hbm>>) target(%arg8 : memref<80x64xi32, #tpu.memory_space<vmem>>) target_semaphore(%run_scoped3A : memref<!tpu.dma_semaphore, #tpu.memory_space<semaphore_mem>>)
      %dma_wait3A_242 = arith.constant 80 : i32
      %dma_wait3A_243 = arith.constant 0 : i32
      %dma_wait3A_244 = tpu.memref_slice %arg4[%add3A, %dma_wait3A_242, %dma_wait3A_243] : memref<32x160x64xi32, #tpu.memory_space<hbm>> -> memref<1x80x64xi32, #tpu.memory_space<hbm>>
      %dma_wait3A_245 = tpu.memref_squeeze %dma_wait3A_244 : memref<1x80x64xi32, #tpu.memory_space<hbm>> -> memref<80x64xi32, #tpu.memory_space<hbm>>
      %dma_wait3A_246 = arith.constant 80 : i32
      %dma_wait3A_247 = arith.constant 0 : i32
      %dma_wait3A_248 = tpu.memref_slice %arg4[%add3A, %dma_wait3A_246, %dma_wait3A_247] : memref<32x160x64xi32, #tpu.memory_space<hbm>> -> memref<1x80x64xi32, #tpu.memory_space<hbm>>
      %dma_wait3A_249 = tpu.memref_squeeze %dma_wait3A_248 : memref<1x80x64xi32, #tpu.memory_space<hbm>> -> memref<80x64xi32, #tpu.memory_space<hbm>>
      tpu.wait_dma2 semaphore(%run_scoped3A : memref<!tpu.dma_semaphore, #tpu.memory_space<semaphore_mem>>) src(%dma_wait3A_249 : memref<80x64xi32, #tpu.memory_space<hbm>>) dst(%arg8 : memref<80x64xi32, #tpu.memory_space<vmem>>)
      tpu.yield
    }) : () -> ()
    %dma_start3A_113 = arith.constant 0 : i32
    %dma_start3A_114 = arith.constant 0 : i32
    %dma_start3A_115 = arith.constant 0 : i32
    %dma_start3A_116 = arith.constant 0 : i32
    %dma_start3A_117 = tpu.memref_slice %arg9[%dma_start3A_114, %dma_start3A_115, %dma_start3A_116] : memref<3x64x128xf32, #tpu.memory_space<vmem>> -> memref<1x64x128xf32, #tpu.memory_space<vmem>>
    %dma_start3A_118 = tpu.memref_squeeze %dma_start3A_117 : memref<1x64x128xf32, #tpu.memory_space<vmem>> -> memref<64x128xf32, #tpu.memory_space<vmem>>
    %dma_start3A_119 = arith.constant 0 : i32
    %dma_start3A_120 = tpu.memref_slice %arg7[%dma_start3A_113, %dma_start3A_119] : memref<80x64xi32, #tpu.memory_space<vmem>> -> memref<1x64xi32, #tpu.memory_space<vmem>>
    %dma_start3A_121 = tpu.memref_squeeze %dma_start3A_120 : memref<1x64xi32, #tpu.memory_space<vmem>> -> memref<64xi32, #tpu.memory_space<vmem>>
    %dma_start3A_122 = arith.constant 0 : i32
    %dma_start3A_123 = arith.constant 0 : i32
    %dma_start3A_124 = tpu.memref_slice %arg2[%dma_start3A_122, %dma_start3A_123] : memref<10240x128xf32, #tpu.memory_space<hbm>> -> memref<10240x128xf32, #tpu.memory_space<hbm>>
    tpu.enqueue_indirect_dma source(%dma_start3A_124 : memref<10240x128xf32, #tpu.memory_space<hbm>>) target(%dma_start3A_118 : memref<64x128xf32, #tpu.memory_space<vmem>>) offsets(%dma_start3A_121 : memref<64xi32, #tpu.memory_space<vmem>>) semaphore(%arg11 : memref<!tpu.dma_semaphore, #tpu.memory_space<semaphore_mem>>)
    %dma_start3A_125 = arith.constant 1 : i32
    %dma_start3A_126 = arith.constant 1 : i32
    %dma_start3A_127 = arith.constant 0 : i32
    %dma_start3A_128 = arith.constant 0 : i32
    %dma_start3A_129 = tpu.memref_slice %arg9[%dma_start3A_126, %dma_start3A_127, %dma_start3A_128] : memref<3x64x128xf32, #tpu.memory_space<vmem>> -> memref<1x64x128xf32, #tpu.memory_space<vmem>>
    %dma_start3A_130 = tpu.memref_squeeze %dma_start3A_129 : memref<1x64x128xf32, #tpu.memory_space<vmem>> -> memref<64x128xf32, #tpu.memory_space<vmem>>
    %dma_start3A_131 = arith.constant 0 : i32
    %dma_start3A_132 = tpu.memref_slice %arg7[%dma_start3A_125, %dma_start3A_131] : memref<80x64xi32, #tpu.memory_space<vmem>> -> memref<1x64xi32, #tpu.memory_space<vmem>>
    %dma_start3A_133 = tpu.memref_squeeze %dma_start3A_132 : memref<1x64xi32, #tpu.memory_space<vmem>> -> memref<64xi32, #tpu.memory_space<vmem>>
    %dma_start3A_134 = arith.constant 0 : i32
    %dma_start3A_135 = arith.constant 0 : i32
    %dma_start3A_136 = tpu.memref_slice %arg2[%dma_start3A_134, %dma_start3A_135] : memref<10240x128xf32, #tpu.memory_space<hbm>> -> memref<10240x128xf32, #tpu.memory_space<hbm>>
    tpu.enqueue_indirect_dma source(%dma_start3A_136 : memref<10240x128xf32, #tpu.memory_space<hbm>>) target(%dma_start3A_130 : memref<64x128xf32, #tpu.memory_space<vmem>>) offsets(%dma_start3A_133 : memref<64xi32, #tpu.memory_space<vmem>>) semaphore(%arg12 : memref<!tpu.dma_semaphore, #tpu.memory_space<semaphore_mem>>)
    %scan3A_137 = arith.constant 0 : i32
    %scan3A_138 = arith.constant 26 : i32
    %scan3A_139 = arith.addi %scan3A_137, %scan3A_138 : i32
    %scan3A_140 = arith.constant 1 : i32
    scf.for %scan3A_234 = %scan3A_137 to %scan3A_139 step %scan3A_140  : i32 {
      %mul3A_235 = arith.constant 3 : i32
      %mul3A_236 = arith.muli %mul3A_235, %scan3A_234 : i32
      %add3A_237 = arith.constant 0 : i32
      %add3A_238 = arith.addi %mul3A_236, %add3A_237 : i32
      %add3A_239 = arith.constant 2 : i32
      %add3A_240 = arith.addi %add3A_238, %add3A_239 : i32
      %lt3A = arith.constant 80 : i32
      %lt3A_241 = arith.cmpi slt, %add3A_240, %lt3A : i32
      %convert_element_type3A = arith.extui %lt3A_241 : i1 to i32
      %cond3A = arith.constant 0 : i32
      %cond3A_242 = arith.cmpi ne, %convert_element_type3A, %cond3A : i32
      scf.if %cond3A_242 {
        %ge3A = arith.constant 1 : i32
        %ge3A_331 = arith.cmpi sge, %scan3A_234, %ge3A : i32
        %convert_element_type3A_332 = arith.extui %ge3A_331 : i1 to i32
        %cond3A_333 = arith.constant 0 : i32
        %cond3A_334 = arith.cmpi ne, %convert_element_type3A_332, %cond3A_333 : i32
        scf.if %cond3A_334 {
          %dma_wait3A_348 = arith.constant 2 : i32
          %dma_wait3A_349 = arith.constant 0 : i32
          %dma_wait3A_350 = arith.constant 0 : i32
          %dma_wait3A_351 = arith.constant 0 : i32
          %dma_wait3A_352 = tpu.memref_slice %arg9[%dma_wait3A_348, %dma_wait3A_350, %dma_wait3A_351] : memref<3x64x128xf32, #tpu.memory_space<vmem>> -> memref<1x64x128xf32, #tpu.memory_space<vmem>>
          %dma_wait3A_353 = tpu.memref_squeeze %dma_wait3A_352 : memref<1x64x128xf32, #tpu.memory_space<vmem>> -> memref<64x128xf32, #tpu.memory_space<vmem>>
          %dma_wait3A_354 = arith.constant 0 : i32
          %dma_wait3A_355 = tpu.memref_slice %arg8[%dma_wait3A_349, %dma_wait3A_354] : memref<80x64xi32, #tpu.memory_space<vmem>> -> memref<1x64xi32, #tpu.memory_space<vmem>>
          %dma_wait3A_356 = tpu.memref_squeeze %dma_wait3A_355 : memref<1x64xi32, #tpu.memory_space<vmem>> -> memref<64xi32, #tpu.memory_space<vmem>>
          %dma_wait3A_357 = arith.constant 0 : i32
          %dma_wait3A_358 = arith.constant 0 : i32
          %dma_wait3A_359 = tpu.memref_slice %arg10[%dma_wait3A_357, %dma_wait3A_358] : memref<10240x128xf32, #tpu.memory_space<vmem_shared>> -> memref<10240x128xf32, #tpu.memory_space<vmem_shared>>
          tpu.wait_indirect_dma semaphore(%arg16 : memref<!tpu.dma_semaphore, #tpu.memory_space<semaphore_mem>>) src(%dma_wait3A_353 : memref<64x128xf32, #tpu.memory_space<vmem>>) dst(%dma_wait3A_359 : memref<10240x128xf32, #tpu.memory_space<vmem_shared>>)
        } else {
        }
        %add3A_335 = arith.constant 2 : i32
        %add3A_336 = arith.addi %add3A_238, %add3A_335 : i32
        %dma_start3A_337 = arith.constant 2 : i32
        %dma_start3A_338 = arith.constant 0 : i32
        %dma_start3A_339 = arith.constant 0 : i32
        %dma_start3A_340 = tpu.memref_slice %arg9[%dma_start3A_337, %dma_start3A_338, %dma_start3A_339] : memref<3x64x128xf32, #tpu.memory_space<vmem>> -> memref<1x64x128xf32, #tpu.memory_space<vmem>>
        %dma_start3A_341 = tpu.memref_squeeze %dma_start3A_340 : memref<1x64x128xf32, #tpu.memory_space<vmem>> -> memref<64x128xf32, #tpu.memory_space<vmem>>
        %dma_start3A_342 = arith.constant 0 : i32
        %dma_start3A_343 = tpu.memref_slice %arg7[%add3A_336, %dma_start3A_342] : memref<80x64xi32, #tpu.memory_space<vmem>> -> memref<1x64xi32, #tpu.memory_space<vmem>>
        %dma_start3A_344 = tpu.memref_squeeze %dma_start3A_343 : memref<1x64xi32, #tpu.memory_space<vmem>> -> memref<64xi32, #tpu.memory_space<vmem>>
        %dma_start3A_345 = arith.constant 0 : i32
        %dma_start3A_346 = arith.constant 0 : i32
        %dma_start3A_347 = tpu.memref_slice %arg2[%dma_start3A_345, %dma_start3A_346] : memref<10240x128xf32, #tpu.memory_space<hbm>> -> memref<10240x128xf32, #tpu.memory_space<hbm>>
        tpu.enqueue_indirect_dma source(%dma_start3A_347 : memref<10240x128xf32, #tpu.memory_space<hbm>>) target(%dma_start3A_341 : memref<64x128xf32, #tpu.memory_space<vmem>>) offsets(%dma_start3A_344 : memref<64xi32, #tpu.memory_space<vmem>>) semaphore(%arg13 : memref<!tpu.dma_semaphore, #tpu.memory_space<semaphore_mem>>)
      } else {
      }
      %dma_wait3A_243 = arith.constant 0 : i32
      %dma_wait3A_244 = arith.constant 0 : i32
      %dma_wait3A_245 = arith.constant 0 : i32
      %dma_wait3A_246 = tpu.memref_slice %arg9[%dma_wait3A_243, %dma_wait3A_244, %dma_wait3A_245] : memref<3x64x128xf32, #tpu.memory_space<vmem>> -> memref<1x64x128xf32, #tpu.memory_space<vmem>>
      %dma_wait3A_247 = tpu.memref_squeeze %dma_wait3A_246 : memref<1x64x128xf32, #tpu.memory_space<vmem>> -> memref<64x128xf32, #tpu.memory_space<vmem>>
      %dma_wait3A_248 = arith.constant 0 : i32
      %dma_wait3A_249 = tpu.memref_slice %arg7[%add3A_238, %dma_wait3A_248] : memref<80x64xi32, #tpu.memory_space<vmem>> -> memref<1x64xi32, #tpu.memory_space<vmem>>
      %dma_wait3A_250 = tpu.memref_squeeze %dma_wait3A_249 : memref<1x64xi32, #tpu.memory_space<vmem>> -> memref<64xi32, #tpu.memory_space<vmem>>
      %dma_wait3A_251 = arith.constant 0 : i32
      %dma_wait3A_252 = arith.constant 0 : i32
      %dma_wait3A_253 = tpu.memref_slice %arg2[%dma_wait3A_251, %dma_wait3A_252] : memref<10240x128xf32, #tpu.memory_space<hbm>> -> memref<10240x128xf32, #tpu.memory_space<hbm>>
      tpu.wait_indirect_dma semaphore(%arg11 : memref<!tpu.dma_semaphore, #tpu.memory_space<semaphore_mem>>) src(%dma_wait3A_253 : memref<10240x128xf32, #tpu.memory_space<hbm>>) dst(%dma_wait3A_247 : memref<64x128xf32, #tpu.memory_space<vmem>>)
      %dma_start3A_254 = arith.constant 0 : i32
      %dma_start3A_255 = arith.constant 0 : i32
      %dma_start3A_256 = arith.constant 0 : i32
      %dma_start3A_257 = tpu.memref_slice %arg9[%dma_start3A_254, %dma_start3A_255, %dma_start3A_256] : memref<3x64x128xf32, #tpu.memory_space<vmem>> -> memref<1x64x128xf32, #tpu.memory_space<vmem>>
      %dma_start3A_258 = tpu.memref_squeeze %dma_start3A_257 : memref<1x64x128xf32, #tpu.memory_space<vmem>> -> memref<64x128xf32, #tpu.memory_space<vmem>>
      %dma_start3A_259 = arith.constant 0 : i32
      %dma_start3A_260 = tpu.memref_slice %arg8[%add3A_238, %dma_start3A_259] : memref<80x64xi32, #tpu.memory_space<vmem>> -> memref<1x64xi32, #tpu.memory_space<vmem>>
      %dma_start3A_261 = tpu.memref_squeeze %dma_start3A_260 : memref<1x64xi32, #tpu.memory_space<vmem>> -> memref<64xi32, #tpu.memory_space<vmem>>
      %dma_start3A_262 = arith.constant 0 : i32
      %dma_start3A_263 = arith.constant 0 : i32
      %dma_start3A_264 = tpu.memref_slice %arg10[%dma_start3A_262, %dma_start3A_263] : memref<10240x128xf32, #tpu.memory_space<vmem_shared>> -> memref<10240x128xf32, #tpu.memory_space<vmem_shared>>
      tpu.enqueue_indirect_dma source(%dma_start3A_258 : memref<64x128xf32, #tpu.memory_space<vmem>>) target(%dma_start3A_264 : memref<10240x128xf32, #tpu.memory_space<vmem_shared>>) offsets(%dma_start3A_261 : memref<64xi32, #tpu.memory_space<vmem>>) semaphore(%arg14 : memref<!tpu.dma_semaphore, #tpu.memory_space<semaphore_mem>>) {add = true}
      %mul3A_265 = arith.constant 3 : i32
      %mul3A_266 = arith.muli %mul3A_265, %scan3A_234 : i32
      %add3A_267 = arith.constant 1 : i32
      %add3A_268 = arith.addi %mul3A_266, %add3A_267 : i32
      %add3A_269 = arith.constant 2 : i32
      %add3A_270 = arith.addi %add3A_268, %add3A_269 : i32
      %lt3A_271 = arith.constant 80 : i32
      %lt3A_272 = arith.cmpi slt, %add3A_270, %lt3A_271 : i32
      %convert_element_type3A_273 = arith.extui %lt3A_272 : i1 to i32
      %cond3A_274 = arith.constant 0 : i32
      %cond3A_275 = arith.cmpi ne, %convert_element_type3A_273, %cond3A_274 : i32
      scf.if %cond3A_275 {
        %dma_wait3A_331 = arith.constant 0 : i32
        %dma_wait3A_332 = arith.constant 0 : i32
        %dma_wait3A_333 = arith.constant 0 : i32
        %dma_wait3A_334 = arith.constant 0 : i32
        %dma_wait3A_335 = tpu.memref_slice %arg9[%dma_wait3A_331, %dma_wait3A_333, %dma_wait3A_334] : memref<3x64x128xf32, #tpu.memory_space<vmem>> -> memref<1x64x128xf32, #tpu.memory_space<vmem>>
        %dma_wait3A_336 = tpu.memref_squeeze %dma_wait3A_335 : memref<1x64x128xf32, #tpu.memory_space<vmem>> -> memref<64x128xf32, #tpu.memory_space<vmem>>
        %dma_wait3A_337 = arith.constant 0 : i32
        %dma_wait3A_338 = tpu.memref_slice %arg8[%dma_wait3A_332, %dma_wait3A_337] : memref<80x64xi32, #tpu.memory_space<vmem>> -> memref<1x64xi32, #tpu.memory_space<vmem>>
        %dma_wait3A_339 = tpu.memref_squeeze %dma_wait3A_338 : memref<1x64xi32, #tpu.memory_space<vmem>> -> memref<64xi32, #tpu.memory_space<vmem>>
        %dma_wait3A_340 = arith.constant 0 : i32
        %dma_wait3A_341 = arith.constant 0 : i32
        %dma_wait3A_342 = tpu.memref_slice %arg10[%dma_wait3A_340, %dma_wait3A_341] : memref<10240x128xf32, #tpu.memory_space<vmem_shared>> -> memref<10240x128xf32, #tpu.memory_space<vmem_shared>>
        tpu.wait_indirect_dma semaphore(%arg14 : memref<!tpu.dma_semaphore, #tpu.memory_space<semaphore_mem>>) src(%dma_wait3A_336 : memref<64x128xf32, #tpu.memory_space<vmem>>) dst(%dma_wait3A_342 : memref<10240x128xf32, #tpu.memory_space<vmem_shared>>)
        %add3A_343 = arith.constant 2 : i32
        %add3A_344 = arith.addi %add3A_268, %add3A_343 : i32
        %dma_start3A_345 = arith.constant 0 : i32
        %dma_start3A_346 = arith.constant 0 : i32
        %dma_start3A_347 = arith.constant 0 : i32
        %dma_start3A_348 = tpu.memref_slice %arg9[%dma_start3A_345, %dma_start3A_346, %dma_start3A_347] : memref<3x64x128xf32, #tpu.memory_space<vmem>> -> memref<1x64x128xf32, #tpu.memory_space<vmem>>
        %dma_start3A_349 = tpu.memref_squeeze %dma_start3A_348 : memref<1x64x128xf32, #tpu.memory_space<vmem>> -> memref<64x128xf32, #tpu.memory_space<vmem>>
        %dma_start3A_350 = arith.constant 0 : i32
        %dma_start3A_351 = tpu.memref_slice %arg7[%add3A_344, %dma_start3A_350] : memref<80x64xi32, #tpu.memory_space<vmem>> -> memref<1x64xi32, #tpu.memory_space<vmem>>
        %dma_start3A_352 = tpu.memref_squeeze %dma_start3A_351 : memref<1x64xi32, #tpu.memory_space<vmem>> -> memref<64xi32, #tpu.memory_space<vmem>>
        %dma_start3A_353 = arith.constant 0 : i32
        %dma_start3A_354 = arith.constant 0 : i32
        %dma_start3A_355 = tpu.memref_slice %arg2[%dma_start3A_353, %dma_start3A_354] : memref<10240x128xf32, #tpu.memory_space<hbm>> -> memref<10240x128xf32, #tpu.memory_space<hbm>>
        tpu.enqueue_indirect_dma source(%dma_start3A_355 : memref<10240x128xf32, #tpu.memory_space<hbm>>) target(%dma_start3A_349 : memref<64x128xf32, #tpu.memory_space<vmem>>) offsets(%dma_start3A_352 : memref<64xi32, #tpu.memory_space<vmem>>) semaphore(%arg11 : memref<!tpu.dma_semaphore, #tpu.memory_space<semaphore_mem>>)
      } else {
      }
      %dma_wait3A_276 = arith.constant 1 : i32
      %dma_wait3A_277 = arith.constant 0 : i32
      %dma_wait3A_278 = arith.constant 0 : i32
      %dma_wait3A_279 = tpu.memref_slice %arg9[%dma_wait3A_276, %dma_wait3A_277, %dma_wait3A_278] : memref<3x64x128xf32, #tpu.memory_space<vmem>> -> memref<1x64x128xf32, #tpu.memory_space<vmem>>
      %dma_wait3A_280 = tpu.memref_squeeze %dma_wait3A_279 : memref<1x64x128xf32, #tpu.memory_space<vmem>> -> memref<64x128xf32, #tpu.memory_space<vmem>>
      %dma_wait3A_281 = arith.constant 0 : i32
      %dma_wait3A_282 = tpu.memref_slice %arg7[%add3A_268, %dma_wait3A_281] : memref<80x64xi32, #tpu.memory_space<vmem>> -> memref<1x64xi32, #tpu.memory_space<vmem>>
      %dma_wait3A_283 = tpu.memref_squeeze %dma_wait3A_282 : memref<1x64xi32, #tpu.memory_space<vmem>> -> memref<64xi32, #tpu.memory_space<vmem>>
      %dma_wait3A_284 = arith.constant 0 : i32
      %dma_wait3A_285 = arith.constant 0 : i32
      %dma_wait3A_286 = tpu.memref_slice %arg2[%dma_wait3A_284, %dma_wait3A_285] : memref<10240x128xf32, #tpu.memory_space<hbm>> -> memref<10240x128xf32, #tpu.memory_space<hbm>>
      tpu.wait_indirect_dma semaphore(%arg12 : memref<!tpu.dma_semaphore, #tpu.memory_space<semaphore_mem>>) src(%dma_wait3A_286 : memref<10240x128xf32, #tpu.memory_space<hbm>>) dst(%dma_wait3A_280 : memref<64x128xf32, #tpu.memory_space<vmem>>)
      %dma_start3A_287 = arith.constant 1 : i32
      %dma_start3A_288 = arith.constant 0 : i32
      %dma_start3A_289 = arith.constant 0 : i32
      %dma_start3A_290 = tpu.memref_slice %arg9[%dma_start3A_287, %dma_start3A_288, %dma_start3A_289] : memref<3x64x128xf32, #tpu.memory_space<vmem>> -> memref<1x64x128xf32, #tpu.memory_space<vmem>>
      %dma_start3A_291 = tpu.memref_squeeze %dma_start3A_290 : memref<1x64x128xf32, #tpu.memory_space<vmem>> -> memref<64x128xf32, #tpu.memory_space<vmem>>
      %dma_start3A_292 = arith.constant 0 : i32
      %dma_start3A_293 = tpu.memref_slice %arg8[%add3A_268, %dma_start3A_292] : memref<80x64xi32, #tpu.memory_space<vmem>> -> memref<1x64xi32, #tpu.memory_space<vmem>>
      %dma_start3A_294 = tpu.memref_squeeze %dma_start3A_293 : memref<1x64xi32, #tpu.memory_space<vmem>> -> memref<64xi32, #tpu.memory_space<vmem>>
      %dma_start3A_295 = arith.constant 0 : i32
      %dma_start3A_296 = arith.constant 0 : i32
      %dma_start3A_297 = tpu.memref_slice %arg10[%dma_start3A_295, %dma_start3A_296] : memref<10240x128xf32, #tpu.memory_space<vmem_shared>> -> memref<10240x128xf32, #tpu.memory_space<vmem_shared>>
      tpu.enqueue_indirect_dma source(%dma_start3A_291 : memref<64x128xf32, #tpu.memory_space<vmem>>) target(%dma_start3A_297 : memref<10240x128xf32, #tpu.memory_space<vmem_shared>>) offsets(%dma_start3A_294 : memref<64xi32, #tpu.memory_space<vmem>>) semaphore(%arg15 : memref<!tpu.dma_semaphore, #tpu.memory_space<semaphore_mem>>) {add = true}
      %mul3A_298 = arith.constant 3 : i32
      %mul3A_299 = arith.muli %mul3A_298, %scan3A_234 : i32
      %add3A_300 = arith.constant 2 : i32
      %add3A_301 = arith.addi %mul3A_299, %add3A_300 : i32
      %add3A_302 = arith.constant 2 : i32
      %add3A_303 = arith.addi %add3A_301, %add3A_302 : i32
      %lt3A_304 = arith.constant 80 : i32
      %lt3A_305 = arith.cmpi slt, %add3A_303, %lt3A_304 : i32
      %convert_element_type3A_306 = arith.extui %lt3A_305 : i1 to i32
      %cond3A_307 = arith.constant 0 : i32
      %cond3A_308 = arith.cmpi ne, %convert_element_type3A_306, %cond3A_307 : i32
      scf.if %cond3A_308 {
        %dma_wait3A_331 = arith.constant 1 : i32
        %dma_wait3A_332 = arith.constant 0 : i32
        %dma_wait3A_333 = arith.constant 0 : i32
        %dma_wait3A_334 = arith.constant 0 : i32
        %dma_wait3A_335 = tpu.memref_slice %arg9[%dma_wait3A_331, %dma_wait3A_333, %dma_wait3A_334] : memref<3x64x128xf32, #tpu.memory_space<vmem>> -> memref<1x64x128xf32, #tpu.memory_space<vmem>>
        %dma_wait3A_336 = tpu.memref_squeeze %dma_wait3A_335 : memref<1x64x128xf32, #tpu.memory_space<vmem>> -> memref<64x128xf32, #tpu.memory_space<vmem>>
        %dma_wait3A_337 = arith.constant 0 : i32
        %dma_wait3A_338 = tpu.memref_slice %arg8[%dma_wait3A_332, %dma_wait3A_337] : memref<80x64xi32, #tpu.memory_space<vmem>> -> memref<1x64xi32, #tpu.memory_space<vmem>>
        %dma_wait3A_339 = tpu.memref_squeeze %dma_wait3A_338 : memref<1x64xi32, #tpu.memory_space<vmem>> -> memref<64xi32, #tpu.memory_space<vmem>>
        %dma_wait3A_340 = arith.constant 0 : i32
        %dma_wait3A_341 = arith.constant 0 : i32
        %dma_wait3A_342 = tpu.memref_slice %arg10[%dma_wait3A_340, %dma_wait3A_341] : memref<10240x128xf32, #tpu.memory_space<vmem_shared>> -> memref<10240x128xf32, #tpu.memory_space<vmem_shared>>
        tpu.wait_indirect_dma semaphore(%arg15 : memref<!tpu.dma_semaphore, #tpu.memory_space<semaphore_mem>>) src(%dma_wait3A_336 : memref<64x128xf32, #tpu.memory_space<vmem>>) dst(%dma_wait3A_342 : memref<10240x128xf32, #tpu.memory_space<vmem_shared>>)
        %add3A_343 = arith.constant 2 : i32
        %add3A_344 = arith.addi %add3A_301, %add3A_343 : i32
        %dma_start3A_345 = arith.constant 1 : i32
        %dma_start3A_346 = arith.constant 0 : i32
        %dma_start3A_347 = arith.constant 0 : i32
        %dma_start3A_348 = tpu.memref_slice %arg9[%dma_start3A_345, %dma_start3A_346, %dma_start3A_347] : memref<3x64x128xf32, #tpu.memory_space<vmem>> -> memref<1x64x128xf32, #tpu.memory_space<vmem>>
        %dma_start3A_349 = tpu.memref_squeeze %dma_start3A_348 : memref<1x64x128xf32, #tpu.memory_space<vmem>> -> memref<64x128xf32, #tpu.memory_space<vmem>>
        %dma_start3A_350 = arith.constant 0 : i32
        %dma_start3A_351 = tpu.memref_slice %arg7[%add3A_344, %dma_start3A_350] : memref<80x64xi32, #tpu.memory_space<vmem>> -> memref<1x64xi32, #tpu.memory_space<vmem>>
        %dma_start3A_352 = tpu.memref_squeeze %dma_start3A_351 : memref<1x64xi32, #tpu.memory_space<vmem>> -> memref<64xi32, #tpu.memory_space<vmem>>
        %dma_start3A_353 = arith.constant 0 : i32
        %dma_start3A_354 = arith.constant 0 : i32
        %dma_start3A_355 = tpu.memref_slice %arg2[%dma_start3A_353, %dma_start3A_354] : memref<10240x128xf32, #tpu.memory_space<hbm>> -> memref<10240x128xf32, #tpu.memory_space<hbm>>
        tpu.enqueue_indirect_dma source(%dma_start3A_355 : memref<10240x128xf32, #tpu.memory_space<hbm>>) target(%dma_start3A_349 : memref<64x128xf32, #tpu.memory_space<vmem>>) offsets(%dma_start3A_352 : memref<64xi32, #tpu.memory_space<vmem>>) semaphore(%arg12 : memref<!tpu.dma_semaphore, #tpu.memory_space<semaphore_mem>>)
      } else {
      }
      %dma_wait3A_309 = arith.constant 2 : i32
      %dma_wait3A_310 = arith.constant 0 : i32
      %dma_wait3A_311 = arith.constant 0 : i32
      %dma_wait3A_312 = tpu.memref_slice %arg9[%dma_wait3A_309, %dma_wait3A_310, %dma_wait3A_311] : memref<3x64x128xf32, #tpu.memory_space<vmem>> -> memref<1x64x128xf32, #tpu.memory_space<vmem>>
      %dma_wait3A_313 = tpu.memref_squeeze %dma_wait3A_312 : memref<1x64x128xf32, #tpu.memory_space<vmem>> -> memref<64x128xf32, #tpu.memory_space<vmem>>
      %dma_wait3A_314 = arith.constant 0 : i32
      %dma_wait3A_315 = tpu.memref_slice %arg7[%add3A_301, %dma_wait3A_314] : memref<80x64xi32, #tpu.memory_space<vmem>> -> memref<1x64xi32, #tpu.memory_space<vmem>>
      %dma_wait3A_316 = tpu.memref_squeeze %dma_wait3A_315 : memref<1x64xi32, #tpu.memory_space<vmem>> -> memref<64xi32, #tpu.memory_space<vmem>>
      %dma_wait3A_317 = arith.constant 0 : i32
      %dma_wait3A_318 = arith.constant 0 : i32
      %dma_wait3A_319 = tpu.memref_slice %arg2[%dma_wait3A_317, %dma_wait3A_318] : memref<10240x128xf32, #tpu.memory_space<hbm>> -> memref<10240x128xf32, #tpu.memory_space<hbm>>
      tpu.wait_indirect_dma semaphore(%arg13 : memref<!tpu.dma_semaphore, #tpu.memory_space<semaphore_mem>>) src(%dma_wait3A_319 : memref<10240x128xf32, #tpu.memory_space<hbm>>) dst(%dma_wait3A_313 : memref<64x128xf32, #tpu.memory_space<vmem>>)
      %dma_start3A_320 = arith.constant 2 : i32
      %dma_start3A_321 = arith.constant 0 : i32
      %dma_start3A_322 = arith.constant 0 : i32
      %dma_start3A_323 = tpu.memref_slice %arg9[%dma_start3A_320, %dma_start3A_321, %dma_start3A_322] : memref<3x64x128xf32, #tpu.memory_space<vmem>> -> memref<1x64x128xf32, #tpu.memory_space<vmem>>
      %dma_start3A_324 = tpu.memref_squeeze %dma_start3A_323 : memref<1x64x128xf32, #tpu.memory_space<vmem>> -> memref<64x128xf32, #tpu.memory_space<vmem>>
      %dma_start3A_325 = arith.constant 0 : i32
      %dma_start3A_326 = tpu.memref_slice %arg8[%add3A_301, %dma_start3A_325] : memref<80x64xi32, #tpu.memory_space<vmem>> -> memref<1x64xi32, #tpu.memory_space<vmem>>
      %dma_start3A_327 = tpu.memref_squeeze %dma_start3A_326 : memref<1x64xi32, #tpu.memory_space<vmem>> -> memref<64xi32, #tpu.memory_space<vmem>>
      %dma_start3A_328 = arith.constant 0 : i32
      %dma_start3A_329 = arith.constant 0 : i32
      %dma_start3A_330 = tpu.memref_slice %arg10[%dma_start3A_328, %dma_start3A_329] : memref<10240x128xf32, #tpu.memory_space<vmem_shared>> -> memref<10240x128xf32, #tpu.memory_space<vmem_shared>>
      tpu.enqueue_indirect_dma source(%dma_start3A_324 : memref<64x128xf32, #tpu.memory_space<vmem>>) target(%dma_start3A_330 : memref<10240x128xf32, #tpu.memory_space<vmem_shared>>) offsets(%dma_start3A_327 : memref<64xi32, #tpu.memory_space<vmem>>) semaphore(%arg16 : memref<!tpu.dma_semaphore, #tpu.memory_space<semaphore_mem>>) {add = true}
    }
    %scan3A_141 = arith.constant 26 : i32
    %dma_wait3A_142 = arith.constant 78 : i32
    %dma_wait3A_143 = arith.constant 0 : i32
    %dma_wait3A_144 = arith.constant 0 : i32
    %dma_wait3A_145 = arith.constant 0 : i32
    %dma_wait3A_146 = tpu.memref_slice %arg9[%dma_wait3A_143, %dma_wait3A_144, %dma_wait3A_145] : memref<3x64x128xf32, #tpu.memory_space<vmem>> -> memref<1x64x128xf32, #tpu.memory_space<vmem>>
    %dma_wait3A_147 = tpu.memref_squeeze %dma_wait3A_146 : memref<1x64x128xf32, #tpu.memory_space<vmem>> -> memref<64x128xf32, #tpu.memory_space<vmem>>
    %dma_wait3A_148 = arith.constant 0 : i32
    %dma_wait3A_149 = tpu.memref_slice %arg7[%dma_wait3A_142, %dma_wait3A_148] : memref<80x64xi32, #tpu.memory_space<vmem>> -> memref<1x64xi32, #tpu.memory_space<vmem>>
    %dma_wait3A_150 = tpu.memref_squeeze %dma_wait3A_149 : memref<1x64xi32, #tpu.memory_space<vmem>> -> memref<64xi32, #tpu.memory_space<vmem>>
    %dma_wait3A_151 = arith.constant 0 : i32
    %dma_wait3A_152 = arith.constant 0 : i32
    %dma_wait3A_153 = tpu.memref_slice %arg2[%dma_wait3A_151, %dma_wait3A_152] : memref<10240x128xf32, #tpu.memory_space<hbm>> -> memref<10240x128xf32, #tpu.memory_space<hbm>>
    tpu.wait_indirect_dma semaphore(%arg11 : memref<!tpu.dma_semaphore, #tpu.memory_space<semaphore_mem>>) src(%dma_wait3A_153 : memref<10240x128xf32, #tpu.memory_space<hbm>>) dst(%dma_wait3A_147 : memref<64x128xf32, #tpu.memory_space<vmem>>)
    %dma_start3A_154 = arith.constant 0 : i32
    %dma_start3A_155 = arith.constant 78 : i32
    %dma_start3A_156 = arith.constant 0 : i32
    %dma_start3A_157 = arith.constant 0 : i32
    %dma_start3A_158 = tpu.memref_slice %arg9[%dma_start3A_154, %dma_start3A_156, %dma_start3A_157] : memref<3x64x128xf32, #tpu.memory_space<vmem>> -> memref<1x64x128xf32, #tpu.memory_space<vmem>>
    %dma_start3A_159 = tpu.memref_squeeze %dma_start3A_158 : memref<1x64x128xf32, #tpu.memory_space<vmem>> -> memref<64x128xf32, #tpu.memory_space<vmem>>
    %dma_start3A_160 = arith.constant 0 : i32
    %dma_start3A_161 = tpu.memref_slice %arg8[%dma_start3A_155, %dma_start3A_160] : memref<80x64xi32, #tpu.memory_space<vmem>> -> memref<1x64xi32, #tpu.memory_space<vmem>>
    %dma_start3A_162 = tpu.memref_squeeze %dma_start3A_161 : memref<1x64xi32, #tpu.memory_space<vmem>> -> memref<64xi32, #tpu.memory_space<vmem>>
    %dma_start3A_163 = arith.constant 0 : i32
    %dma_start3A_164 = arith.constant 0 : i32
    %dma_start3A_165 = tpu.memref_slice %arg10[%dma_start3A_163, %dma_start3A_164] : memref<10240x128xf32, #tpu.memory_space<vmem_shared>> -> memref<10240x128xf32, #tpu.memory_space<vmem_shared>>
    tpu.enqueue_indirect_dma source(%dma_start3A_159 : memref<64x128xf32, #tpu.memory_space<vmem>>) target(%dma_start3A_165 : memref<10240x128xf32, #tpu.memory_space<vmem_shared>>) offsets(%dma_start3A_162 : memref<64xi32, #tpu.memory_space<vmem>>) semaphore(%arg14 : memref<!tpu.dma_semaphore, #tpu.memory_space<semaphore_mem>>) {add = true}
    %dma_wait3A_166 = arith.constant 79 : i32
    %dma_wait3A_167 = arith.constant 1 : i32
    %dma_wait3A_168 = arith.constant 0 : i32
    %dma_wait3A_169 = arith.constant 0 : i32
    %dma_wait3A_170 = tpu.memref_slice %arg9[%dma_wait3A_167, %dma_wait3A_168, %dma_wait3A_169] : memref<3x64x128xf32, #tpu.memory_space<vmem>> -> memref<1x64x128xf32, #tpu.memory_space<vmem>>
    %dma_wait3A_171 = tpu.memref_squeeze %dma_wait3A_170 : memref<1x64x128xf32, #tpu.memory_space<vmem>> -> memref<64x128xf32, #tpu.memory_space<vmem>>
    %dma_wait3A_172 = arith.constant 0 : i32
    %dma_wait3A_173 = tpu.memref_slice %arg7[%dma_wait3A_166, %dma_wait3A_172] : memref<80x64xi32, #tpu.memory_space<vmem>> -> memref<1x64xi32, #tpu.memory_space<vmem>>
    %dma_wait3A_174 = tpu.memref_squeeze %dma_wait3A_173 : memref<1x64xi32, #tpu.memory_space<vmem>> -> memref<64xi32, #tpu.memory_space<vmem>>
    %dma_wait3A_175 = arith.constant 0 : i32
    %dma_wait3A_176 = arith.constant 0 : i32
    %dma_wait3A_177 = tpu.memref_slice %arg2[%dma_wait3A_175, %dma_wait3A_176] : memref<10240x128xf32, #tpu.memory_space<hbm>> -> memref<10240x128xf32, #tpu.memory_space<hbm>>
    tpu.wait_indirect_dma semaphore(%arg12 : memref<!tpu.dma_semaphore, #tpu.memory_space<semaphore_mem>>) src(%dma_wait3A_177 : memref<10240x128xf32, #tpu.memory_space<hbm>>) dst(%dma_wait3A_171 : memref<64x128xf32, #tpu.memory_space<vmem>>)
    %dma_start3A_178 = arith.constant 1 : i32
    %dma_start3A_179 = arith.constant 79 : i32
    %dma_start3A_180 = arith.constant 0 : i32
    %dma_start3A_181 = arith.constant 0 : i32
    %dma_start3A_182 = tpu.memref_slice %arg9[%dma_start3A_178, %dma_start3A_180, %dma_start3A_181] : memref<3x64x128xf32, #tpu.memory_space<vmem>> -> memref<1x64x128xf32, #tpu.memory_space<vmem>>
    %dma_start3A_183 = tpu.memref_squeeze %dma_start3A_182 : memref<1x64x128xf32, #tpu.memory_space<vmem>> -> memref<64x128xf32, #tpu.memory_space<vmem>>
    %dma_start3A_184 = arith.constant 0 : i32
    %dma_start3A_185 = tpu.memref_slice %arg8[%dma_start3A_179, %dma_start3A_184] : memref<80x64xi32, #tpu.memory_space<vmem>> -> memref<1x64xi32, #tpu.memory_space<vmem>>
    %dma_start3A_186 = tpu.memref_squeeze %dma_start3A_185 : memref<1x64xi32, #tpu.memory_space<vmem>> -> memref<64xi32, #tpu.memory_space<vmem>>
    %dma_start3A_187 = arith.constant 0 : i32
    %dma_start3A_188 = arith.constant 0 : i32
    %dma_start3A_189 = tpu.memref_slice %arg10[%dma_start3A_187, %dma_start3A_188] : memref<10240x128xf32, #tpu.memory_space<vmem_shared>> -> memref<10240x128xf32, #tpu.memory_space<vmem_shared>>
    tpu.enqueue_indirect_dma source(%dma_start3A_183 : memref<64x128xf32, #tpu.memory_space<vmem>>) target(%dma_start3A_189 : memref<10240x128xf32, #tpu.memory_space<vmem_shared>>) offsets(%dma_start3A_186 : memref<64xi32, #tpu.memory_space<vmem>>) semaphore(%arg15 : memref<!tpu.dma_semaphore, #tpu.memory_space<semaphore_mem>>) {add = true}
    %dma_wait3A_190 = arith.constant 0 : i32
    %dma_wait3A_191 = arith.constant 0 : i32
    %dma_wait3A_192 = arith.constant 0 : i32
    %dma_wait3A_193 = arith.constant 0 : i32
    %dma_wait3A_194 = tpu.memref_slice %arg9[%dma_wait3A_190, %dma_wait3A_192, %dma_wait3A_193] : memref<3x64x128xf32, #tpu.memory_space<vmem>> -> memref<1x64x128xf32, #tpu.memory_space<vmem>>
    %dma_wait3A_195 = tpu.memref_squeeze %dma_wait3A_194 : memref<1x64x128xf32, #tpu.memory_space<vmem>> -> memref<64x128xf32, #tpu.memory_space<vmem>>
    %dma_wait3A_196 = arith.constant 0 : i32
    %dma_wait3A_197 = tpu.memref_slice %arg8[%dma_wait3A_191, %dma_wait3A_196] : memref<80x64xi32, #tpu.memory_space<vmem>> -> memref<1x64xi32, #tpu.memory_space<vmem>>
    %dma_wait3A_198 = tpu.memref_squeeze %dma_wait3A_197 : memref<1x64xi32, #tpu.memory_space<vmem>> -> memref<64xi32, #tpu.memory_space<vmem>>
    %dma_wait3A_199 = arith.constant 0 : i32
    %dma_wait3A_200 = arith.constant 0 : i32
    %dma_wait3A_201 = tpu.memref_slice %arg10[%dma_wait3A_199, %dma_wait3A_200] : memref<10240x128xf32, #tpu.memory_space<vmem_shared>> -> memref<10240x128xf32, #tpu.memory_space<vmem_shared>>
    tpu.wait_indirect_dma semaphore(%arg14 : memref<!tpu.dma_semaphore, #tpu.memory_space<semaphore_mem>>) src(%dma_wait3A_195 : memref<64x128xf32, #tpu.memory_space<vmem>>) dst(%dma_wait3A_201 : memref<10240x128xf32, #tpu.memory_space<vmem_shared>>)
    %dma_wait3A_202 = arith.constant 1 : i32
    %dma_wait3A_203 = arith.constant 0 : i32
    %dma_wait3A_204 = arith.constant 0 : i32
    %dma_wait3A_205 = arith.constant 0 : i32
    %dma_wait3A_206 = tpu.memref_slice %arg9[%dma_wait3A_202, %dma_wait3A_204, %dma_wait3A_205] : memref<3x64x128xf32, #tpu.memory_space<vmem>> -> memref<1x64x128xf32, #tpu.memory_space<vmem>>
    %dma_wait3A_207 = tpu.memref_squeeze %dma_wait3A_206 : memref<1x64x128xf32, #tpu.memory_space<vmem>> -> memref<64x128xf32, #tpu.memory_space<vmem>>
    %dma_wait3A_208 = arith.constant 0 : i32
    %dma_wait3A_209 = tpu.memref_slice %arg8[%dma_wait3A_203, %dma_wait3A_208] : memref<80x64xi32, #tpu.memory_space<vmem>> -> memref<1x64xi32, #tpu.memory_space<vmem>>
    %dma_wait3A_210 = tpu.memref_squeeze %dma_wait3A_209 : memref<1x64xi32, #tpu.memory_space<vmem>> -> memref<64xi32, #tpu.memory_space<vmem>>
    %dma_wait3A_211 = arith.constant 0 : i32
    %dma_wait3A_212 = arith.constant 0 : i32
    %dma_wait3A_213 = tpu.memref_slice %arg10[%dma_wait3A_211, %dma_wait3A_212] : memref<10240x128xf32, #tpu.memory_space<vmem_shared>> -> memref<10240x128xf32, #tpu.memory_space<vmem_shared>>
    tpu.wait_indirect_dma semaphore(%arg15 : memref<!tpu.dma_semaphore, #tpu.memory_space<semaphore_mem>>) src(%dma_wait3A_207 : memref<64x128xf32, #tpu.memory_space<vmem>>) dst(%dma_wait3A_213 : memref<10240x128xf32, #tpu.memory_space<vmem_shared>>)
    %dma_wait3A_214 = arith.constant 2 : i32
    %dma_wait3A_215 = arith.constant 0 : i32
    %dma_wait3A_216 = arith.constant 0 : i32
    %dma_wait3A_217 = arith.constant 0 : i32
    %dma_wait3A_218 = tpu.memref_slice %arg9[%dma_wait3A_214, %dma_wait3A_216, %dma_wait3A_217] : memref<3x64x128xf32, #tpu.memory_space<vmem>> -> memref<1x64x128xf32, #tpu.memory_space<vmem>>
    %dma_wait3A_219 = tpu.memref_squeeze %dma_wait3A_218 : memref<1x64x128xf32, #tpu.memory_space<vmem>> -> memref<64x128xf32, #tpu.memory_space<vmem>>
    %dma_wait3A_220 = arith.constant 0 : i32
    %dma_wait3A_221 = tpu.memref_slice %arg8[%dma_wait3A_215, %dma_wait3A_220] : memref<80x64xi32, #tpu.memory_space<vmem>> -> memref<1x64xi32, #tpu.memory_space<vmem>>
    %dma_wait3A_222 = tpu.memref_squeeze %dma_wait3A_221 : memref<1x64xi32, #tpu.memory_space<vmem>> -> memref<64xi32, #tpu.memory_space<vmem>>
    %dma_wait3A_223 = arith.constant 0 : i32
    %dma_wait3A_224 = arith.constant 0 : i32
    %dma_wait3A_225 = tpu.memref_slice %arg10[%dma_wait3A_223, %dma_wait3A_224] : memref<10240x128xf32, #tpu.memory_space<vmem_shared>> -> memref<10240x128xf32, #tpu.memory_space<vmem_shared>>
    tpu.wait_indirect_dma semaphore(%arg16 : memref<!tpu.dma_semaphore, #tpu.memory_space<semaphore_mem>>) src(%dma_wait3A_219 : memref<64x128xf32, #tpu.memory_space<vmem>>) dst(%dma_wait3A_225 : memref<10240x128xf32, #tpu.memory_space<vmem_shared>>)
    %barrier3A_226 = arith.constant 0 : index
    tpu.barrier barrier_id(%barrier3A_226)
    %mul3A_227 = arith.constant 640 : i32
    %mul3A_228 = arith.muli %arg1, %mul3A_227 : i32
    %mul3A_229 = arith.constant 10240 : i32
    %mul3A_230 = arith.muli %arg0, %mul3A_229 : i32
    %mul3A_231 = arith.constant 640 : i32
    %mul3A_232 = arith.muli %arg1, %mul3A_231 : i32
    %add3A_233 = arith.addi %mul3A_230, %mul3A_232 : i32
    "tpu.region"() ({
      %run_scoped3A = tpu.sem_alloc : memref<!tpu.dma_semaphore, #tpu.memory_space<semaphore_mem>>
      %dma_start3A_234 = arith.constant 0 : i32
      %dma_start3A_235 = tpu.memref_slice %arg6[%add3A_233, %dma_start3A_234] : memref<20480x128xf32, #tpu.memory_space<hbm>> -> memref<640x128xf32, #tpu.memory_space<hbm>>
      %dma_start3A_236 = arith.constant 0 : i32
      %dma_start3A_237 = tpu.memref_slice %arg10[%mul3A_228, %dma_start3A_236] : memref<10240x128xf32, #tpu.memory_space<vmem_shared>> -> memref<640x128xf32, #tpu.memory_space<vmem_shared>>
      tpu.enqueue_dma source(%dma_start3A_237 : memref<640x128xf32, #tpu.memory_space<vmem_shared>>) target(%dma_start3A_235 : memref<640x128xf32, #tpu.memory_space<hbm>>) target_semaphore(%run_scoped3A : memref<!tpu.dma_semaphore, #tpu.memory_space<semaphore_mem>>)
      %dma_wait3A_238 = arith.constant 0 : i32
      %dma_wait3A_239 = tpu.memref_slice %arg6[%add3A_233, %dma_wait3A_238] : memref<20480x128xf32, #tpu.memory_space<hbm>> -> memref<640x128xf32, #tpu.memory_space<hbm>>
      %dma_wait3A_240 = arith.constant 0 : i32
      %dma_wait3A_241 = tpu.memref_slice %arg10[%mul3A_228, %dma_wait3A_240] : memref<10240x128xf32, #tpu.memory_space<vmem_shared>> -> memref<640x128xf32, #tpu.memory_space<vmem_shared>>
      tpu.wait_dma2 semaphore(%run_scoped3A : memref<!tpu.dma_semaphore, #tpu.memory_space<semaphore_mem>>) src(%dma_wait3A_241 : memref<640x128xf32, #tpu.memory_space<vmem_shared>>) dst(%dma_wait3A_239 : memref<640x128xf32, #tpu.memory_space<hbm>>)
      tpu.yield
    }) : () -> ()
    return
  }
}

#map = affine_map<(d0, d1) -> (0, 0)>
#map1 = affine_map<(d0, d1) -> (0, 0, 0)>
module attributes {stable_mosaic.version = 14 : i64} {
  func.func @_segsum_sc(%arg0: i32, %arg1: i32, %arg2: memref<10240x128xf32, #tpu.memory_space<hbm>>, %arg3: memref<32x160x64xi32, #tpu.memory_space<hbm>>, %arg4: memref<32x160x64xi32, #tpu.memory_space<hbm>>, %arg5: memref<640x128xf32, #tpu.memory_space<hbm>>, %arg6: memref<20480x128xf32, #tpu.memory_space<hbm>>, %arg7: memref<80x64xi32, #tpu.memory_space<vmem>>, %arg8: memref<80x64xi32, #tpu.memory_space<vmem>>, %arg9: memref<3x64x128xf32, #tpu.memory_space<vmem>>, %arg10: memref<10240x128xf32, #tpu.memory_space<vmem_shared>>, %arg11: memref<!tpu.dma_semaphore, #tpu.memory_space<semaphore_mem>>, %arg12: memref<!tpu.dma_semaphore, #tpu.memory_space<semaphore_mem>>, %arg13: memref<!tpu.dma_semaphore, #tpu.memory_space<semaphore_mem>>, %arg14: memref<!tpu.dma_semaphore, #tpu.memory_space<semaphore_mem>>, %arg15: memref<!tpu.dma_semaphore, #tpu.memory_space<semaphore_mem>>, %arg16: memref<!tpu.dma_semaphore, #tpu.memory_space<semaphore_mem>>) attributes {dimension_semantics = [#tpu.dimension_semantics<core_parallel>, #tpu.dimension_semantics<subcore_parallel>], iteration_bounds = array<i64: 2, 16>, scalar_prefetch = 0 : i64, scratch_operands = 10 : i64, tpu.core_type = #tpu.core_type<sc_vector_subcore>, window_params = [{transform_indices = #map}, {transform_indices = #map1}, {transform_indices = #map1}, {transform_indices = #map}, {transform_indices = #map}]} {
    %mul3A = arith.constant 2 : i32
    %mul3A_0 = arith.muli %arg1, %mul3A : i32
    %add3A = arith.addi %mul3A_0, %arg0 : i32
    %mul3A_1 = arith.constant 640 : i32
    %mul3A_2 = arith.muli %arg1, %mul3A_1 : i32
    "tpu.region"() ({
      %run_scoped3A = tpu.sem_alloc : memref<!tpu.dma_semaphore, #tpu.memory_space<semaphore_mem>>
      %dma_start3A_234 = arith.constant 0 : i32
      %dma_start3A_235 = tpu.memref_slice %arg10[%mul3A_2, %dma_start3A_234] : memref<10240x128xf32, #tpu.memory_space<vmem_shared>> -> memref<640x128xf32, #tpu.memory_space<vmem_shared>>
      tpu.enqueue_dma source(%arg5 : memref<640x128xf32, #tpu.memory_space<hbm>>) target(%dma_start3A_235 : memref<640x128xf32, #tpu.memory_space<vmem_shared>>) target_semaphore(%run_scoped3A : memref<!tpu.dma_semaphore, #tpu.memory_space<semaphore_mem>>)
      %dma_wait3A_236 = arith.constant 0 : i32
      %dma_wait3A_237 = tpu.memref_slice %arg10[%mul3A_2, %dma_wait3A_236] : memref<10240x128xf32, #tpu.memory_space<vmem_shared>> -> memref<640x128xf32, #tpu.memory_space<vmem_shared>>
      tpu.wait_dma2 semaphore(%run_scoped3A : memref<!tpu.dma_semaphore, #tpu.memory_space<semaphore_mem>>) src(%arg5 : memref<640x128xf32, #tpu.memory_space<hbm>>) dst(%dma_wait3A_237 : memref<640x128xf32, #tpu.memory_space<vmem_shared>>)
      tpu.yield
    }) : () -> ()
    %barrier3A = arith.constant 0 : index
    tpu.barrier barrier_id(%barrier3A)
    "tpu.region"() ({
      %run_scoped3A = tpu.sem_alloc : memref<!tpu.dma_semaphore, #tpu.memory_space<semaphore_mem>>
      %dma_start3A_234 = arith.constant 0 : i32
      %dma_start3A_235 = arith.constant 0 : i32
      %dma_start3A_236 = tpu.memref_slice %arg3[%add3A, %dma_start3A_234, %dma_start3A_235] : memref<32x160x64xi32, #tpu.memory_space<hbm>> -> memref<1x80x64xi32, #tpu.memory_space<hbm>>
      %dma_start3A_237 = tpu.memref_squeeze %dma_start3A_236 : memref<1x80x64xi32, #tpu.memory_space<hbm>> -> memref<80x64xi32, #tpu.memory_space<hbm>>
      %dma_start3A_238 = arith.constant 0 : i32
      %dma_start3A_239 = arith.constant 0 : i32
      %dma_start3A_240 = tpu.memref_slice %arg3[%add3A, %dma_start3A_238, %dma_start3A_239] : memref<32x160x64xi32, #tpu.memory_space<hbm>> -> memref<1x80x64xi32, #tpu.memory_space<hbm>>
      %dma_start3A_241 = tpu.memref_squeeze %dma_start3A_240 : memref<1x80x64xi32, #tpu.memory_space<hbm>> -> memref<80x64xi32, #tpu.memory_space<hbm>>
      tpu.enqueue_dma source(%dma_start3A_241 : memref<80x64xi32, #tpu.memory_space<hbm>>) target(%arg7 : memref<80x64xi32, #tpu.memory_space<vmem>>) target_semaphore(%run_scoped3A : memref<!tpu.dma_semaphore, #tpu.memory_space<semaphore_mem>>)
      %dma_wait3A_242 = arith.constant 0 : i32
      %dma_wait3A_243 = arith.constant 0 : i32
      %dma_wait3A_244 = tpu.memref_slice %arg3[%add3A, %dma_wait3A_242, %dma_wait3A_243] : memref<32x160x64xi32, #tpu.memory_space<hbm>> -> memref<1x80x64xi32, #tpu.memory_space<hbm>>
      %dma_wait3A_245 = tpu.memref_squeeze %dma_wait3A_244 : memref<1x80x64xi32, #tpu.memory_space<hbm>> -> memref<80x64xi32, #tpu.memory_space<hbm>>
      %dma_wait3A_246 = arith.constant 0 : i32
      %dma_wait3A_247 = arith.constant 0 : i32
      %dma_wait3A_248 = tpu.memref_slice %arg3[%add3A, %dma_wait3A_246, %dma_wait3A_247] : memref<32x160x64xi32, #tpu.memory_space<hbm>> -> memref<1x80x64xi32, #tpu.memory_space<hbm>>
      %dma_wait3A_249 = tpu.memref_squeeze %dma_wait3A_248 : memref<1x80x64xi32, #tpu.memory_space<hbm>> -> memref<80x64xi32, #tpu.memory_space<hbm>>
      tpu.wait_dma2 semaphore(%run_scoped3A : memref<!tpu.dma_semaphore, #tpu.memory_space<semaphore_mem>>) src(%dma_wait3A_249 : memref<80x64xi32, #tpu.memory_space<hbm>>) dst(%arg7 : memref<80x64xi32, #tpu.memory_space<vmem>>)
      tpu.yield
    }) : () -> ()
    "tpu.region"() ({
      %run_scoped3A = tpu.sem_alloc : memref<!tpu.dma_semaphore, #tpu.memory_space<semaphore_mem>>
      %dma_start3A_234 = arith.constant 0 : i32
      %dma_start3A_235 = arith.constant 0 : i32
      %dma_start3A_236 = tpu.memref_slice %arg4[%add3A, %dma_start3A_234, %dma_start3A_235] : memref<32x160x64xi32, #tpu.memory_space<hbm>> -> memref<1x80x64xi32, #tpu.memory_space<hbm>>
      %dma_start3A_237 = tpu.memref_squeeze %dma_start3A_236 : memref<1x80x64xi32, #tpu.memory_space<hbm>> -> memref<80x64xi32, #tpu.memory_space<hbm>>
      %dma_start3A_238 = arith.constant 0 : i32
      %dma_start3A_239 = arith.constant 0 : i32
      %dma_start3A_240 = tpu.memref_slice %arg4[%add3A, %dma_start3A_238, %dma_start3A_239] : memref<32x160x64xi32, #tpu.memory_space<hbm>> -> memref<1x80x64xi32, #tpu.memory_space<hbm>>
      %dma_start3A_241 = tpu.memref_squeeze %dma_start3A_240 : memref<1x80x64xi32, #tpu.memory_space<hbm>> -> memref<80x64xi32, #tpu.memory_space<hbm>>
      tpu.enqueue_dma source(%dma_start3A_241 : memref<80x64xi32, #tpu.memory_space<hbm>>) target(%arg8 : memref<80x64xi32, #tpu.memory_space<vmem>>) target_semaphore(%run_scoped3A : memref<!tpu.dma_semaphore, #tpu.memory_space<semaphore_mem>>)
      %dma_wait3A_242 = arith.constant 0 : i32
      %dma_wait3A_243 = arith.constant 0 : i32
      %dma_wait3A_244 = tpu.memref_slice %arg4[%add3A, %dma_wait3A_242, %dma_wait3A_243] : memref<32x160x64xi32, #tpu.memory_space<hbm>> -> memref<1x80x64xi32, #tpu.memory_space<hbm>>
      %dma_wait3A_245 = tpu.memref_squeeze %dma_wait3A_244 : memref<1x80x64xi32, #tpu.memory_space<hbm>> -> memref<80x64xi32, #tpu.memory_space<hbm>>
      %dma_wait3A_246 = arith.constant 0 : i32
      %dma_wait3A_247 = arith.constant 0 : i32
      %dma_wait3A_248 = tpu.memref_slice %arg4[%add3A, %dma_wait3A_246, %dma_wait3A_247] : memref<32x160x64xi32, #tpu.memory_space<hbm>> -> memref<1x80x64xi32, #tpu.memory_space<hbm>>
      %dma_wait3A_249 = tpu.memref_squeeze %dma_wait3A_248 : memref<1x80x64xi32, #tpu.memory_space<hbm>> -> memref<80x64xi32, #tpu.memory_space<hbm>>
      tpu.wait_dma2 semaphore(%run_scoped3A : memref<!tpu.dma_semaphore, #tpu.memory_space<semaphore_mem>>) src(%dma_wait3A_249 : memref<80x64xi32, #tpu.memory_space<hbm>>) dst(%arg8 : memref<80x64xi32, #tpu.memory_space<vmem>>)
      tpu.yield
    }) : () -> ()
    %dma_start3A = arith.constant 0 : i32
    %dma_start3A_3 = arith.constant 0 : i32
    %dma_start3A_4 = arith.constant 0 : i32
    %dma_start3A_5 = arith.constant 0 : i32
    %dma_start3A_6 = tpu.memref_slice %arg9[%dma_start3A_3, %dma_start3A_4, %dma_start3A_5] : memref<3x64x128xf32, #tpu.memory_space<vmem>> -> memref<1x64x128xf32, #tpu.memory_space<vmem>>
    %dma_start3A_7 = tpu.memref_squeeze %dma_start3A_6 : memref<1x64x128xf32, #tpu.memory_space<vmem>> -> memref<64x128xf32, #tpu.memory_space<vmem>>
    %dma_start3A_8 = arith.constant 0 : i32
    %dma_start3A_9 = tpu.memref_slice %arg7[%dma_start3A, %dma_start3A_8] : memref<80x64xi32, #tpu.memory_space<vmem>> -> memref<1x64xi32, #tpu.memory_space<vmem>>
    %dma_start3A_10 = tpu.memref_squeeze %dma_start3A_9 : memref<1x64xi32, #tpu.memory_space<vmem>> -> memref<64xi32, #tpu.memory_space<vmem>>
    %dma_start3A_11 = arith.constant 0 : i32
    %dma_start3A_12 = arith.constant 0 : i32
    %dma_start3A_13 = tpu.memref_slice %arg2[%dma_start3A_11, %dma_start3A_12] : memref<10240x128xf32, #tpu.memory_space<hbm>> -> memref<10240x128xf32, #tpu.memory_space<hbm>>
    tpu.enqueue_indirect_dma source(%dma_start3A_13 : memref<10240x128xf32, #tpu.memory_space<hbm>>) target(%dma_start3A_7 : memref<64x128xf32, #tpu.memory_space<vmem>>) offsets(%dma_start3A_10 : memref<64xi32, #tpu.memory_space<vmem>>) semaphore(%arg11 : memref<!tpu.dma_semaphore, #tpu.memory_space<semaphore_mem>>)
    %dma_start3A_14 = arith.constant 1 : i32
    %dma_start3A_15 = arith.constant 1 : i32
    %dma_start3A_16 = arith.constant 0 : i32
    %dma_start3A_17 = arith.constant 0 : i32
    %dma_start3A_18 = tpu.memref_slice %arg9[%dma_start3A_15, %dma_start3A_16, %dma_start3A_17] : memref<3x64x128xf32, #tpu.memory_space<vmem>> -> memref<1x64x128xf32, #tpu.memory_space<vmem>>
    %dma_start3A_19 = tpu.memref_squeeze %dma_start3A_18 : memref<1x64x128xf32, #tpu.memory_space<vmem>> -> memref<64x128xf32, #tpu.memory_space<vmem>>
    %dma_start3A_20 = arith.constant 0 : i32
    %dma_start3A_21 = tpu.memref_slice %arg7[%dma_start3A_14, %dma_start3A_20] : memref<80x64xi32, #tpu.memory_space<vmem>> -> memref<1x64xi32, #tpu.memory_space<vmem>>
    %dma_start3A_22 = tpu.memref_squeeze %dma_start3A_21 : memref<1x64xi32, #tpu.memory_space<vmem>> -> memref<64xi32, #tpu.memory_space<vmem>>
    %dma_start3A_23 = arith.constant 0 : i32
    %dma_start3A_24 = arith.constant 0 : i32
    %dma_start3A_25 = tpu.memref_slice %arg2[%dma_start3A_23, %dma_start3A_24] : memref<10240x128xf32, #tpu.memory_space<hbm>> -> memref<10240x128xf32, #tpu.memory_space<hbm>>
    tpu.enqueue_indirect_dma source(%dma_start3A_25 : memref<10240x128xf32, #tpu.memory_space<hbm>>) target(%dma_start3A_19 : memref<64x128xf32, #tpu.memory_space<vmem>>) offsets(%dma_start3A_22 : memref<64xi32, #tpu.memory_space<vmem>>) semaphore(%arg12 : memref<!tpu.dma_semaphore, #tpu.memory_space<semaphore_mem>>)
    %scan3A = arith.constant 0 : i32
    %scan3A_26 = arith.constant 26 : i32
    %scan3A_27 = arith.addi %scan3A, %scan3A_26 : i32
    %scan3A_28 = arith.constant 1 : i32
    scf.for %scan3A_234 = %scan3A to %scan3A_27 step %scan3A_28  : i32 {
      %mul3A_235 = arith.constant 3 : i32
      %mul3A_236 = arith.muli %mul3A_235, %scan3A_234 : i32
      %add3A_237 = arith.constant 0 : i32
      %add3A_238 = arith.addi %mul3A_236, %add3A_237 : i32
      %add3A_239 = arith.constant 2 : i32
      %add3A_240 = arith.addi %add3A_238, %add3A_239 : i32
      %lt3A = arith.constant 80 : i32
      %lt3A_241 = arith.cmpi slt, %add3A_240, %lt3A : i32
      %convert_element_type3A = arith.extui %lt3A_241 : i1 to i32
      %cond3A = arith.constant 0 : i32
      %cond3A_242 = arith.cmpi ne, %convert_element_type3A, %cond3A : i32
      scf.if %cond3A_242 {
        %ge3A = arith.constant 1 : i32
        %ge3A_331 = arith.cmpi sge, %scan3A_234, %ge3A : i32
        %convert_element_type3A_332 = arith.extui %ge3A_331 : i1 to i32
        %cond3A_333 = arith.constant 0 : i32
        %cond3A_334 = arith.cmpi ne, %convert_element_type3A_332, %cond3A_333 : i32
        scf.if %cond3A_334 {
          %dma_wait3A_348 = arith.constant 2 : i32
          %dma_wait3A_349 = arith.constant 0 : i32
          %dma_wait3A_350 = arith.constant 0 : i32
          %dma_wait3A_351 = arith.constant 0 : i32
          %dma_wait3A_352 = tpu.memref_slice %arg9[%dma_wait3A_348, %dma_wait3A_350, %dma_wait3A_351] : memref<3x64x128xf32, #tpu.memory_space<vmem>> -> memref<1x64x128xf32, #tpu.memory_space<vmem>>
          %dma_wait3A_353 = tpu.memref_squeeze %dma_wait3A_352 : memref<1x64x128xf32, #tpu.memory_space<vmem>> -> memref<64x128xf32, #tpu.memory_space<vmem>>
          %dma_wait3A_354 = arith.constant 0 : i32
          %dma_wait3A_355 = tpu.memref_slice %arg8[%dma_wait3A_349, %dma_wait3A_354] : memref<80x64xi32, #tpu.memory_space<vmem>> -> memref<1x64xi32, #tpu.memory_space<vmem>>
          %dma_wait3A_356 = tpu.memref_squeeze %dma_wait3A_355 : memref<1x64xi32, #tpu.memory_space<vmem>> -> memref<64xi32, #tpu.memory_space<vmem>>
          %dma_wait3A_357 = arith.constant 0 : i32
          %dma_wait3A_358 = arith.constant 0 : i32
          %dma_wait3A_359 = tpu.memref_slice %arg10[%dma_wait3A_357, %dma_wait3A_358] : memref<10240x128xf32, #tpu.memory_space<vmem_shared>> -> memref<10240x128xf32, #tpu.memory_space<vmem_shared>>
          tpu.wait_indirect_dma semaphore(%arg16 : memref<!tpu.dma_semaphore, #tpu.memory_space<semaphore_mem>>) src(%dma_wait3A_353 : memref<64x128xf32, #tpu.memory_space<vmem>>) dst(%dma_wait3A_359 : memref<10240x128xf32, #tpu.memory_space<vmem_shared>>)
        } else {
        }
        %add3A_335 = arith.constant 2 : i32
        %add3A_336 = arith.addi %add3A_238, %add3A_335 : i32
        %dma_start3A_337 = arith.constant 2 : i32
        %dma_start3A_338 = arith.constant 0 : i32
        %dma_start3A_339 = arith.constant 0 : i32
        %dma_start3A_340 = tpu.memref_slice %arg9[%dma_start3A_337, %dma_start3A_338, %dma_start3A_339] : memref<3x64x128xf32, #tpu.memory_space<vmem>> -> memref<1x64x128xf32, #tpu.memory_space<vmem>>
        %dma_start3A_341 = tpu.memref_squeeze %dma_start3A_340 : memref<1x64x128xf32, #tpu.memory_space<vmem>> -> memref<64x128xf32, #tpu.memory_space<vmem>>
        %dma_start3A_342 = arith.constant 0 : i32
        %dma_start3A_343 = tpu.memref_slice %arg7[%add3A_336, %dma_start3A_342] : memref<80x64xi32, #tpu.memory_space<vmem>> -> memref<1x64xi32, #tpu.memory_space<vmem>>
        %dma_start3A_344 = tpu.memref_squeeze %dma_start3A_343 : memref<1x64xi32, #tpu.memory_space<vmem>> -> memref<64xi32, #tpu.memory_space<vmem>>
        %dma_start3A_345 = arith.constant 0 : i32
        %dma_start3A_346 = arith.constant 0 : i32
        %dma_start3A_347 = tpu.memref_slice %arg2[%dma_start3A_345, %dma_start3A_346] : memref<10240x128xf32, #tpu.memory_space<hbm>> -> memref<10240x128xf32, #tpu.memory_space<hbm>>
        tpu.enqueue_indirect_dma source(%dma_start3A_347 : memref<10240x128xf32, #tpu.memory_space<hbm>>) target(%dma_start3A_341 : memref<64x128xf32, #tpu.memory_space<vmem>>) offsets(%dma_start3A_344 : memref<64xi32, #tpu.memory_space<vmem>>) semaphore(%arg13 : memref<!tpu.dma_semaphore, #tpu.memory_space<semaphore_mem>>)
      } else {
      }
      %dma_wait3A_243 = arith.constant 0 : i32
      %dma_wait3A_244 = arith.constant 0 : i32
      %dma_wait3A_245 = arith.constant 0 : i32
      %dma_wait3A_246 = tpu.memref_slice %arg9[%dma_wait3A_243, %dma_wait3A_244, %dma_wait3A_245] : memref<3x64x128xf32, #tpu.memory_space<vmem>> -> memref<1x64x128xf32, #tpu.memory_space<vmem>>
      %dma_wait3A_247 = tpu.memref_squeeze %dma_wait3A_246 : memref<1x64x128xf32, #tpu.memory_space<vmem>> -> memref<64x128xf32, #tpu.memory_space<vmem>>
      %dma_wait3A_248 = arith.constant 0 : i32
      %dma_wait3A_249 = tpu.memref_slice %arg7[%add3A_238, %dma_wait3A_248] : memref<80x64xi32, #tpu.memory_space<vmem>> -> memref<1x64xi32, #tpu.memory_space<vmem>>
      %dma_wait3A_250 = tpu.memref_squeeze %dma_wait3A_249 : memref<1x64xi32, #tpu.memory_space<vmem>> -> memref<64xi32, #tpu.memory_space<vmem>>
      %dma_wait3A_251 = arith.constant 0 : i32
      %dma_wait3A_252 = arith.constant 0 : i32
      %dma_wait3A_253 = tpu.memref_slice %arg2[%dma_wait3A_251, %dma_wait3A_252] : memref<10240x128xf32, #tpu.memory_space<hbm>> -> memref<10240x128xf32, #tpu.memory_space<hbm>>
      tpu.wait_indirect_dma semaphore(%arg11 : memref<!tpu.dma_semaphore, #tpu.memory_space<semaphore_mem>>) src(%dma_wait3A_253 : memref<10240x128xf32, #tpu.memory_space<hbm>>) dst(%dma_wait3A_247 : memref<64x128xf32, #tpu.memory_space<vmem>>)
      %dma_start3A_254 = arith.constant 0 : i32
      %dma_start3A_255 = arith.constant 0 : i32
      %dma_start3A_256 = arith.constant 0 : i32
      %dma_start3A_257 = tpu.memref_slice %arg9[%dma_start3A_254, %dma_start3A_255, %dma_start3A_256] : memref<3x64x128xf32, #tpu.memory_space<vmem>> -> memref<1x64x128xf32, #tpu.memory_space<vmem>>
      %dma_start3A_258 = tpu.memref_squeeze %dma_start3A_257 : memref<1x64x128xf32, #tpu.memory_space<vmem>> -> memref<64x128xf32, #tpu.memory_space<vmem>>
      %dma_start3A_259 = arith.constant 0 : i32
      %dma_start3A_260 = tpu.memref_slice %arg8[%add3A_238, %dma_start3A_259] : memref<80x64xi32, #tpu.memory_space<vmem>> -> memref<1x64xi32, #tpu.memory_space<vmem>>
      %dma_start3A_261 = tpu.memref_squeeze %dma_start3A_260 : memref<1x64xi32, #tpu.memory_space<vmem>> -> memref<64xi32, #tpu.memory_space<vmem>>
      %dma_start3A_262 = arith.constant 0 : i32
      %dma_start3A_263 = arith.constant 0 : i32
      %dma_start3A_264 = tpu.memref_slice %arg10[%dma_start3A_262, %dma_start3A_263] : memref<10240x128xf32, #tpu.memory_space<vmem_shared>> -> memref<10240x128xf32, #tpu.memory_space<vmem_shared>>
      tpu.enqueue_indirect_dma source(%dma_start3A_258 : memref<64x128xf32, #tpu.memory_space<vmem>>) target(%dma_start3A_264 : memref<10240x128xf32, #tpu.memory_space<vmem_shared>>) offsets(%dma_start3A_261 : memref<64xi32, #tpu.memory_space<vmem>>) semaphore(%arg14 : memref<!tpu.dma_semaphore, #tpu.memory_space<semaphore_mem>>) {add = true}
      %mul3A_265 = arith.constant 3 : i32
      %mul3A_266 = arith.muli %mul3A_265, %scan3A_234 : i32
      %add3A_267 = arith.constant 1 : i32
      %add3A_268 = arith.addi %mul3A_266, %add3A_267 : i32
      %add3A_269 = arith.constant 2 : i32
      %add3A_270 = arith.addi %add3A_268, %add3A_269 : i32
      %lt3A_271 = arith.constant 80 : i32
      %lt3A_272 = arith.cmpi slt, %add3A_270, %lt3A_271 : i32
      %convert_element_type3A_273 = arith.extui %lt3A_272 : i1 to i32
      %cond3A_274 = arith.constant 0 : i32
      %cond3A_275 = arith.cmpi ne, %convert_element_type3A_273, %cond3A_274 : i32
      scf.if %cond3A_275 {
        %dma_wait3A_331 = arith.constant 0 : i32
        %dma_wait3A_332 = arith.constant 0 : i32
        %dma_wait3A_333 = arith.constant 0 : i32
        %dma_wait3A_334 = arith.constant 0 : i32
        %dma_wait3A_335 = tpu.memref_slice %arg9[%dma_wait3A_331, %dma_wait3A_333, %dma_wait3A_334] : memref<3x64x128xf32, #tpu.memory_space<vmem>> -> memref<1x64x128xf32, #tpu.memory_space<vmem>>
        %dma_wait3A_336 = tpu.memref_squeeze %dma_wait3A_335 : memref<1x64x128xf32, #tpu.memory_space<vmem>> -> memref<64x128xf32, #tpu.memory_space<vmem>>
        %dma_wait3A_337 = arith.constant 0 : i32
        %dma_wait3A_338 = tpu.memref_slice %arg8[%dma_wait3A_332, %dma_wait3A_337] : memref<80x64xi32, #tpu.memory_space<vmem>> -> memref<1x64xi32, #tpu.memory_space<vmem>>
        %dma_wait3A_339 = tpu.memref_squeeze %dma_wait3A_338 : memref<1x64xi32, #tpu.memory_space<vmem>> -> memref<64xi32, #tpu.memory_space<vmem>>
        %dma_wait3A_340 = arith.constant 0 : i32
        %dma_wait3A_341 = arith.constant 0 : i32
        %dma_wait3A_342 = tpu.memref_slice %arg10[%dma_wait3A_340, %dma_wait3A_341] : memref<10240x128xf32, #tpu.memory_space<vmem_shared>> -> memref<10240x128xf32, #tpu.memory_space<vmem_shared>>
        tpu.wait_indirect_dma semaphore(%arg14 : memref<!tpu.dma_semaphore, #tpu.memory_space<semaphore_mem>>) src(%dma_wait3A_336 : memref<64x128xf32, #tpu.memory_space<vmem>>) dst(%dma_wait3A_342 : memref<10240x128xf32, #tpu.memory_space<vmem_shared>>)
        %add3A_343 = arith.constant 2 : i32
        %add3A_344 = arith.addi %add3A_268, %add3A_343 : i32
        %dma_start3A_345 = arith.constant 0 : i32
        %dma_start3A_346 = arith.constant 0 : i32
        %dma_start3A_347 = arith.constant 0 : i32
        %dma_start3A_348 = tpu.memref_slice %arg9[%dma_start3A_345, %dma_start3A_346, %dma_start3A_347] : memref<3x64x128xf32, #tpu.memory_space<vmem>> -> memref<1x64x128xf32, #tpu.memory_space<vmem>>
        %dma_start3A_349 = tpu.memref_squeeze %dma_start3A_348 : memref<1x64x128xf32, #tpu.memory_space<vmem>> -> memref<64x128xf32, #tpu.memory_space<vmem>>
        %dma_start3A_350 = arith.constant 0 : i32
        %dma_start3A_351 = tpu.memref_slice %arg7[%add3A_344, %dma_start3A_350] : memref<80x64xi32, #tpu.memory_space<vmem>> -> memref<1x64xi32, #tpu.memory_space<vmem>>
        %dma_start3A_352 = tpu.memref_squeeze %dma_start3A_351 : memref<1x64xi32, #tpu.memory_space<vmem>> -> memref<64xi32, #tpu.memory_space<vmem>>
        %dma_start3A_353 = arith.constant 0 : i32
        %dma_start3A_354 = arith.constant 0 : i32
        %dma_start3A_355 = tpu.memref_slice %arg2[%dma_start3A_353, %dma_start3A_354] : memref<10240x128xf32, #tpu.memory_space<hbm>> -> memref<10240x128xf32, #tpu.memory_space<hbm>>
        tpu.enqueue_indirect_dma source(%dma_start3A_355 : memref<10240x128xf32, #tpu.memory_space<hbm>>) target(%dma_start3A_349 : memref<64x128xf32, #tpu.memory_space<vmem>>) offsets(%dma_start3A_352 : memref<64xi32, #tpu.memory_space<vmem>>) semaphore(%arg11 : memref<!tpu.dma_semaphore, #tpu.memory_space<semaphore_mem>>)
      } else {
      }
      %dma_wait3A_276 = arith.constant 1 : i32
      %dma_wait3A_277 = arith.constant 0 : i32
      %dma_wait3A_278 = arith.constant 0 : i32
      %dma_wait3A_279 = tpu.memref_slice %arg9[%dma_wait3A_276, %dma_wait3A_277, %dma_wait3A_278] : memref<3x64x128xf32, #tpu.memory_space<vmem>> -> memref<1x64x128xf32, #tpu.memory_space<vmem>>
      %dma_wait3A_280 = tpu.memref_squeeze %dma_wait3A_279 : memref<1x64x128xf32, #tpu.memory_space<vmem>> -> memref<64x128xf32, #tpu.memory_space<vmem>>
      %dma_wait3A_281 = arith.constant 0 : i32
      %dma_wait3A_282 = tpu.memref_slice %arg7[%add3A_268, %dma_wait3A_281] : memref<80x64xi32, #tpu.memory_space<vmem>> -> memref<1x64xi32, #tpu.memory_space<vmem>>
      %dma_wait3A_283 = tpu.memref_squeeze %dma_wait3A_282 : memref<1x64xi32, #tpu.memory_space<vmem>> -> memref<64xi32, #tpu.memory_space<vmem>>
      %dma_wait3A_284 = arith.constant 0 : i32
      %dma_wait3A_285 = arith.constant 0 : i32
      %dma_wait3A_286 = tpu.memref_slice %arg2[%dma_wait3A_284, %dma_wait3A_285] : memref<10240x128xf32, #tpu.memory_space<hbm>> -> memref<10240x128xf32, #tpu.memory_space<hbm>>
      tpu.wait_indirect_dma semaphore(%arg12 : memref<!tpu.dma_semaphore, #tpu.memory_space<semaphore_mem>>) src(%dma_wait3A_286 : memref<10240x128xf32, #tpu.memory_space<hbm>>) dst(%dma_wait3A_280 : memref<64x128xf32, #tpu.memory_space<vmem>>)
      %dma_start3A_287 = arith.constant 1 : i32
      %dma_start3A_288 = arith.constant 0 : i32
      %dma_start3A_289 = arith.constant 0 : i32
      %dma_start3A_290 = tpu.memref_slice %arg9[%dma_start3A_287, %dma_start3A_288, %dma_start3A_289] : memref<3x64x128xf32, #tpu.memory_space<vmem>> -> memref<1x64x128xf32, #tpu.memory_space<vmem>>
      %dma_start3A_291 = tpu.memref_squeeze %dma_start3A_290 : memref<1x64x128xf32, #tpu.memory_space<vmem>> -> memref<64x128xf32, #tpu.memory_space<vmem>>
      %dma_start3A_292 = arith.constant 0 : i32
      %dma_start3A_293 = tpu.memref_slice %arg8[%add3A_268, %dma_start3A_292] : memref<80x64xi32, #tpu.memory_space<vmem>> -> memref<1x64xi32, #tpu.memory_space<vmem>>
      %dma_start3A_294 = tpu.memref_squeeze %dma_start3A_293 : memref<1x64xi32, #tpu.memory_space<vmem>> -> memref<64xi32, #tpu.memory_space<vmem>>
      %dma_start3A_295 = arith.constant 0 : i32
      %dma_start3A_296 = arith.constant 0 : i32
      %dma_start3A_297 = tpu.memref_slice %arg10[%dma_start3A_295, %dma_start3A_296] : memref<10240x128xf32, #tpu.memory_space<vmem_shared>> -> memref<10240x128xf32, #tpu.memory_space<vmem_shared>>
      tpu.enqueue_indirect_dma source(%dma_start3A_291 : memref<64x128xf32, #tpu.memory_space<vmem>>) target(%dma_start3A_297 : memref<10240x128xf32, #tpu.memory_space<vmem_shared>>) offsets(%dma_start3A_294 : memref<64xi32, #tpu.memory_space<vmem>>) semaphore(%arg15 : memref<!tpu.dma_semaphore, #tpu.memory_space<semaphore_mem>>) {add = true}
      %mul3A_298 = arith.constant 3 : i32
      %mul3A_299 = arith.muli %mul3A_298, %scan3A_234 : i32
      %add3A_300 = arith.constant 2 : i32
      %add3A_301 = arith.addi %mul3A_299, %add3A_300 : i32
      %add3A_302 = arith.constant 2 : i32
      %add3A_303 = arith.addi %add3A_301, %add3A_302 : i32
      %lt3A_304 = arith.constant 80 : i32
      %lt3A_305 = arith.cmpi slt, %add3A_303, %lt3A_304 : i32
      %convert_element_type3A_306 = arith.extui %lt3A_305 : i1 to i32
      %cond3A_307 = arith.constant 0 : i32
      %cond3A_308 = arith.cmpi ne, %convert_element_type3A_306, %cond3A_307 : i32
      scf.if %cond3A_308 {
        %dma_wait3A_331 = arith.constant 1 : i32
        %dma_wait3A_332 = arith.constant 0 : i32
        %dma_wait3A_333 = arith.constant 0 : i32
        %dma_wait3A_334 = arith.constant 0 : i32
        %dma_wait3A_335 = tpu.memref_slice %arg9[%dma_wait3A_331, %dma_wait3A_333, %dma_wait3A_334] : memref<3x64x128xf32, #tpu.memory_space<vmem>> -> memref<1x64x128xf32, #tpu.memory_space<vmem>>
        %dma_wait3A_336 = tpu.memref_squeeze %dma_wait3A_335 : memref<1x64x128xf32, #tpu.memory_space<vmem>> -> memref<64x128xf32, #tpu.memory_space<vmem>>
        %dma_wait3A_337 = arith.constant 0 : i32
        %dma_wait3A_338 = tpu.memref_slice %arg8[%dma_wait3A_332, %dma_wait3A_337] : memref<80x64xi32, #tpu.memory_space<vmem>> -> memref<1x64xi32, #tpu.memory_space<vmem>>
        %dma_wait3A_339 = tpu.memref_squeeze %dma_wait3A_338 : memref<1x64xi32, #tpu.memory_space<vmem>> -> memref<64xi32, #tpu.memory_space<vmem>>
        %dma_wait3A_340 = arith.constant 0 : i32
        %dma_wait3A_341 = arith.constant 0 : i32
        %dma_wait3A_342 = tpu.memref_slice %arg10[%dma_wait3A_340, %dma_wait3A_341] : memref<10240x128xf32, #tpu.memory_space<vmem_shared>> -> memref<10240x128xf32, #tpu.memory_space<vmem_shared>>
        tpu.wait_indirect_dma semaphore(%arg15 : memref<!tpu.dma_semaphore, #tpu.memory_space<semaphore_mem>>) src(%dma_wait3A_336 : memref<64x128xf32, #tpu.memory_space<vmem>>) dst(%dma_wait3A_342 : memref<10240x128xf32, #tpu.memory_space<vmem_shared>>)
        %add3A_343 = arith.constant 2 : i32
        %add3A_344 = arith.addi %add3A_301, %add3A_343 : i32
        %dma_start3A_345 = arith.constant 1 : i32
        %dma_start3A_346 = arith.constant 0 : i32
        %dma_start3A_347 = arith.constant 0 : i32
        %dma_start3A_348 = tpu.memref_slice %arg9[%dma_start3A_345, %dma_start3A_346, %dma_start3A_347] : memref<3x64x128xf32, #tpu.memory_space<vmem>> -> memref<1x64x128xf32, #tpu.memory_space<vmem>>
        %dma_start3A_349 = tpu.memref_squeeze %dma_start3A_348 : memref<1x64x128xf32, #tpu.memory_space<vmem>> -> memref<64x128xf32, #tpu.memory_space<vmem>>
        %dma_start3A_350 = arith.constant 0 : i32
        %dma_start3A_351 = tpu.memref_slice %arg7[%add3A_344, %dma_start3A_350] : memref<80x64xi32, #tpu.memory_space<vmem>> -> memref<1x64xi32, #tpu.memory_space<vmem>>
        %dma_start3A_352 = tpu.memref_squeeze %dma_start3A_351 : memref<1x64xi32, #tpu.memory_space<vmem>> -> memref<64xi32, #tpu.memory_space<vmem>>
        %dma_start3A_353 = arith.constant 0 : i32
        %dma_start3A_354 = arith.constant 0 : i32
        %dma_start3A_355 = tpu.memref_slice %arg2[%dma_start3A_353, %dma_start3A_354] : memref<10240x128xf32, #tpu.memory_space<hbm>> -> memref<10240x128xf32, #tpu.memory_space<hbm>>
        tpu.enqueue_indirect_dma source(%dma_start3A_355 : memref<10240x128xf32, #tpu.memory_space<hbm>>) target(%dma_start3A_349 : memref<64x128xf32, #tpu.memory_space<vmem>>) offsets(%dma_start3A_352 : memref<64xi32, #tpu.memory_space<vmem>>) semaphore(%arg12 : memref<!tpu.dma_semaphore, #tpu.memory_space<semaphore_mem>>)
      } else {
      }
      %dma_wait3A_309 = arith.constant 2 : i32
      %dma_wait3A_310 = arith.constant 0 : i32
      %dma_wait3A_311 = arith.constant 0 : i32
      %dma_wait3A_312 = tpu.memref_slice %arg9[%dma_wait3A_309, %dma_wait3A_310, %dma_wait3A_311] : memref<3x64x128xf32, #tpu.memory_space<vmem>> -> memref<1x64x128xf32, #tpu.memory_space<vmem>>
      %dma_wait3A_313 = tpu.memref_squeeze %dma_wait3A_312 : memref<1x64x128xf32, #tpu.memory_space<vmem>> -> memref<64x128xf32, #tpu.memory_space<vmem>>
      %dma_wait3A_314 = arith.constant 0 : i32
      %dma_wait3A_315 = tpu.memref_slice %arg7[%add3A_301, %dma_wait3A_314] : memref<80x64xi32, #tpu.memory_space<vmem>> -> memref<1x64xi32, #tpu.memory_space<vmem>>
      %dma_wait3A_316 = tpu.memref_squeeze %dma_wait3A_315 : memref<1x64xi32, #tpu.memory_space<vmem>> -> memref<64xi32, #tpu.memory_space<vmem>>
      %dma_wait3A_317 = arith.constant 0 : i32
      %dma_wait3A_318 = arith.constant 0 : i32
      %dma_wait3A_319 = tpu.memref_slice %arg2[%dma_wait3A_317, %dma_wait3A_318] : memref<10240x128xf32, #tpu.memory_space<hbm>> -> memref<10240x128xf32, #tpu.memory_space<hbm>>
      tpu.wait_indirect_dma semaphore(%arg13 : memref<!tpu.dma_semaphore, #tpu.memory_space<semaphore_mem>>) src(%dma_wait3A_319 : memref<10240x128xf32, #tpu.memory_space<hbm>>) dst(%dma_wait3A_313 : memref<64x128xf32, #tpu.memory_space<vmem>>)
      %dma_start3A_320 = arith.constant 2 : i32
      %dma_start3A_321 = arith.constant 0 : i32
      %dma_start3A_322 = arith.constant 0 : i32
      %dma_start3A_323 = tpu.memref_slice %arg9[%dma_start3A_320, %dma_start3A_321, %dma_start3A_322] : memref<3x64x128xf32, #tpu.memory_space<vmem>> -> memref<1x64x128xf32, #tpu.memory_space<vmem>>
      %dma_start3A_324 = tpu.memref_squeeze %dma_start3A_323 : memref<1x64x128xf32, #tpu.memory_space<vmem>> -> memref<64x128xf32, #tpu.memory_space<vmem>>
      %dma_start3A_325 = arith.constant 0 : i32
      %dma_start3A_326 = tpu.memref_slice %arg8[%add3A_301, %dma_start3A_325] : memref<80x64xi32, #tpu.memory_space<vmem>> -> memref<1x64xi32, #tpu.memory_space<vmem>>
      %dma_start3A_327 = tpu.memref_squeeze %dma_start3A_326 : memref<1x64xi32, #tpu.memory_space<vmem>> -> memref<64xi32, #tpu.memory_space<vmem>>
      %dma_start3A_328 = arith.constant 0 : i32
      %dma_start3A_329 = arith.constant 0 : i32
      %dma_start3A_330 = tpu.memref_slice %arg10[%dma_start3A_328, %dma_start3A_329] : memref<10240x128xf32, #tpu.memory_space<vmem_shared>> -> memref<10240x128xf32, #tpu.memory_space<vmem_shared>>
      tpu.enqueue_indirect_dma source(%dma_start3A_324 : memref<64x128xf32, #tpu.memory_space<vmem>>) target(%dma_start3A_330 : memref<10240x128xf32, #tpu.memory_space<vmem_shared>>) offsets(%dma_start3A_327 : memref<64xi32, #tpu.memory_space<vmem>>) semaphore(%arg16 : memref<!tpu.dma_semaphore, #tpu.memory_space<semaphore_mem>>) {add = true}
    }
    %scan3A_29 = arith.constant 26 : i32
    %dma_wait3A = arith.constant 78 : i32
    %dma_wait3A_30 = arith.constant 0 : i32
    %dma_wait3A_31 = arith.constant 0 : i32
    %dma_wait3A_32 = arith.constant 0 : i32
    %dma_wait3A_33 = tpu.memref_slice %arg9[%dma_wait3A_30, %dma_wait3A_31, %dma_wait3A_32] : memref<3x64x128xf32, #tpu.memory_space<vmem>> -> memref<1x64x128xf32, #tpu.memory_space<vmem>>
    %dma_wait3A_34 = tpu.memref_squeeze %dma_wait3A_33 : memref<1x64x128xf32, #tpu.memory_space<vmem>> -> memref<64x128xf32, #tpu.memory_space<vmem>>
    %dma_wait3A_35 = arith.constant 0 : i32
    %dma_wait3A_36 = tpu.memref_slice %arg7[%dma_wait3A, %dma_wait3A_35] : memref<80x64xi32, #tpu.memory_space<vmem>> -> memref<1x64xi32, #tpu.memory_space<vmem>>
    %dma_wait3A_37 = tpu.memref_squeeze %dma_wait3A_36 : memref<1x64xi32, #tpu.memory_space<vmem>> -> memref<64xi32, #tpu.memory_space<vmem>>
    %dma_wait3A_38 = arith.constant 0 : i32
    %dma_wait3A_39 = arith.constant 0 : i32
    %dma_wait3A_40 = tpu.memref_slice %arg2[%dma_wait3A_38, %dma_wait3A_39] : memref<10240x128xf32, #tpu.memory_space<hbm>> -> memref<10240x128xf32, #tpu.memory_space<hbm>>
    tpu.wait_indirect_dma semaphore(%arg11 : memref<!tpu.dma_semaphore, #tpu.memory_space<semaphore_mem>>) src(%dma_wait3A_40 : memref<10240x128xf32, #tpu.memory_space<hbm>>) dst(%dma_wait3A_34 : memref<64x128xf32, #tpu.memory_space<vmem>>)
    %dma_start3A_41 = arith.constant 0 : i32
    %dma_start3A_42 = arith.constant 78 : i32
    %dma_start3A_43 = arith.constant 0 : i32
    %dma_start3A_44 = arith.constant 0 : i32
    %dma_start3A_45 = tpu.memref_slice %arg9[%dma_start3A_41, %dma_start3A_43, %dma_start3A_44] : memref<3x64x128xf32, #tpu.memory_space<vmem>> -> memref<1x64x128xf32, #tpu.memory_space<vmem>>
    %dma_start3A_46 = tpu.memref_squeeze %dma_start3A_45 : memref<1x64x128xf32, #tpu.memory_space<vmem>> -> memref<64x128xf32, #tpu.memory_space<vmem>>
    %dma_start3A_47 = arith.constant 0 : i32
    %dma_start3A_48 = tpu.memref_slice %arg8[%dma_start3A_42, %dma_start3A_47] : memref<80x64xi32, #tpu.memory_space<vmem>> -> memref<1x64xi32, #tpu.memory_space<vmem>>
    %dma_start3A_49 = tpu.memref_squeeze %dma_start3A_48 : memref<1x64xi32, #tpu.memory_space<vmem>> -> memref<64xi32, #tpu.memory_space<vmem>>
    %dma_start3A_50 = arith.constant 0 : i32
    %dma_start3A_51 = arith.constant 0 : i32
    %dma_start3A_52 = tpu.memref_slice %arg10[%dma_start3A_50, %dma_start3A_51] : memref<10240x128xf32, #tpu.memory_space<vmem_shared>> -> memref<10240x128xf32, #tpu.memory_space<vmem_shared>>
    tpu.enqueue_indirect_dma source(%dma_start3A_46 : memref<64x128xf32, #tpu.memory_space<vmem>>) target(%dma_start3A_52 : memref<10240x128xf32, #tpu.memory_space<vmem_shared>>) offsets(%dma_start3A_49 : memref<64xi32, #tpu.memory_space<vmem>>) semaphore(%arg14 : memref<!tpu.dma_semaphore, #tpu.memory_space<semaphore_mem>>) {add = true}
    %dma_wait3A_53 = arith.constant 79 : i32
    %dma_wait3A_54 = arith.constant 1 : i32
    %dma_wait3A_55 = arith.constant 0 : i32
    %dma_wait3A_56 = arith.constant 0 : i32
    %dma_wait3A_57 = tpu.memref_slice %arg9[%dma_wait3A_54, %dma_wait3A_55, %dma_wait3A_56] : memref<3x64x128xf32, #tpu.memory_space<vmem>> -> memref<1x64x128xf32, #tpu.memory_space<vmem>>
    %dma_wait3A_58 = tpu.memref_squeeze %dma_wait3A_57 : memref<1x64x128xf32, #tpu.memory_space<vmem>> -> memref<64x128xf32, #tpu.memory_space<vmem>>
    %dma_wait3A_59 = arith.constant 0 : i32
    %dma_wait3A_60 = tpu.memref_slice %arg7[%dma_wait3A_53, %dma_wait3A_59] : memref<80x64xi32, #tpu.memory_space<vmem>> -> memref<1x64xi32, #tpu.memory_space<vmem>>
    %dma_wait3A_61 = tpu.memref_squeeze %dma_wait3A_60 : memref<1x64xi32, #tpu.memory_space<vmem>> -> memref<64xi32, #tpu.memory_space<vmem>>
    %dma_wait3A_62 = arith.constant 0 : i32
    %dma_wait3A_63 = arith.constant 0 : i32
    %dma_wait3A_64 = tpu.memref_slice %arg2[%dma_wait3A_62, %dma_wait3A_63] : memref<10240x128xf32, #tpu.memory_space<hbm>> -> memref<10240x128xf32, #tpu.memory_space<hbm>>
    tpu.wait_indirect_dma semaphore(%arg12 : memref<!tpu.dma_semaphore, #tpu.memory_space<semaphore_mem>>) src(%dma_wait3A_64 : memref<10240x128xf32, #tpu.memory_space<hbm>>) dst(%dma_wait3A_58 : memref<64x128xf32, #tpu.memory_space<vmem>>)
    %dma_start3A_65 = arith.constant 1 : i32
    %dma_start3A_66 = arith.constant 79 : i32
    %dma_start3A_67 = arith.constant 0 : i32
    %dma_start3A_68 = arith.constant 0 : i32
    %dma_start3A_69 = tpu.memref_slice %arg9[%dma_start3A_65, %dma_start3A_67, %dma_start3A_68] : memref<3x64x128xf32, #tpu.memory_space<vmem>> -> memref<1x64x128xf32, #tpu.memory_space<vmem>>
    %dma_start3A_70 = tpu.memref_squeeze %dma_start3A_69 : memref<1x64x128xf32, #tpu.memory_space<vmem>> -> memref<64x128xf32, #tpu.memory_space<vmem>>
    %dma_start3A_71 = arith.constant 0 : i32
    %dma_start3A_72 = tpu.memref_slice %arg8[%dma_start3A_66, %dma_start3A_71] : memref<80x64xi32, #tpu.memory_space<vmem>> -> memref<1x64xi32, #tpu.memory_space<vmem>>
    %dma_start3A_73 = tpu.memref_squeeze %dma_start3A_72 : memref<1x64xi32, #tpu.memory_space<vmem>> -> memref<64xi32, #tpu.memory_space<vmem>>
    %dma_start3A_74 = arith.constant 0 : i32
    %dma_start3A_75 = arith.constant 0 : i32
    %dma_start3A_76 = tpu.memref_slice %arg10[%dma_start3A_74, %dma_start3A_75] : memref<10240x128xf32, #tpu.memory_space<vmem_shared>> -> memref<10240x128xf32, #tpu.memory_space<vmem_shared>>
    tpu.enqueue_indirect_dma source(%dma_start3A_70 : memref<64x128xf32, #tpu.memory_space<vmem>>) target(%dma_start3A_76 : memref<10240x128xf32, #tpu.memory_space<vmem_shared>>) offsets(%dma_start3A_73 : memref<64xi32, #tpu.memory_space<vmem>>) semaphore(%arg15 : memref<!tpu.dma_semaphore, #tpu.memory_space<semaphore_mem>>) {add = true}
    %dma_wait3A_77 = arith.constant 0 : i32
    %dma_wait3A_78 = arith.constant 0 : i32
    %dma_wait3A_79 = arith.constant 0 : i32
    %dma_wait3A_80 = arith.constant 0 : i32
    %dma_wait3A_81 = tpu.memref_slice %arg9[%dma_wait3A_77, %dma_wait3A_79, %dma_wait3A_80] : memref<3x64x128xf32, #tpu.memory_space<vmem>> -> memref<1x64x128xf32, #tpu.memory_space<vmem>>
    %dma_wait3A_82 = tpu.memref_squeeze %dma_wait3A_81 : memref<1x64x128xf32, #tpu.memory_space<vmem>> -> memref<64x128xf32, #tpu.memory_space<vmem>>
    %dma_wait3A_83 = arith.constant 0 : i32
    %dma_wait3A_84 = tpu.memref_slice %arg8[%dma_wait3A_78, %dma_wait3A_83] : memref<80x64xi32, #tpu.memory_space<vmem>> -> memref<1x64xi32, #tpu.memory_space<vmem>>
    %dma_wait3A_85 = tpu.memref_squeeze %dma_wait3A_84 : memref<1x64xi32, #tpu.memory_space<vmem>> -> memref<64xi32, #tpu.memory_space<vmem>>
    %dma_wait3A_86 = arith.constant 0 : i32
    %dma_wait3A_87 = arith.constant 0 : i32
    %dma_wait3A_88 = tpu.memref_slice %arg10[%dma_wait3A_86, %dma_wait3A_87] : memref<10240x128xf32, #tpu.memory_space<vmem_shared>> -> memref<10240x128xf32, #tpu.memory_space<vmem_shared>>
    tpu.wait_indirect_dma semaphore(%arg14 : memref<!tpu.dma_semaphore, #tpu.memory_space<semaphore_mem>>) src(%dma_wait3A_82 : memref<64x128xf32, #tpu.memory_space<vmem>>) dst(%dma_wait3A_88 : memref<10240x128xf32, #tpu.memory_space<vmem_shared>>)
    %dma_wait3A_89 = arith.constant 1 : i32
    %dma_wait3A_90 = arith.constant 0 : i32
    %dma_wait3A_91 = arith.constant 0 : i32
    %dma_wait3A_92 = arith.constant 0 : i32
    %dma_wait3A_93 = tpu.memref_slice %arg9[%dma_wait3A_89, %dma_wait3A_91, %dma_wait3A_92] : memref<3x64x128xf32, #tpu.memory_space<vmem>> -> memref<1x64x128xf32, #tpu.memory_space<vmem>>
    %dma_wait3A_94 = tpu.memref_squeeze %dma_wait3A_93 : memref<1x64x128xf32, #tpu.memory_space<vmem>> -> memref<64x128xf32, #tpu.memory_space<vmem>>
    %dma_wait3A_95 = arith.constant 0 : i32
    %dma_wait3A_96 = tpu.memref_slice %arg8[%dma_wait3A_90, %dma_wait3A_95] : memref<80x64xi32, #tpu.memory_space<vmem>> -> memref<1x64xi32, #tpu.memory_space<vmem>>
    %dma_wait3A_97 = tpu.memref_squeeze %dma_wait3A_96 : memref<1x64xi32, #tpu.memory_space<vmem>> -> memref<64xi32, #tpu.memory_space<vmem>>
    %dma_wait3A_98 = arith.constant 0 : i32
    %dma_wait3A_99 = arith.constant 0 : i32
    %dma_wait3A_100 = tpu.memref_slice %arg10[%dma_wait3A_98, %dma_wait3A_99] : memref<10240x128xf32, #tpu.memory_space<vmem_shared>> -> memref<10240x128xf32, #tpu.memory_space<vmem_shared>>
    tpu.wait_indirect_dma semaphore(%arg15 : memref<!tpu.dma_semaphore, #tpu.memory_space<semaphore_mem>>) src(%dma_wait3A_94 : memref<64x128xf32, #tpu.memory_space<vmem>>) dst(%dma_wait3A_100 : memref<10240x128xf32, #tpu.memory_space<vmem_shared>>)
    %dma_wait3A_101 = arith.constant 2 : i32
    %dma_wait3A_102 = arith.constant 0 : i32
    %dma_wait3A_103 = arith.constant 0 : i32
    %dma_wait3A_104 = arith.constant 0 : i32
    %dma_wait3A_105 = tpu.memref_slice %arg9[%dma_wait3A_101, %dma_wait3A_103, %dma_wait3A_104] : memref<3x64x128xf32, #tpu.memory_space<vmem>> -> memref<1x64x128xf32, #tpu.memory_space<vmem>>
    %dma_wait3A_106 = tpu.memref_squeeze %dma_wait3A_105 : memref<1x64x128xf32, #tpu.memory_space<vmem>> -> memref<64x128xf32, #tpu.memory_space<vmem>>
    %dma_wait3A_107 = arith.constant 0 : i32
    %dma_wait3A_108 = tpu.memref_slice %arg8[%dma_wait3A_102, %dma_wait3A_107] : memref<80x64xi32, #tpu.memory_space<vmem>> -> memref<1x64xi32, #tpu.memory_space<vmem>>
    %dma_wait3A_109 = tpu.memref_squeeze %dma_wait3A_108 : memref<1x64xi32, #tpu.memory_space<vmem>> -> memref<64xi32, #tpu.memory_space<vmem>>
    %dma_wait3A_110 = arith.constant 0 : i32
    %dma_wait3A_111 = arith.constant 0 : i32
    %dma_wait3A_112 = tpu.memref_slice %arg10[%dma_wait3A_110, %dma_wait3A_111] : memref<10240x128xf32, #tpu.memory_space<vmem_shared>> -> memref<10240x128xf32, #tpu.memory_space<vmem_shared>>
    tpu.wait_indirect_dma semaphore(%arg16 : memref<!tpu.dma_semaphore, #tpu.memory_space<semaphore_mem>>) src(%dma_wait3A_106 : memref<64x128xf32, #tpu.memory_space<vmem>>) dst(%dma_wait3A_112 : memref<10240x128xf32, #tpu.memory_space<vmem_shared>>)
    "tpu.region"() ({
      %run_scoped3A = tpu.sem_alloc : memref<!tpu.dma_semaphore, #tpu.memory_space<semaphore_mem>>
      %dma_start3A_234 = arith.constant 80 : i32
      %dma_start3A_235 = arith.constant 0 : i32
      %dma_start3A_236 = tpu.memref_slice %arg3[%add3A, %dma_start3A_234, %dma_start3A_235] : memref<32x160x64xi32, #tpu.memory_space<hbm>> -> memref<1x80x64xi32, #tpu.memory_space<hbm>>
      %dma_start3A_237 = tpu.memref_squeeze %dma_start3A_236 : memref<1x80x64xi32, #tpu.memory_space<hbm>> -> memref<80x64xi32, #tpu.memory_space<hbm>>
      %dma_start3A_238 = arith.constant 80 : i32
      %dma_start3A_239 = arith.constant 0 : i32
      %dma_start3A_240 = tpu.memref_slice %arg3[%add3A, %dma_start3A_238, %dma_start3A_239] : memref<32x160x64xi32, #tpu.memory_space<hbm>> -> memref<1x80x64xi32, #tpu.memory_space<hbm>>
      %dma_start3A_241 = tpu.memref_squeeze %dma_start3A_240 : memref<1x80x64xi32, #tpu.memory_space<hbm>> -> memref<80x64xi32, #tpu.memory_space<hbm>>
      tpu.enqueue_dma source(%dma_start3A_241 : memref<80x64xi32, #tpu.memory_space<hbm>>) target(%arg7 : memref<80x64xi32, #tpu.memory_space<vmem>>) target_semaphore(%run_scoped3A : memref<!tpu.dma_semaphore, #tpu.memory_space<semaphore_mem>>)
      %dma_wait3A_242 = arith.constant 80 : i32
      %dma_wait3A_243 = arith.constant 0 : i32
      %dma_wait3A_244 = tpu.memref_slice %arg3[%add3A, %dma_wait3A_242, %dma_wait3A_243] : memref<32x160x64xi32, #tpu.memory_space<hbm>> -> memref<1x80x64xi32, #tpu.memory_space<hbm>>
      %dma_wait3A_245 = tpu.memref_squeeze %dma_wait3A_244 : memref<1x80x64xi32, #tpu.memory_space<hbm>> -> memref<80x64xi32, #tpu.memory_space<hbm>>
      %dma_wait3A_246 = arith.constant 80 : i32
      %dma_wait3A_247 = arith.constant 0 : i32
      %dma_wait3A_248 = tpu.memref_slice %arg3[%add3A, %dma_wait3A_246, %dma_wait3A_247] : memref<32x160x64xi32, #tpu.memory_space<hbm>> -> memref<1x80x64xi32, #tpu.memory_space<hbm>>
      %dma_wait3A_249 = tpu.memref_squeeze %dma_wait3A_248 : memref<1x80x64xi32, #tpu.memory_space<hbm>> -> memref<80x64xi32, #tpu.memory_space<hbm>>
      tpu.wait_dma2 semaphore(%run_scoped3A : memref<!tpu.dma_semaphore, #tpu.memory_space<semaphore_mem>>) src(%dma_wait3A_249 : memref<80x64xi32, #tpu.memory_space<hbm>>) dst(%arg7 : memref<80x64xi32, #tpu.memory_space<vmem>>)
      tpu.yield
    }) : () -> ()
    "tpu.region"() ({
      %run_scoped3A = tpu.sem_alloc : memref<!tpu.dma_semaphore, #tpu.memory_space<semaphore_mem>>
      %dma_start3A_234 = arith.constant 80 : i32
      %dma_start3A_235 = arith.constant 0 : i32
      %dma_start3A_236 = tpu.memref_slice %arg4[%add3A, %dma_start3A_234, %dma_start3A_235] : memref<32x160x64xi32, #tpu.memory_space<hbm>> -> memref<1x80x64xi32, #tpu.memory_space<hbm>>
      %dma_start3A_237 = tpu.memref_squeeze %dma_start3A_236 : memref<1x80x64xi32, #tpu.memory_space<hbm>> -> memref<80x64xi32, #tpu.memory_space<hbm>>
      %dma_start3A_238 = arith.constant 80 : i32
      %dma_start3A_239 = arith.constant 0 : i32
      %dma_start3A_240 = tpu.memref_slice %arg4[%add3A, %dma_start3A_238, %dma_start3A_239] : memref<32x160x64xi32, #tpu.memory_space<hbm>> -> memref<1x80x64xi32, #tpu.memory_space<hbm>>
      %dma_start3A_241 = tpu.memref_squeeze %dma_start3A_240 : memref<1x80x64xi32, #tpu.memory_space<hbm>> -> memref<80x64xi32, #tpu.memory_space<hbm>>
      tpu.enqueue_dma source(%dma_start3A_241 : memref<80x64xi32, #tpu.memory_space<hbm>>) target(%arg8 : memref<80x64xi32, #tpu.memory_space<vmem>>) target_semaphore(%run_scoped3A : memref<!tpu.dma_semaphore, #tpu.memory_space<semaphore_mem>>)
      %dma_wait3A_242 = arith.constant 80 : i32
      %dma_wait3A_243 = arith.constant 0 : i32
      %dma_wait3A_244 = tpu.memref_slice %arg4[%add3A, %dma_wait3A_242, %dma_wait3A_243] : memref<32x160x64xi32, #tpu.memory_space<hbm>> -> memref<1x80x64xi32, #tpu.memory_space<hbm>>
      %dma_wait3A_245 = tpu.memref_squeeze %dma_wait3A_244 : memref<1x80x64xi32, #tpu.memory_space<hbm>> -> memref<80x64xi32, #tpu.memory_space<hbm>>
      %dma_wait3A_246 = arith.constant 80 : i32
      %dma_wait3A_247 = arith.constant 0 : i32
      %dma_wait3A_248 = tpu.memref_slice %arg4[%add3A, %dma_wait3A_246, %dma_wait3A_247] : memref<32x160x64xi32, #tpu.memory_space<hbm>> -> memref<1x80x64xi32, #tpu.memory_space<hbm>>
      %dma_wait3A_249 = tpu.memref_squeeze %dma_wait3A_248 : memref<1x80x64xi32, #tpu.memory_space<hbm>> -> memref<80x64xi32, #tpu.memory_space<hbm>>
      tpu.wait_dma2 semaphore(%run_scoped3A : memref<!tpu.dma_semaphore, #tpu.memory_space<semaphore_mem>>) src(%dma_wait3A_249 : memref<80x64xi32, #tpu.memory_space<hbm>>) dst(%arg8 : memref<80x64xi32, #tpu.memory_space<vmem>>)
      tpu.yield
    }) : () -> ()
    %dma_start3A_113 = arith.constant 0 : i32
    %dma_start3A_114 = arith.constant 0 : i32
    %dma_start3A_115 = arith.constant 0 : i32
    %dma_start3A_116 = arith.constant 0 : i32
    %dma_start3A_117 = tpu.memref_slice %arg9[%dma_start3A_114, %dma_start3A_115, %dma_start3A_116] : memref<3x64x128xf32, #tpu.memory_space<vmem>> -> memref<1x64x128xf32, #tpu.memory_space<vmem>>
    %dma_start3A_118 = tpu.memref_squeeze %dma_start3A_117 : memref<1x64x128xf32, #tpu.memory_space<vmem>> -> memref<64x128xf32, #tpu.memory_space<vmem>>
    %dma_start3A_119 = arith.constant 0 : i32
    %dma_start3A_120 = tpu.memref_slice %arg7[%dma_start3A_113, %dma_start3A_119] : memref<80x64xi32, #tpu.memory_space<vmem>> -> memref<1x64xi32, #tpu.memory_space<vmem>>
    %dma_start3A_121 = tpu.memref_squeeze %dma_start3A_120 : memref<1x64xi32, #tpu.memory_space<vmem>> -> memref<64xi32, #tpu.memory_space<vmem>>
    %dma_start3A_122 = arith.constant 0 : i32
    %dma_start3A_123 = arith.constant 0 : i32
    %dma_start3A_124 = tpu.memref_slice %arg2[%dma_start3A_122, %dma_start3A_123] : memref<10240x128xf32, #tpu.memory_space<hbm>> -> memref<10240x128xf32, #tpu.memory_space<hbm>>
    tpu.enqueue_indirect_dma source(%dma_start3A_124 : memref<10240x128xf32, #tpu.memory_space<hbm>>) target(%dma_start3A_118 : memref<64x128xf32, #tpu.memory_space<vmem>>) offsets(%dma_start3A_121 : memref<64xi32, #tpu.memory_space<vmem>>) semaphore(%arg11 : memref<!tpu.dma_semaphore, #tpu.memory_space<semaphore_mem>>)
    %dma_start3A_125 = arith.constant 1 : i32
    %dma_start3A_126 = arith.constant 1 : i32
    %dma_start3A_127 = arith.constant 0 : i32
    %dma_start3A_128 = arith.constant 0 : i32
    %dma_start3A_129 = tpu.memref_slice %arg9[%dma_start3A_126, %dma_start3A_127, %dma_start3A_128] : memref<3x64x128xf32, #tpu.memory_space<vmem>> -> memref<1x64x128xf32, #tpu.memory_space<vmem>>
    %dma_start3A_130 = tpu.memref_squeeze %dma_start3A_129 : memref<1x64x128xf32, #tpu.memory_space<vmem>> -> memref<64x128xf32, #tpu.memory_space<vmem>>
    %dma_start3A_131 = arith.constant 0 : i32
    %dma_start3A_132 = tpu.memref_slice %arg7[%dma_start3A_125, %dma_start3A_131] : memref<80x64xi32, #tpu.memory_space<vmem>> -> memref<1x64xi32, #tpu.memory_space<vmem>>
    %dma_start3A_133 = tpu.memref_squeeze %dma_start3A_132 : memref<1x64xi32, #tpu.memory_space<vmem>> -> memref<64xi32, #tpu.memory_space<vmem>>
    %dma_start3A_134 = arith.constant 0 : i32
    %dma_start3A_135 = arith.constant 0 : i32
    %dma_start3A_136 = tpu.memref_slice %arg2[%dma_start3A_134, %dma_start3A_135] : memref<10240x128xf32, #tpu.memory_space<hbm>> -> memref<10240x128xf32, #tpu.memory_space<hbm>>
    tpu.enqueue_indirect_dma source(%dma_start3A_136 : memref<10240x128xf32, #tpu.memory_space<hbm>>) target(%dma_start3A_130 : memref<64x128xf32, #tpu.memory_space<vmem>>) offsets(%dma_start3A_133 : memref<64xi32, #tpu.memory_space<vmem>>) semaphore(%arg12 : memref<!tpu.dma_semaphore, #tpu.memory_space<semaphore_mem>>)
    %scan3A_137 = arith.constant 0 : i32
    %scan3A_138 = arith.constant 26 : i32
    %scan3A_139 = arith.addi %scan3A_137, %scan3A_138 : i32
    %scan3A_140 = arith.constant 1 : i32
    scf.for %scan3A_234 = %scan3A_137 to %scan3A_139 step %scan3A_140  : i32 {
      %mul3A_235 = arith.constant 3 : i32
      %mul3A_236 = arith.muli %mul3A_235, %scan3A_234 : i32
      %add3A_237 = arith.constant 0 : i32
      %add3A_238 = arith.addi %mul3A_236, %add3A_237 : i32
      %add3A_239 = arith.constant 2 : i32
      %add3A_240 = arith.addi %add3A_238, %add3A_239 : i32
      %lt3A = arith.constant 80 : i32
      %lt3A_241 = arith.cmpi slt, %add3A_240, %lt3A : i32
      %convert_element_type3A = arith.extui %lt3A_241 : i1 to i32
      %cond3A = arith.constant 0 : i32
      %cond3A_242 = arith.cmpi ne, %convert_element_type3A, %cond3A : i32
      scf.if %cond3A_242 {
        %ge3A = arith.constant 1 : i32
        %ge3A_331 = arith.cmpi sge, %scan3A_234, %ge3A : i32
        %convert_element_type3A_332 = arith.extui %ge3A_331 : i1 to i32
        %cond3A_333 = arith.constant 0 : i32
        %cond3A_334 = arith.cmpi ne, %convert_element_type3A_332, %cond3A_333 : i32
        scf.if %cond3A_334 {
          %dma_wait3A_348 = arith.constant 2 : i32
          %dma_wait3A_349 = arith.constant 0 : i32
          %dma_wait3A_350 = arith.constant 0 : i32
          %dma_wait3A_351 = arith.constant 0 : i32
          %dma_wait3A_352 = tpu.memref_slice %arg9[%dma_wait3A_348, %dma_wait3A_350, %dma_wait3A_351] : memref<3x64x128xf32, #tpu.memory_space<vmem>> -> memref<1x64x128xf32, #tpu.memory_space<vmem>>
          %dma_wait3A_353 = tpu.memref_squeeze %dma_wait3A_352 : memref<1x64x128xf32, #tpu.memory_space<vmem>> -> memref<64x128xf32, #tpu.memory_space<vmem>>
          %dma_wait3A_354 = arith.constant 0 : i32
          %dma_wait3A_355 = tpu.memref_slice %arg8[%dma_wait3A_349, %dma_wait3A_354] : memref<80x64xi32, #tpu.memory_space<vmem>> -> memref<1x64xi32, #tpu.memory_space<vmem>>
          %dma_wait3A_356 = tpu.memref_squeeze %dma_wait3A_355 : memref<1x64xi32, #tpu.memory_space<vmem>> -> memref<64xi32, #tpu.memory_space<vmem>>
          %dma_wait3A_357 = arith.constant 0 : i32
          %dma_wait3A_358 = arith.constant 0 : i32
          %dma_wait3A_359 = tpu.memref_slice %arg10[%dma_wait3A_357, %dma_wait3A_358] : memref<10240x128xf32, #tpu.memory_space<vmem_shared>> -> memref<10240x128xf32, #tpu.memory_space<vmem_shared>>
          tpu.wait_indirect_dma semaphore(%arg16 : memref<!tpu.dma_semaphore, #tpu.memory_space<semaphore_mem>>) src(%dma_wait3A_353 : memref<64x128xf32, #tpu.memory_space<vmem>>) dst(%dma_wait3A_359 : memref<10240x128xf32, #tpu.memory_space<vmem_shared>>)
        } else {
        }
        %add3A_335 = arith.constant 2 : i32
        %add3A_336 = arith.addi %add3A_238, %add3A_335 : i32
        %dma_start3A_337 = arith.constant 2 : i32
        %dma_start3A_338 = arith.constant 0 : i32
        %dma_start3A_339 = arith.constant 0 : i32
        %dma_start3A_340 = tpu.memref_slice %arg9[%dma_start3A_337, %dma_start3A_338, %dma_start3A_339] : memref<3x64x128xf32, #tpu.memory_space<vmem>> -> memref<1x64x128xf32, #tpu.memory_space<vmem>>
        %dma_start3A_341 = tpu.memref_squeeze %dma_start3A_340 : memref<1x64x128xf32, #tpu.memory_space<vmem>> -> memref<64x128xf32, #tpu.memory_space<vmem>>
        %dma_start3A_342 = arith.constant 0 : i32
        %dma_start3A_343 = tpu.memref_slice %arg7[%add3A_336, %dma_start3A_342] : memref<80x64xi32, #tpu.memory_space<vmem>> -> memref<1x64xi32, #tpu.memory_space<vmem>>
        %dma_start3A_344 = tpu.memref_squeeze %dma_start3A_343 : memref<1x64xi32, #tpu.memory_space<vmem>> -> memref<64xi32, #tpu.memory_space<vmem>>
        %dma_start3A_345 = arith.constant 0 : i32
        %dma_start3A_346 = arith.constant 0 : i32
        %dma_start3A_347 = tpu.memref_slice %arg2[%dma_start3A_345, %dma_start3A_346] : memref<10240x128xf32, #tpu.memory_space<hbm>> -> memref<10240x128xf32, #tpu.memory_space<hbm>>
        tpu.enqueue_indirect_dma source(%dma_start3A_347 : memref<10240x128xf32, #tpu.memory_space<hbm>>) target(%dma_start3A_341 : memref<64x128xf32, #tpu.memory_space<vmem>>) offsets(%dma_start3A_344 : memref<64xi32, #tpu.memory_space<vmem>>) semaphore(%arg13 : memref<!tpu.dma_semaphore, #tpu.memory_space<semaphore_mem>>)
      } else {
      }
      %dma_wait3A_243 = arith.constant 0 : i32
      %dma_wait3A_244 = arith.constant 0 : i32
      %dma_wait3A_245 = arith.constant 0 : i32
      %dma_wait3A_246 = tpu.memref_slice %arg9[%dma_wait3A_243, %dma_wait3A_244, %dma_wait3A_245] : memref<3x64x128xf32, #tpu.memory_space<vmem>> -> memref<1x64x128xf32, #tpu.memory_space<vmem>>
      %dma_wait3A_247 = tpu.memref_squeeze %dma_wait3A_246 : memref<1x64x128xf32, #tpu.memory_space<vmem>> -> memref<64x128xf32, #tpu.memory_space<vmem>>
      %dma_wait3A_248 = arith.constant 0 : i32
      %dma_wait3A_249 = tpu.memref_slice %arg7[%add3A_238, %dma_wait3A_248] : memref<80x64xi32, #tpu.memory_space<vmem>> -> memref<1x64xi32, #tpu.memory_space<vmem>>
      %dma_wait3A_250 = tpu.memref_squeeze %dma_wait3A_249 : memref<1x64xi32, #tpu.memory_space<vmem>> -> memref<64xi32, #tpu.memory_space<vmem>>
      %dma_wait3A_251 = arith.constant 0 : i32
      %dma_wait3A_252 = arith.constant 0 : i32
      %dma_wait3A_253 = tpu.memref_slice %arg2[%dma_wait3A_251, %dma_wait3A_252] : memref<10240x128xf32, #tpu.memory_space<hbm>> -> memref<10240x128xf32, #tpu.memory_space<hbm>>
      tpu.wait_indirect_dma semaphore(%arg11 : memref<!tpu.dma_semaphore, #tpu.memory_space<semaphore_mem>>) src(%dma_wait3A_253 : memref<10240x128xf32, #tpu.memory_space<hbm>>) dst(%dma_wait3A_247 : memref<64x128xf32, #tpu.memory_space<vmem>>)
      %dma_start3A_254 = arith.constant 0 : i32
      %dma_start3A_255 = arith.constant 0 : i32
      %dma_start3A_256 = arith.constant 0 : i32
      %dma_start3A_257 = tpu.memref_slice %arg9[%dma_start3A_254, %dma_start3A_255, %dma_start3A_256] : memref<3x64x128xf32, #tpu.memory_space<vmem>> -> memref<1x64x128xf32, #tpu.memory_space<vmem>>
      %dma_start3A_258 = tpu.memref_squeeze %dma_start3A_257 : memref<1x64x128xf32, #tpu.memory_space<vmem>> -> memref<64x128xf32, #tpu.memory_space<vmem>>
      %dma_start3A_259 = arith.constant 0 : i32
      %dma_start3A_260 = tpu.memref_slice %arg8[%add3A_238, %dma_start3A_259] : memref<80x64xi32, #tpu.memory_space<vmem>> -> memref<1x64xi32, #tpu.memory_space<vmem>>
      %dma_start3A_261 = tpu.memref_squeeze %dma_start3A_260 : memref<1x64xi32, #tpu.memory_space<vmem>> -> memref<64xi32, #tpu.memory_space<vmem>>
      %dma_start3A_262 = arith.constant 0 : i32
      %dma_start3A_263 = arith.constant 0 : i32
      %dma_start3A_264 = tpu.memref_slice %arg10[%dma_start3A_262, %dma_start3A_263] : memref<10240x128xf32, #tpu.memory_space<vmem_shared>> -> memref<10240x128xf32, #tpu.memory_space<vmem_shared>>
      tpu.enqueue_indirect_dma source(%dma_start3A_258 : memref<64x128xf32, #tpu.memory_space<vmem>>) target(%dma_start3A_264 : memref<10240x128xf32, #tpu.memory_space<vmem_shared>>) offsets(%dma_start3A_261 : memref<64xi32, #tpu.memory_space<vmem>>) semaphore(%arg14 : memref<!tpu.dma_semaphore, #tpu.memory_space<semaphore_mem>>) {add = true}
      %mul3A_265 = arith.constant 3 : i32
      %mul3A_266 = arith.muli %mul3A_265, %scan3A_234 : i32
      %add3A_267 = arith.constant 1 : i32
      %add3A_268 = arith.addi %mul3A_266, %add3A_267 : i32
      %add3A_269 = arith.constant 2 : i32
      %add3A_270 = arith.addi %add3A_268, %add3A_269 : i32
      %lt3A_271 = arith.constant 80 : i32
      %lt3A_272 = arith.cmpi slt, %add3A_270, %lt3A_271 : i32
      %convert_element_type3A_273 = arith.extui %lt3A_272 : i1 to i32
      %cond3A_274 = arith.constant 0 : i32
      %cond3A_275 = arith.cmpi ne, %convert_element_type3A_273, %cond3A_274 : i32
      scf.if %cond3A_275 {
        %dma_wait3A_331 = arith.constant 0 : i32
        %dma_wait3A_332 = arith.constant 0 : i32
        %dma_wait3A_333 = arith.constant 0 : i32
        %dma_wait3A_334 = arith.constant 0 : i32
        %dma_wait3A_335 = tpu.memref_slice %arg9[%dma_wait3A_331, %dma_wait3A_333, %dma_wait3A_334] : memref<3x64x128xf32, #tpu.memory_space<vmem>> -> memref<1x64x128xf32, #tpu.memory_space<vmem>>
        %dma_wait3A_336 = tpu.memref_squeeze %dma_wait3A_335 : memref<1x64x128xf32, #tpu.memory_space<vmem>> -> memref<64x128xf32, #tpu.memory_space<vmem>>
        %dma_wait3A_337 = arith.constant 0 : i32
        %dma_wait3A_338 = tpu.memref_slice %arg8[%dma_wait3A_332, %dma_wait3A_337] : memref<80x64xi32, #tpu.memory_space<vmem>> -> memref<1x64xi32, #tpu.memory_space<vmem>>
        %dma_wait3A_339 = tpu.memref_squeeze %dma_wait3A_338 : memref<1x64xi32, #tpu.memory_space<vmem>> -> memref<64xi32, #tpu.memory_space<vmem>>
        %dma_wait3A_340 = arith.constant 0 : i32
        %dma_wait3A_341 = arith.constant 0 : i32
        %dma_wait3A_342 = tpu.memref_slice %arg10[%dma_wait3A_340, %dma_wait3A_341] : memref<10240x128xf32, #tpu.memory_space<vmem_shared>> -> memref<10240x128xf32, #tpu.memory_space<vmem_shared>>
        tpu.wait_indirect_dma semaphore(%arg14 : memref<!tpu.dma_semaphore, #tpu.memory_space<semaphore_mem>>) src(%dma_wait3A_336 : memref<64x128xf32, #tpu.memory_space<vmem>>) dst(%dma_wait3A_342 : memref<10240x128xf32, #tpu.memory_space<vmem_shared>>)
        %add3A_343 = arith.constant 2 : i32
        %add3A_344 = arith.addi %add3A_268, %add3A_343 : i32
        %dma_start3A_345 = arith.constant 0 : i32
        %dma_start3A_346 = arith.constant 0 : i32
        %dma_start3A_347 = arith.constant 0 : i32
        %dma_start3A_348 = tpu.memref_slice %arg9[%dma_start3A_345, %dma_start3A_346, %dma_start3A_347] : memref<3x64x128xf32, #tpu.memory_space<vmem>> -> memref<1x64x128xf32, #tpu.memory_space<vmem>>
        %dma_start3A_349 = tpu.memref_squeeze %dma_start3A_348 : memref<1x64x128xf32, #tpu.memory_space<vmem>> -> memref<64x128xf32, #tpu.memory_space<vmem>>
        %dma_start3A_350 = arith.constant 0 : i32
        %dma_start3A_351 = tpu.memref_slice %arg7[%add3A_344, %dma_start3A_350] : memref<80x64xi32, #tpu.memory_space<vmem>> -> memref<1x64xi32, #tpu.memory_space<vmem>>
        %dma_start3A_352 = tpu.memref_squeeze %dma_start3A_351 : memref<1x64xi32, #tpu.memory_space<vmem>> -> memref<64xi32, #tpu.memory_space<vmem>>
        %dma_start3A_353 = arith.constant 0 : i32
        %dma_start3A_354 = arith.constant 0 : i32
        %dma_start3A_355 = tpu.memref_slice %arg2[%dma_start3A_353, %dma_start3A_354] : memref<10240x128xf32, #tpu.memory_space<hbm>> -> memref<10240x128xf32, #tpu.memory_space<hbm>>
        tpu.enqueue_indirect_dma source(%dma_start3A_355 : memref<10240x128xf32, #tpu.memory_space<hbm>>) target(%dma_start3A_349 : memref<64x128xf32, #tpu.memory_space<vmem>>) offsets(%dma_start3A_352 : memref<64xi32, #tpu.memory_space<vmem>>) semaphore(%arg11 : memref<!tpu.dma_semaphore, #tpu.memory_space<semaphore_mem>>)
      } else {
      }
      %dma_wait3A_276 = arith.constant 1 : i32
      %dma_wait3A_277 = arith.constant 0 : i32
      %dma_wait3A_278 = arith.constant 0 : i32
      %dma_wait3A_279 = tpu.memref_slice %arg9[%dma_wait3A_276, %dma_wait3A_277, %dma_wait3A_278] : memref<3x64x128xf32, #tpu.memory_space<vmem>> -> memref<1x64x128xf32, #tpu.memory_space<vmem>>
      %dma_wait3A_280 = tpu.memref_squeeze %dma_wait3A_279 : memref<1x64x128xf32, #tpu.memory_space<vmem>> -> memref<64x128xf32, #tpu.memory_space<vmem>>
      %dma_wait3A_281 = arith.constant 0 : i32
      %dma_wait3A_282 = tpu.memref_slice %arg7[%add3A_268, %dma_wait3A_281] : memref<80x64xi32, #tpu.memory_space<vmem>> -> memref<1x64xi32, #tpu.memory_space<vmem>>
      %dma_wait3A_283 = tpu.memref_squeeze %dma_wait3A_282 : memref<1x64xi32, #tpu.memory_space<vmem>> -> memref<64xi32, #tpu.memory_space<vmem>>
      %dma_wait3A_284 = arith.constant 0 : i32
      %dma_wait3A_285 = arith.constant 0 : i32
      %dma_wait3A_286 = tpu.memref_slice %arg2[%dma_wait3A_284, %dma_wait3A_285] : memref<10240x128xf32, #tpu.memory_space<hbm>> -> memref<10240x128xf32, #tpu.memory_space<hbm>>
      tpu.wait_indirect_dma semaphore(%arg12 : memref<!tpu.dma_semaphore, #tpu.memory_space<semaphore_mem>>) src(%dma_wait3A_286 : memref<10240x128xf32, #tpu.memory_space<hbm>>) dst(%dma_wait3A_280 : memref<64x128xf32, #tpu.memory_space<vmem>>)
      %dma_start3A_287 = arith.constant 1 : i32
      %dma_start3A_288 = arith.constant 0 : i32
      %dma_start3A_289 = arith.constant 0 : i32
      %dma_start3A_290 = tpu.memref_slice %arg9[%dma_start3A_287, %dma_start3A_288, %dma_start3A_289] : memref<3x64x128xf32, #tpu.memory_space<vmem>> -> memref<1x64x128xf32, #tpu.memory_space<vmem>>
      %dma_start3A_291 = tpu.memref_squeeze %dma_start3A_290 : memref<1x64x128xf32, #tpu.memory_space<vmem>> -> memref<64x128xf32, #tpu.memory_space<vmem>>
      %dma_start3A_292 = arith.constant 0 : i32
      %dma_start3A_293 = tpu.memref_slice %arg8[%add3A_268, %dma_start3A_292] : memref<80x64xi32, #tpu.memory_space<vmem>> -> memref<1x64xi32, #tpu.memory_space<vmem>>
      %dma_start3A_294 = tpu.memref_squeeze %dma_start3A_293 : memref<1x64xi32, #tpu.memory_space<vmem>> -> memref<64xi32, #tpu.memory_space<vmem>>
      %dma_start3A_295 = arith.constant 0 : i32
      %dma_start3A_296 = arith.constant 0 : i32
      %dma_start3A_297 = tpu.memref_slice %arg10[%dma_start3A_295, %dma_start3A_296] : memref<10240x128xf32, #tpu.memory_space<vmem_shared>> -> memref<10240x128xf32, #tpu.memory_space<vmem_shared>>
      tpu.enqueue_indirect_dma source(%dma_start3A_291 : memref<64x128xf32, #tpu.memory_space<vmem>>) target(%dma_start3A_297 : memref<10240x128xf32, #tpu.memory_space<vmem_shared>>) offsets(%dma_start3A_294 : memref<64xi32, #tpu.memory_space<vmem>>) semaphore(%arg15 : memref<!tpu.dma_semaphore, #tpu.memory_space<semaphore_mem>>) {add = true}
      %mul3A_298 = arith.constant 3 : i32
      %mul3A_299 = arith.muli %mul3A_298, %scan3A_234 : i32
      %add3A_300 = arith.constant 2 : i32
      %add3A_301 = arith.addi %mul3A_299, %add3A_300 : i32
      %add3A_302 = arith.constant 2 : i32
      %add3A_303 = arith.addi %add3A_301, %add3A_302 : i32
      %lt3A_304 = arith.constant 80 : i32
      %lt3A_305 = arith.cmpi slt, %add3A_303, %lt3A_304 : i32
      %convert_element_type3A_306 = arith.extui %lt3A_305 : i1 to i32
      %cond3A_307 = arith.constant 0 : i32
      %cond3A_308 = arith.cmpi ne, %convert_element_type3A_306, %cond3A_307 : i32
      scf.if %cond3A_308 {
        %dma_wait3A_331 = arith.constant 1 : i32
        %dma_wait3A_332 = arith.constant 0 : i32
        %dma_wait3A_333 = arith.constant 0 : i32
        %dma_wait3A_334 = arith.constant 0 : i32
        %dma_wait3A_335 = tpu.memref_slice %arg9[%dma_wait3A_331, %dma_wait3A_333, %dma_wait3A_334] : memref<3x64x128xf32, #tpu.memory_space<vmem>> -> memref<1x64x128xf32, #tpu.memory_space<vmem>>
        %dma_wait3A_336 = tpu.memref_squeeze %dma_wait3A_335 : memref<1x64x128xf32, #tpu.memory_space<vmem>> -> memref<64x128xf32, #tpu.memory_space<vmem>>
        %dma_wait3A_337 = arith.constant 0 : i32
        %dma_wait3A_338 = tpu.memref_slice %arg8[%dma_wait3A_332, %dma_wait3A_337] : memref<80x64xi32, #tpu.memory_space<vmem>> -> memref<1x64xi32, #tpu.memory_space<vmem>>
        %dma_wait3A_339 = tpu.memref_squeeze %dma_wait3A_338 : memref<1x64xi32, #tpu.memory_space<vmem>> -> memref<64xi32, #tpu.memory_space<vmem>>
        %dma_wait3A_340 = arith.constant 0 : i32
        %dma_wait3A_341 = arith.constant 0 : i32
        %dma_wait3A_342 = tpu.memref_slice %arg10[%dma_wait3A_340, %dma_wait3A_341] : memref<10240x128xf32, #tpu.memory_space<vmem_shared>> -> memref<10240x128xf32, #tpu.memory_space<vmem_shared>>
        tpu.wait_indirect_dma semaphore(%arg15 : memref<!tpu.dma_semaphore, #tpu.memory_space<semaphore_mem>>) src(%dma_wait3A_336 : memref<64x128xf32, #tpu.memory_space<vmem>>) dst(%dma_wait3A_342 : memref<10240x128xf32, #tpu.memory_space<vmem_shared>>)
        %add3A_343 = arith.constant 2 : i32
        %add3A_344 = arith.addi %add3A_301, %add3A_343 : i32
        %dma_start3A_345 = arith.constant 1 : i32
        %dma_start3A_346 = arith.constant 0 : i32
        %dma_start3A_347 = arith.constant 0 : i32
        %dma_start3A_348 = tpu.memref_slice %arg9[%dma_start3A_345, %dma_start3A_346, %dma_start3A_347] : memref<3x64x128xf32, #tpu.memory_space<vmem>> -> memref<1x64x128xf32, #tpu.memory_space<vmem>>
        %dma_start3A_349 = tpu.memref_squeeze %dma_start3A_348 : memref<1x64x128xf32, #tpu.memory_space<vmem>> -> memref<64x128xf32, #tpu.memory_space<vmem>>
        %dma_start3A_350 = arith.constant 0 : i32
        %dma_start3A_351 = tpu.memref_slice %arg7[%add3A_344, %dma_start3A_350] : memref<80x64xi32, #tpu.memory_space<vmem>> -> memref<1x64xi32, #tpu.memory_space<vmem>>
        %dma_start3A_352 = tpu.memref_squeeze %dma_start3A_351 : memref<1x64xi32, #tpu.memory_space<vmem>> -> memref<64xi32, #tpu.memory_space<vmem>>
        %dma_start3A_353 = arith.constant 0 : i32
        %dma_start3A_354 = arith.constant 0 : i32
        %dma_start3A_355 = tpu.memref_slice %arg2[%dma_start3A_353, %dma_start3A_354] : memref<10240x128xf32, #tpu.memory_space<hbm>> -> memref<10240x128xf32, #tpu.memory_space<hbm>>
        tpu.enqueue_indirect_dma source(%dma_start3A_355 : memref<10240x128xf32, #tpu.memory_space<hbm>>) target(%dma_start3A_349 : memref<64x128xf32, #tpu.memory_space<vmem>>) offsets(%dma_start3A_352 : memref<64xi32, #tpu.memory_space<vmem>>) semaphore(%arg12 : memref<!tpu.dma_semaphore, #tpu.memory_space<semaphore_mem>>)
      } else {
      }
      %dma_wait3A_309 = arith.constant 2 : i32
      %dma_wait3A_310 = arith.constant 0 : i32
      %dma_wait3A_311 = arith.constant 0 : i32
      %dma_wait3A_312 = tpu.memref_slice %arg9[%dma_wait3A_309, %dma_wait3A_310, %dma_wait3A_311] : memref<3x64x128xf32, #tpu.memory_space<vmem>> -> memref<1x64x128xf32, #tpu.memory_space<vmem>>
      %dma_wait3A_313 = tpu.memref_squeeze %dma_wait3A_312 : memref<1x64x128xf32, #tpu.memory_space<vmem>> -> memref<64x128xf32, #tpu.memory_space<vmem>>
      %dma_wait3A_314 = arith.constant 0 : i32
      %dma_wait3A_315 = tpu.memref_slice %arg7[%add3A_301, %dma_wait3A_314] : memref<80x64xi32, #tpu.memory_space<vmem>> -> memref<1x64xi32, #tpu.memory_space<vmem>>
      %dma_wait3A_316 = tpu.memref_squeeze %dma_wait3A_315 : memref<1x64xi32, #tpu.memory_space<vmem>> -> memref<64xi32, #tpu.memory_space<vmem>>
      %dma_wait3A_317 = arith.constant 0 : i32
      %dma_wait3A_318 = arith.constant 0 : i32
      %dma_wait3A_319 = tpu.memref_slice %arg2[%dma_wait3A_317, %dma_wait3A_318] : memref<10240x128xf32, #tpu.memory_space<hbm>> -> memref<10240x128xf32, #tpu.memory_space<hbm>>
      tpu.wait_indirect_dma semaphore(%arg13 : memref<!tpu.dma_semaphore, #tpu.memory_space<semaphore_mem>>) src(%dma_wait3A_319 : memref<10240x128xf32, #tpu.memory_space<hbm>>) dst(%dma_wait3A_313 : memref<64x128xf32, #tpu.memory_space<vmem>>)
      %dma_start3A_320 = arith.constant 2 : i32
      %dma_start3A_321 = arith.constant 0 : i32
      %dma_start3A_322 = arith.constant 0 : i32
      %dma_start3A_323 = tpu.memref_slice %arg9[%dma_start3A_320, %dma_start3A_321, %dma_start3A_322] : memref<3x64x128xf32, #tpu.memory_space<vmem>> -> memref<1x64x128xf32, #tpu.memory_space<vmem>>
      %dma_start3A_324 = tpu.memref_squeeze %dma_start3A_323 : memref<1x64x128xf32, #tpu.memory_space<vmem>> -> memref<64x128xf32, #tpu.memory_space<vmem>>
      %dma_start3A_325 = arith.constant 0 : i32
      %dma_start3A_326 = tpu.memref_slice %arg8[%add3A_301, %dma_start3A_325] : memref<80x64xi32, #tpu.memory_space<vmem>> -> memref<1x64xi32, #tpu.memory_space<vmem>>
      %dma_start3A_327 = tpu.memref_squeeze %dma_start3A_326 : memref<1x64xi32, #tpu.memory_space<vmem>> -> memref<64xi32, #tpu.memory_space<vmem>>
      %dma_start3A_328 = arith.constant 0 : i32
      %dma_start3A_329 = arith.constant 0 : i32
      %dma_start3A_330 = tpu.memref_slice %arg10[%dma_start3A_328, %dma_start3A_329] : memref<10240x128xf32, #tpu.memory_space<vmem_shared>> -> memref<10240x128xf32, #tpu.memory_space<vmem_shared>>
      tpu.enqueue_indirect_dma source(%dma_start3A_324 : memref<64x128xf32, #tpu.memory_space<vmem>>) target(%dma_start3A_330 : memref<10240x128xf32, #tpu.memory_space<vmem_shared>>) offsets(%dma_start3A_327 : memref<64xi32, #tpu.memory_space<vmem>>) semaphore(%arg16 : memref<!tpu.dma_semaphore, #tpu.memory_space<semaphore_mem>>) {add = true}
    }
    %scan3A_141 = arith.constant 26 : i32
    %dma_wait3A_142 = arith.constant 78 : i32
    %dma_wait3A_143 = arith.constant 0 : i32
    %dma_wait3A_144 = arith.constant 0 : i32
    %dma_wait3A_145 = arith.constant 0 : i32
    %dma_wait3A_146 = tpu.memref_slice %arg9[%dma_wait3A_143, %dma_wait3A_144, %dma_wait3A_145] : memref<3x64x128xf32, #tpu.memory_space<vmem>> -> memref<1x64x128xf32, #tpu.memory_space<vmem>>
    %dma_wait3A_147 = tpu.memref_squeeze %dma_wait3A_146 : memref<1x64x128xf32, #tpu.memory_space<vmem>> -> memref<64x128xf32, #tpu.memory_space<vmem>>
    %dma_wait3A_148 = arith.constant 0 : i32
    %dma_wait3A_149 = tpu.memref_slice %arg7[%dma_wait3A_142, %dma_wait3A_148] : memref<80x64xi32, #tpu.memory_space<vmem>> -> memref<1x64xi32, #tpu.memory_space<vmem>>
    %dma_wait3A_150 = tpu.memref_squeeze %dma_wait3A_149 : memref<1x64xi32, #tpu.memory_space<vmem>> -> memref<64xi32, #tpu.memory_space<vmem>>
    %dma_wait3A_151 = arith.constant 0 : i32
    %dma_wait3A_152 = arith.constant 0 : i32
    %dma_wait3A_153 = tpu.memref_slice %arg2[%dma_wait3A_151, %dma_wait3A_152] : memref<10240x128xf32, #tpu.memory_space<hbm>> -> memref<10240x128xf32, #tpu.memory_space<hbm>>
    tpu.wait_indirect_dma semaphore(%arg11 : memref<!tpu.dma_semaphore, #tpu.memory_space<semaphore_mem>>) src(%dma_wait3A_153 : memref<10240x128xf32, #tpu.memory_space<hbm>>) dst(%dma_wait3A_147 : memref<64x128xf32, #tpu.memory_space<vmem>>)
    %dma_start3A_154 = arith.constant 0 : i32
    %dma_start3A_155 = arith.constant 78 : i32
    %dma_start3A_156 = arith.constant 0 : i32
    %dma_start3A_157 = arith.constant 0 : i32
    %dma_start3A_158 = tpu.memref_slice %arg9[%dma_start3A_154, %dma_start3A_156, %dma_start3A_157] : memref<3x64x128xf32, #tpu.memory_space<vmem>> -> memref<1x64x128xf32, #tpu.memory_space<vmem>>
    %dma_start3A_159 = tpu.memref_squeeze %dma_start3A_158 : memref<1x64x128xf32, #tpu.memory_space<vmem>> -> memref<64x128xf32, #tpu.memory_space<vmem>>
    %dma_start3A_160 = arith.constant 0 : i32
    %dma_start3A_161 = tpu.memref_slice %arg8[%dma_start3A_155, %dma_start3A_160] : memref<80x64xi32, #tpu.memory_space<vmem>> -> memref<1x64xi32, #tpu.memory_space<vmem>>
    %dma_start3A_162 = tpu.memref_squeeze %dma_start3A_161 : memref<1x64xi32, #tpu.memory_space<vmem>> -> memref<64xi32, #tpu.memory_space<vmem>>
    %dma_start3A_163 = arith.constant 0 : i32
    %dma_start3A_164 = arith.constant 0 : i32
    %dma_start3A_165 = tpu.memref_slice %arg10[%dma_start3A_163, %dma_start3A_164] : memref<10240x128xf32, #tpu.memory_space<vmem_shared>> -> memref<10240x128xf32, #tpu.memory_space<vmem_shared>>
    tpu.enqueue_indirect_dma source(%dma_start3A_159 : memref<64x128xf32, #tpu.memory_space<vmem>>) target(%dma_start3A_165 : memref<10240x128xf32, #tpu.memory_space<vmem_shared>>) offsets(%dma_start3A_162 : memref<64xi32, #tpu.memory_space<vmem>>) semaphore(%arg14 : memref<!tpu.dma_semaphore, #tpu.memory_space<semaphore_mem>>) {add = true}
    %dma_wait3A_166 = arith.constant 79 : i32
    %dma_wait3A_167 = arith.constant 1 : i32
    %dma_wait3A_168 = arith.constant 0 : i32
    %dma_wait3A_169 = arith.constant 0 : i32
    %dma_wait3A_170 = tpu.memref_slice %arg9[%dma_wait3A_167, %dma_wait3A_168, %dma_wait3A_169] : memref<3x64x128xf32, #tpu.memory_space<vmem>> -> memref<1x64x128xf32, #tpu.memory_space<vmem>>
    %dma_wait3A_171 = tpu.memref_squeeze %dma_wait3A_170 : memref<1x64x128xf32, #tpu.memory_space<vmem>> -> memref<64x128xf32, #tpu.memory_space<vmem>>
    %dma_wait3A_172 = arith.constant 0 : i32
    %dma_wait3A_173 = tpu.memref_slice %arg7[%dma_wait3A_166, %dma_wait3A_172] : memref<80x64xi32, #tpu.memory_space<vmem>> -> memref<1x64xi32, #tpu.memory_space<vmem>>
    %dma_wait3A_174 = tpu.memref_squeeze %dma_wait3A_173 : memref<1x64xi32, #tpu.memory_space<vmem>> -> memref<64xi32, #tpu.memory_space<vmem>>
    %dma_wait3A_175 = arith.constant 0 : i32
    %dma_wait3A_176 = arith.constant 0 : i32
    %dma_wait3A_177 = tpu.memref_slice %arg2[%dma_wait3A_175, %dma_wait3A_176] : memref<10240x128xf32, #tpu.memory_space<hbm>> -> memref<10240x128xf32, #tpu.memory_space<hbm>>
    tpu.wait_indirect_dma semaphore(%arg12 : memref<!tpu.dma_semaphore, #tpu.memory_space<semaphore_mem>>) src(%dma_wait3A_177 : memref<10240x128xf32, #tpu.memory_space<hbm>>) dst(%dma_wait3A_171 : memref<64x128xf32, #tpu.memory_space<vmem>>)
    %dma_start3A_178 = arith.constant 1 : i32
    %dma_start3A_179 = arith.constant 79 : i32
    %dma_start3A_180 = arith.constant 0 : i32
    %dma_start3A_181 = arith.constant 0 : i32
    %dma_start3A_182 = tpu.memref_slice %arg9[%dma_start3A_178, %dma_start3A_180, %dma_start3A_181] : memref<3x64x128xf32, #tpu.memory_space<vmem>> -> memref<1x64x128xf32, #tpu.memory_space<vmem>>
    %dma_start3A_183 = tpu.memref_squeeze %dma_start3A_182 : memref<1x64x128xf32, #tpu.memory_space<vmem>> -> memref<64x128xf32, #tpu.memory_space<vmem>>
    %dma_start3A_184 = arith.constant 0 : i32
    %dma_start3A_185 = tpu.memref_slice %arg8[%dma_start3A_179, %dma_start3A_184] : memref<80x64xi32, #tpu.memory_space<vmem>> -> memref<1x64xi32, #tpu.memory_space<vmem>>
    %dma_start3A_186 = tpu.memref_squeeze %dma_start3A_185 : memref<1x64xi32, #tpu.memory_space<vmem>> -> memref<64xi32, #tpu.memory_space<vmem>>
    %dma_start3A_187 = arith.constant 0 : i32
    %dma_start3A_188 = arith.constant 0 : i32
    %dma_start3A_189 = tpu.memref_slice %arg10[%dma_start3A_187, %dma_start3A_188] : memref<10240x128xf32, #tpu.memory_space<vmem_shared>> -> memref<10240x128xf32, #tpu.memory_space<vmem_shared>>
    tpu.enqueue_indirect_dma source(%dma_start3A_183 : memref<64x128xf32, #tpu.memory_space<vmem>>) target(%dma_start3A_189 : memref<10240x128xf32, #tpu.memory_space<vmem_shared>>) offsets(%dma_start3A_186 : memref<64xi32, #tpu.memory_space<vmem>>) semaphore(%arg15 : memref<!tpu.dma_semaphore, #tpu.memory_space<semaphore_mem>>) {add = true}
    %dma_wait3A_190 = arith.constant 0 : i32
    %dma_wait3A_191 = arith.constant 0 : i32
    %dma_wait3A_192 = arith.constant 0 : i32
    %dma_wait3A_193 = arith.constant 0 : i32
    %dma_wait3A_194 = tpu.memref_slice %arg9[%dma_wait3A_190, %dma_wait3A_192, %dma_wait3A_193] : memref<3x64x128xf32, #tpu.memory_space<vmem>> -> memref<1x64x128xf32, #tpu.memory_space<vmem>>
    %dma_wait3A_195 = tpu.memref_squeeze %dma_wait3A_194 : memref<1x64x128xf32, #tpu.memory_space<vmem>> -> memref<64x128xf32, #tpu.memory_space<vmem>>
    %dma_wait3A_196 = arith.constant 0 : i32
    %dma_wait3A_197 = tpu.memref_slice %arg8[%dma_wait3A_191, %dma_wait3A_196] : memref<80x64xi32, #tpu.memory_space<vmem>> -> memref<1x64xi32, #tpu.memory_space<vmem>>
    %dma_wait3A_198 = tpu.memref_squeeze %dma_wait3A_197 : memref<1x64xi32, #tpu.memory_space<vmem>> -> memref<64xi32, #tpu.memory_space<vmem>>
    %dma_wait3A_199 = arith.constant 0 : i32
    %dma_wait3A_200 = arith.constant 0 : i32
    %dma_wait3A_201 = tpu.memref_slice %arg10[%dma_wait3A_199, %dma_wait3A_200] : memref<10240x128xf32, #tpu.memory_space<vmem_shared>> -> memref<10240x128xf32, #tpu.memory_space<vmem_shared>>
    tpu.wait_indirect_dma semaphore(%arg14 : memref<!tpu.dma_semaphore, #tpu.memory_space<semaphore_mem>>) src(%dma_wait3A_195 : memref<64x128xf32, #tpu.memory_space<vmem>>) dst(%dma_wait3A_201 : memref<10240x128xf32, #tpu.memory_space<vmem_shared>>)
    %dma_wait3A_202 = arith.constant 1 : i32
    %dma_wait3A_203 = arith.constant 0 : i32
    %dma_wait3A_204 = arith.constant 0 : i32
    %dma_wait3A_205 = arith.constant 0 : i32
    %dma_wait3A_206 = tpu.memref_slice %arg9[%dma_wait3A_202, %dma_wait3A_204, %dma_wait3A_205] : memref<3x64x128xf32, #tpu.memory_space<vmem>> -> memref<1x64x128xf32, #tpu.memory_space<vmem>>
    %dma_wait3A_207 = tpu.memref_squeeze %dma_wait3A_206 : memref<1x64x128xf32, #tpu.memory_space<vmem>> -> memref<64x128xf32, #tpu.memory_space<vmem>>
    %dma_wait3A_208 = arith.constant 0 : i32
    %dma_wait3A_209 = tpu.memref_slice %arg8[%dma_wait3A_203, %dma_wait3A_208] : memref<80x64xi32, #tpu.memory_space<vmem>> -> memref<1x64xi32, #tpu.memory_space<vmem>>
    %dma_wait3A_210 = tpu.memref_squeeze %dma_wait3A_209 : memref<1x64xi32, #tpu.memory_space<vmem>> -> memref<64xi32, #tpu.memory_space<vmem>>
    %dma_wait3A_211 = arith.constant 0 : i32
    %dma_wait3A_212 = arith.constant 0 : i32
    %dma_wait3A_213 = tpu.memref_slice %arg10[%dma_wait3A_211, %dma_wait3A_212] : memref<10240x128xf32, #tpu.memory_space<vmem_shared>> -> memref<10240x128xf32, #tpu.memory_space<vmem_shared>>
    tpu.wait_indirect_dma semaphore(%arg15 : memref<!tpu.dma_semaphore, #tpu.memory_space<semaphore_mem>>) src(%dma_wait3A_207 : memref<64x128xf32, #tpu.memory_space<vmem>>) dst(%dma_wait3A_213 : memref<10240x128xf32, #tpu.memory_space<vmem_shared>>)
    %dma_wait3A_214 = arith.constant 2 : i32
    %dma_wait3A_215 = arith.constant 0 : i32
    %dma_wait3A_216 = arith.constant 0 : i32
    %dma_wait3A_217 = arith.constant 0 : i32
    %dma_wait3A_218 = tpu.memref_slice %arg9[%dma_wait3A_214, %dma_wait3A_216, %dma_wait3A_217] : memref<3x64x128xf32, #tpu.memory_space<vmem>> -> memref<1x64x128xf32, #tpu.memory_space<vmem>>
    %dma_wait3A_219 = tpu.memref_squeeze %dma_wait3A_218 : memref<1x64x128xf32, #tpu.memory_space<vmem>> -> memref<64x128xf32, #tpu.memory_space<vmem>>
    %dma_wait3A_220 = arith.constant 0 : i32
    %dma_wait3A_221 = tpu.memref_slice %arg8[%dma_wait3A_215, %dma_wait3A_220] : memref<80x64xi32, #tpu.memory_space<vmem>> -> memref<1x64xi32, #tpu.memory_space<vmem>>
    %dma_wait3A_222 = tpu.memref_squeeze %dma_wait3A_221 : memref<1x64xi32, #tpu.memory_space<vmem>> -> memref<64xi32, #tpu.memory_space<vmem>>
    %dma_wait3A_223 = arith.constant 0 : i32
    %dma_wait3A_224 = arith.constant 0 : i32
    %dma_wait3A_225 = tpu.memref_slice %arg10[%dma_wait3A_223, %dma_wait3A_224] : memref<10240x128xf32, #tpu.memory_space<vmem_shared>> -> memref<10240x128xf32, #tpu.memory_space<vmem_shared>>
    tpu.wait_indirect_dma semaphore(%arg16 : memref<!tpu.dma_semaphore, #tpu.memory_space<semaphore_mem>>) src(%dma_wait3A_219 : memref<64x128xf32, #tpu.memory_space<vmem>>) dst(%dma_wait3A_225 : memref<10240x128xf32, #tpu.memory_space<vmem_shared>>)
    %barrier3A_226 = arith.constant 0 : index
    tpu.barrier barrier_id(%barrier3A_226)
    %mul3A_227 = arith.constant 640 : i32
    %mul3A_228 = arith.muli %arg1, %mul3A_227 : i32
    %mul3A_229 = arith.constant 10240 : i32
    %mul3A_230 = arith.muli %arg0, %mul3A_229 : i32
    %mul3A_231 = arith.constant 640 : i32
    %mul3A_232 = arith.muli %arg1, %mul3A_231 : i32
    %add3A_233 = arith.addi %mul3A_230, %mul3A_232 : i32
    "tpu.region"() ({
      %run_scoped3A = tpu.sem_alloc : memref<!tpu.dma_semaphore, #tpu.memory_space<semaphore_mem>>
      %dma_start3A_234 = arith.constant 0 : i32
      %dma_start3A_235 = tpu.memref_slice %arg6[%add3A_233, %dma_start3A_234] : memref<20480x128xf32, #tpu.memory_space<hbm>> -> memref<640x128xf32, #tpu.memory_space<hbm>>
      %dma_start3A_236 = arith.constant 0 : i32
      %dma_start3A_237 = tpu.memref_slice %arg10[%mul3A_228, %dma_start3A_236] : memref<10240x128xf32, #tpu.memory_space<vmem_shared>> -> memref<640x128xf32, #tpu.memory_space<vmem_shared>>
      tpu.enqueue_dma source(%dma_start3A_237 : memref<640x128xf32, #tpu.memory_space<vmem_shared>>) target(%dma_start3A_235 : memref<640x128xf32, #tpu.memory_space<hbm>>) target_semaphore(%run_scoped3A : memref<!tpu.dma_semaphore, #tpu.memory_space<semaphore_mem>>)
      %dma_wait3A_238 = arith.constant 0 : i32
      %dma_wait3A_239 = tpu.memref_slice %arg6[%add3A_233, %dma_wait3A_238] : memref<20480x128xf32, #tpu.memory_space<hbm>> -> memref<640x128xf32, #tpu.memory_space<hbm>>
      %dma_wait3A_240 = arith.constant 0 : i32
      %dma_wait3A_241 = tpu.memref_slice %arg10[%mul3A_228, %dma_wait3A_240] : memref<10240x128xf32, #tpu.memory_space<vmem_shared>> -> memref<640x128xf32, #tpu.memory_space<vmem_shared>>
      tpu.wait_dma2 semaphore(%run_scoped3A : memref<!tpu.dma_semaphore, #tpu.memory_space<semaphore_mem>>) src(%dma_wait3A_241 : memref<640x128xf32, #tpu.memory_space<vmem_shared>>) dst(%dma_wait3A_239 : memref<640x128xf32, #tpu.memory_space<hbm>>)
      tpu.yield
    }) : () -> ()
    return
  }
}

module attributes {stable_mosaic.version = 14 : i64} {
  func.func @_conv1_body(%arg0: i32, %arg1: memref<2x2000x128xf32, #tpu.memory_space<vmem>>, %arg2: memref<2000x128xf32, #tpu.memory_space<vmem>>, %arg3: memref<128x128xf32, #tpu.memory_space<vmem>>, %arg4: memref<128x128xf32, #tpu.memory_space<vmem>>, %arg5: memref<1x128xf32, #tpu.memory_space<vmem>>, %arg6: memref<2000x128xf32, #tpu.memory_space<vmem>>, %arg7: memref<2x128xf32, #tpu.memory_space<vmem>>) attributes {dimension_semantics = [#tpu.dimension_semantics<arbitrary>], iteration_bounds = array<i64: 5>, scalar_prefetch = 0 : i64, scratch_operands = 0 : i64, tpu.core_type = #tpu.core_type<tc>, window_params = [{transform_indices = @transform_0, window_bounds = array<i64: 2, 2000, 128>}, {transform_indices = @transform_1, window_bounds = array<i64: 2000, 128>}, {pipeline_mode = #tpu.pipeline_mode<synchronous>, transform_indices = @transform_2, window_bounds = array<i64: 128, 128>}, {pipeline_mode = #tpu.pipeline_mode<synchronous>, transform_indices = @transform_3, window_bounds = array<i64: 128, 128>}, {pipeline_mode = #tpu.pipeline_mode<synchronous>, transform_indices = @transform_4, window_bounds = array<i64: 1, 128>}, {transform_indices = @transform_5, window_bounds = array<i64: 2000, 128>}, {pipeline_mode = #tpu.pipeline_mode<synchronous>, transform_indices = @transform_6, window_bounds = array<i64: 2, 128>}]} {
    %get3A = arith.constant 0 : index
    %get3A_0 = arith.constant 0 : index
    %get3A_1 = arith.constant 0 : index
    %get3A_2 = vector.load %arg1[%get3A, %get3A_0, %get3A_1] : memref<2x2000x128xf32, #tpu.memory_space<vmem>>, vector<1x2000x128xf32>
    %get3A_3 = vector.shape_cast %get3A_2 : vector<1x2000x128xf32> to vector<2000x128xf32>
    %get3A_4 = arith.constant 1 : index
    %get3A_5 = arith.constant 0 : index
    %get3A_6 = arith.constant 0 : index
    %get3A_7 = vector.load %arg1[%get3A_4, %get3A_5, %get3A_6] : memref<2x2000x128xf32, #tpu.memory_space<vmem>>, vector<1x2000x128xf32>
    %get3A_8 = vector.shape_cast %get3A_7 : vector<1x2000x128xf32> to vector<2000x128xf32>
    %add3A = arith.addf %get3A_3, %get3A_8 : vector<2000x128xf32>
    %get3A_9 = arith.constant 0 : index
    %get3A_10 = arith.constant 0 : index
    %get3A_11 = vector.load %arg3[%get3A_9, %get3A_10] : memref<128x128xf32, #tpu.memory_space<vmem>>, vector<128x128xf32>
    %dot_general3A = arith.constant dense<0.000000e+00> : vector<2000x128xf32>
    %dot_general3A_12 = tpu.matmul %add3A, %get3A_11, %dot_general3A {dimension_numbers = #tpu.dot_dimension_numbers<[1], [0], [0], [1], [0, 0, 1, 1], [], []>, transpose_lhs_hint = false} : vector<2000x128xf32>, vector<128x128xf32>, vector<2000x128xf32> -> vector<2000x128xf32>
    %get3A_13 = arith.constant 0 : index
    %get3A_14 = arith.constant 0 : index
    %get3A_15 = vector.load %arg2[%get3A_13, %get3A_14] : memref<2000x128xf32, #tpu.memory_space<vmem>>, vector<2000x128xf32>
    %get3A_16 = arith.constant 0 : index
    %get3A_17 = arith.constant 0 : index
    %get3A_18 = vector.load %arg4[%get3A_16, %get3A_17] : memref<128x128xf32, #tpu.memory_space<vmem>>, vector<128x128xf32>
    %dot_general3A_19 = arith.constant dense<0.000000e+00> : vector<2000x128xf32>
    %dot_general3A_20 = tpu.matmul %get3A_15, %get3A_18, %dot_general3A_19 {dimension_numbers = #tpu.dot_dimension_numbers<[1], [0], [0], [1], [0, 0, 1, 1], [], []>, transpose_lhs_hint = false} : vector<2000x128xf32>, vector<128x128xf32>, vector<2000x128xf32> -> vector<2000x128xf32>
    %add3A_21 = arith.addf %dot_general3A_12, %dot_general3A_20 : vector<2000x128xf32>
    %get3A_22 = arith.constant 0 : index
    %get3A_23 = arith.constant 0 : index
    %get3A_24 = vector.load %arg5[%get3A_22, %get3A_23] : memref<1x128xf32, #tpu.memory_space<vmem>>, vector<1x128xf32>
    %add3A_25 = vector.broadcast %get3A_24 : vector<1x128xf32> to vector<2000x128xf32>
    %add3A_26 = arith.addf %add3A_21, %add3A_25 : vector<2000x128xf32>
    %ge3A = arith.constant 0.000000e+00 : f32
    %ge3A_27 = vector.broadcast %ge3A : f32 to vector<2000x128xf32>
    %ge3A_28 = arith.cmpf oge, %add3A_26, %ge3A_27 : vector<2000x128xf32>
    %mul3A = arith.constant 2.000000e-01 : f32
    %mul3A_29 = vector.broadcast %mul3A : f32 to vector<2000x128xf32>
    %mul3A_30 = arith.mulf %mul3A_29, %add3A_26 : vector<2000x128xf32>
    %select_n3A = arith.select %ge3A_28, %add3A_26, %mul3A_30 : vector<2000x128xi1>, vector<2000x128xf32>
    %swap3A = arith.constant 0 : index
    %swap3A_31 = arith.constant 0 : index
    %swap3A_32 = vector.load %arg6[%swap3A, %swap3A_31] : memref<2000x128xf32, #tpu.memory_space<vmem>>, vector<2000x128xf32>
    tpu.vector_store %arg6[%swap3A, %swap3A_31], %select_n3A {strides = array<i32>} : memref<2000x128xf32, #tpu.memory_space<vmem>>, vector<2000x128xf32>,
    %get3A_33 = arith.constant 0 : index
    %get3A_34 = arith.constant 0 : index
    %get3A_35 = vector.load %arg2[%get3A_33, %get3A_34] : memref<2000x128xf32, #tpu.memory_space<vmem>>, vector<2000x128xf32>
    %reduce_sum3A = arith.constant dense<0.000000e+00> : vector<128xf32>
    %reduce_sum3A_36 = vector.multi_reduction <add>, %get3A_35, %reduce_sum3A [0] : vector<2000x128xf32> to vector<128xf32>
    %broadcast_in_dim3A = vector.shape_cast %reduce_sum3A_36 : vector<128xf32> to vector<1x128xf32>
    %reduce_sum3A_37 = arith.constant dense<0.000000e+00> : vector<128xf32>
    %reduce_sum3A_38 = vector.multi_reduction <add>, %select_n3A, %reduce_sum3A_37 [0] : vector<2000x128xf32> to vector<128xf32>
    %broadcast_in_dim3A_39 = vector.shape_cast %reduce_sum3A_38 : vector<128xf32> to vector<1x128xf32>
    %concatenate3A = tpu.concatenate %broadcast_in_dim3A, %broadcast_in_dim3A_39 in 0 : vector<1x128xf32>, vector<1x128xf32> -> vector<2x128xf32>
    %eq3A = arith.constant 0 : i32
    %eq3A_40 = arith.cmpi eq, %arg0, %eq3A : i32
    %convert_element_type3A = arith.extui %eq3A_40 : i1 to i32
    %cond3A = arith.constant 0 : i32
    %cond3A_41 = arith.cmpi ne, %convert_element_type3A, %cond3A : i32
    scf.if %cond3A_41 {
      %swap3A_46 = arith.constant 0 : index
      %swap3A_47 = arith.constant 0 : index
      %swap3A_48 = vector.load %arg7[%swap3A_46, %swap3A_47] : memref<2x128xf32, #tpu.memory_space<vmem>>, vector<2x128xf32>
      tpu.vector_store %arg7[%swap3A_46, %swap3A_47], %concatenate3A {strides = array<i32>} : memref<2x128xf32, #tpu.memory_space<vmem>>, vector<2x128xf32>,
    } else {
    }
    %gt3A = arith.constant 0 : i32
    %gt3A_42 = arith.cmpi sgt, %arg0, %gt3A : i32
    %convert_element_type3A_43 = arith.extui %gt3A_42 : i1 to i32
    %cond3A_44 = arith.constant 0 : i32
    %cond3A_45 = arith.cmpi ne, %convert_element_type3A_43, %cond3A_44 : i32
    scf.if %cond3A_45 {
      %get3A_46 = arith.constant 0 : index
      %get3A_47 = arith.constant 0 : index
      %get3A_48 = vector.load %arg7[%get3A_46, %get3A_47] : memref<2x128xf32, #tpu.memory_space<vmem>>, vector<2x128xf32>
      %add3A_49 = arith.addf %get3A_48, %concatenate3A : vector<2x128xf32>
      %swap3A_50 = arith.constant 0 : index
      %swap3A_51 = arith.constant 0 : index
      %swap3A_52 = vector.load %arg7[%swap3A_50, %swap3A_51] : memref<2x128xf32, #tpu.memory_space<vmem>>, vector<2x128xf32>
      tpu.vector_store %arg7[%swap3A_50, %swap3A_51], %add3A_49 {strides = array<i32>} : memref<2x128xf32, #tpu.memory_space<vmem>>, vector<2x128xf32>,
    } else {
    }
    return
  }
  func.func @transform_0(%arg0: i32) -> (i32, i32, i32) {
    %c0_i32 = arith.constant 0 : i32
    %c0_i32_0 = arith.constant 0 : i32
    %c0_i32_1 = arith.constant 0 : i32
    return %c0_i32, %arg0, %c0_i32_0 : i32, i32, i32
  }
  func.func @transform_1(%arg0: i32) -> (i32, i32) {
    %c0_i32 = arith.constant 0 : i32
    %c0_i32_0 = arith.constant 0 : i32
    return %arg0, %c0_i32 : i32, i32
  }
  func.func @transform_2(%arg0: i32) -> (i32, i32) {
    %c0_i32 = arith.constant 0 : i32
    %c0_i32_0 = arith.constant 0 : i32
    %c0_i32_1 = arith.constant 0 : i32
    return %c0_i32, %c0_i32_0 : i32, i32
  }
  func.func @transform_3(%arg0: i32) -> (i32, i32) {
    %c0_i32 = arith.constant 0 : i32
    %c0_i32_0 = arith.constant 0 : i32
    %c0_i32_1 = arith.constant 0 : i32
    return %c0_i32, %c0_i32_0 : i32, i32
  }
  func.func @transform_4(%arg0: i32) -> (i32, i32) {
    %c0_i32 = arith.constant 0 : i32
    %c0_i32_0 = arith.constant 0 : i32
    %c0_i32_1 = arith.constant 0 : i32
    return %c0_i32, %c0_i32_0 : i32, i32
  }
  func.func @transform_5(%arg0: i32) -> (i32, i32) {
    %c0_i32 = arith.constant 0 : i32
    %c0_i32_0 = arith.constant 0 : i32
    return %arg0, %c0_i32 : i32, i32
  }
  func.func @transform_6(%arg0: i32) -> (i32, i32) {
    %c0_i32 = arith.constant 0 : i32
    %c0_i32_0 = arith.constant 0 : i32
    %c0_i32_1 = arith.constant 0 : i32
    return %c0_i32, %c0_i32_0 : i32, i32
  }
}

module attributes {stable_mosaic.version = 14 : i64} {
  func.func @_conv2_body(%arg0: i32, %arg1: memref<2x2000x128xf32, #tpu.memory_space<vmem>>, %arg2: memref<2000x128xf32, #tpu.memory_space<vmem>>, %arg3: memref<128x128xf32, #tpu.memory_space<vmem>>, %arg4: memref<128x128xf32, #tpu.memory_space<vmem>>, %arg5: memref<1x128xf32, #tpu.memory_space<vmem>>, %arg6: memref<3x128x128xf32, #tpu.memory_space<vmem>>, %arg7: memref<3x128xf32, #tpu.memory_space<vmem>>, %arg8: memref<2x128xf32, #tpu.memory_space<vmem>>, %arg9: memref<1x128xf32, #tpu.memory_space<vmem>>) attributes {dimension_semantics = [#tpu.dimension_semantics<arbitrary>], iteration_bounds = array<i64: 5>, scalar_prefetch = 0 : i64, scratch_operands = 0 : i64, tpu.core_type = #tpu.core_type<tc>, window_params = [{transform_indices = @transform_0, window_bounds = array<i64: 2, 2000, 128>}, {transform_indices = @transform_1, window_bounds = array<i64: 2000, 128>}, {pipeline_mode = #tpu.pipeline_mode<synchronous>, transform_indices = @transform_2, window_bounds = array<i64: 128, 128>}, {pipeline_mode = #tpu.pipeline_mode<synchronous>, transform_indices = @transform_3, window_bounds = array<i64: 128, 128>}, {pipeline_mode = #tpu.pipeline_mode<synchronous>, transform_indices = @transform_4, window_bounds = array<i64: 1, 128>}, {pipeline_mode = #tpu.pipeline_mode<synchronous>, transform_indices = @transform_5, window_bounds = array<i64: 3, 128, 128>}, {pipeline_mode = #tpu.pipeline_mode<synchronous>, transform_indices = @transform_6, window_bounds = array<i64: 3, 128>}, {pipeline_mode = #tpu.pipeline_mode<synchronous>, transform_indices = @transform_7, window_bounds = array<i64: 2, 128>}, {pipeline_mode = #tpu.pipeline_mode<synchronous>, transform_indices = @transform_8, window_bounds = array<i64: 1, 128>}]} {
    %get3A = arith.constant 0 : index
    %get3A_0 = arith.constant 0 : index
    %get3A_1 = arith.constant 0 : index
    %get3A_2 = vector.load %arg1[%get3A, %get3A_0, %get3A_1] : memref<2x2000x128xf32, #tpu.memory_space<vmem>>, vector<1x2000x128xf32>
    %get3A_3 = vector.shape_cast %get3A_2 : vector<1x2000x128xf32> to vector<2000x128xf32>
    %get3A_4 = arith.constant 1 : index
    %get3A_5 = arith.constant 0 : index
    %get3A_6 = arith.constant 0 : index
    %get3A_7 = vector.load %arg1[%get3A_4, %get3A_5, %get3A_6] : memref<2x2000x128xf32, #tpu.memory_space<vmem>>, vector<1x2000x128xf32>
    %get3A_8 = vector.shape_cast %get3A_7 : vector<1x2000x128xf32> to vector<2000x128xf32>
    %add3A = arith.addf %get3A_3, %get3A_8 : vector<2000x128xf32>
    %get3A_9 = arith.constant 0 : index
    %get3A_10 = arith.constant 0 : index
    %get3A_11 = vector.load %arg3[%get3A_9, %get3A_10] : memref<128x128xf32, #tpu.memory_space<vmem>>, vector<128x128xf32>
    %dot_general3A = arith.constant dense<0.000000e+00> : vector<2000x128xf32>
    %dot_general3A_12 = tpu.matmul %add3A, %get3A_11, %dot_general3A {dimension_numbers = #tpu.dot_dimension_numbers<[1], [0], [0], [1], [0, 0, 1, 1], [], []>, transpose_lhs_hint = false} : vector<2000x128xf32>, vector<128x128xf32>, vector<2000x128xf32> -> vector<2000x128xf32>
    %get3A_13 = arith.constant 0 : index
    %get3A_14 = arith.constant 0 : index
    %get3A_15 = vector.load %arg2[%get3A_13, %get3A_14] : memref<2000x128xf32, #tpu.memory_space<vmem>>, vector<2000x128xf32>
    %get3A_16 = arith.constant 0 : index
    %get3A_17 = arith.constant 0 : index
    %get3A_18 = vector.load %arg4[%get3A_16, %get3A_17] : memref<128x128xf32, #tpu.memory_space<vmem>>, vector<128x128xf32>
    %dot_general3A_19 = arith.constant dense<0.000000e+00> : vector<2000x128xf32>
    %dot_general3A_20 = tpu.matmul %get3A_15, %get3A_18, %dot_general3A_19 {dimension_numbers = #tpu.dot_dimension_numbers<[1], [0], [0], [1], [0, 0, 1, 1], [], []>, transpose_lhs_hint = false} : vector<2000x128xf32>, vector<128x128xf32>, vector<2000x128xf32> -> vector<2000x128xf32>
    %add3A_21 = arith.addf %dot_general3A_12, %dot_general3A_20 : vector<2000x128xf32>
    %get3A_22 = arith.constant 0 : index
    %get3A_23 = arith.constant 0 : index
    %get3A_24 = vector.load %arg5[%get3A_22, %get3A_23] : memref<1x128xf32, #tpu.memory_space<vmem>>, vector<1x128xf32>
    %add3A_25 = vector.broadcast %get3A_24 : vector<1x128xf32> to vector<2000x128xf32>
    %add3A_26 = arith.addf %add3A_21, %add3A_25 : vector<2000x128xf32>
    %ge3A = arith.constant 0.000000e+00 : f32
    %ge3A_27 = vector.broadcast %ge3A : f32 to vector<2000x128xf32>
    %ge3A_28 = arith.cmpf oge, %add3A_26, %ge3A_27 : vector<2000x128xf32>
    %mul3A = arith.constant 2.000000e-01 : f32
    %mul3A_29 = vector.broadcast %mul3A : f32 to vector<2000x128xf32>
    %mul3A_30 = arith.mulf %mul3A_29, %add3A_26 : vector<2000x128xf32>
    %select_n3A = arith.select %ge3A_28, %add3A_26, %mul3A_30 : vector<2000x128xi1>, vector<2000x128xf32>
    %reduce_sum3A = arith.constant dense<0.000000e+00> : vector<128xf32>
    %reduce_sum3A_31 = vector.multi_reduction <add>, %select_n3A, %reduce_sum3A [0] : vector<2000x128xf32> to vector<128xf32>
    %broadcast_in_dim3A = vector.shape_cast %reduce_sum3A_31 : vector<128xf32> to vector<1x128xf32>
    %get3A_32 = arith.constant 2 : index
    %get3A_33 = arith.constant 0 : index
    %get3A_34 = arith.constant 0 : index
    %get3A_35 = vector.load %arg6[%get3A_32, %get3A_33, %get3A_34] : memref<3x128x128xf32, #tpu.memory_space<vmem>>, vector<1x128x128xf32>
    %get3A_36 = vector.shape_cast %get3A_35 : vector<1x128x128xf32> to vector<128x128xf32>
    %dot_general3A_37 = arith.constant dense<0.000000e+00> : vector<1x128xf32>
    %dot_general3A_38 = tpu.matmul %broadcast_in_dim3A, %get3A_36, %dot_general3A_37 {dimension_numbers = #tpu.dot_dimension_numbers<[1], [0], [0], [1], [0, 0, 1, 1], [], []>, transpose_lhs_hint = false} : vector<1x128xf32>, vector<128x128xf32>, vector<1x128xf32> -> vector<1x128xf32>
    %eq3A = arith.constant 0 : i32
    %eq3A_39 = arith.cmpi eq, %arg0, %eq3A : i32
    %convert_element_type3A = arith.extui %eq3A_39 : i1 to i32
    %cond3A = arith.constant 0 : i32
    %cond3A_40 = arith.cmpi ne, %convert_element_type3A, %cond3A : i32
    scf.if %cond3A_40 {
      %get3A_45 = arith.constant 0 : index
      %get3A_46 = arith.constant 0 : index
      %get3A_47 = vector.load %arg8[%get3A_45, %get3A_46] : memref<2x128xf32, #tpu.memory_space<vmem>>, vector<1x128xf32>
      %get3A_48 = arith.constant 0 : index
      %get3A_49 = arith.constant 0 : index
      %get3A_50 = arith.constant 0 : index
      %get3A_51 = vector.load %arg6[%get3A_48, %get3A_49, %get3A_50] : memref<3x128x128xf32, #tpu.memory_space<vmem>>, vector<1x128x128xf32>
      %get3A_52 = vector.shape_cast %get3A_51 : vector<1x128x128xf32> to vector<128x128xf32>
      %dot_general3A_53 = arith.constant dense<0.000000e+00> : vector<1x128xf32>
      %dot_general3A_54 = tpu.matmul %get3A_47, %get3A_52, %dot_general3A_53 {dimension_numbers = #tpu.dot_dimension_numbers<[1], [0], [0], [1], [0, 0, 1, 1], [], []>, transpose_lhs_hint = false} : vector<1x128xf32>, vector<128x128xf32>, vector<1x128xf32> -> vector<1x128xf32>
      %get3A_55 = arith.constant 1 : index
      %get3A_56 = arith.constant 0 : index
      %get3A_57 = vector.load %arg8[%get3A_55, %get3A_56] : memref<2x128xf32, #tpu.memory_space<vmem>>, vector<1x128xf32>
      %get3A_58 = arith.constant 1 : index
      %get3A_59 = arith.constant 0 : index
      %get3A_60 = arith.constant 0 : index
      %get3A_61 = vector.load %arg6[%get3A_58, %get3A_59, %get3A_60] : memref<3x128x128xf32, #tpu.memory_space<vmem>>, vector<1x128x128xf32>
      %get3A_62 = vector.shape_cast %get3A_61 : vector<1x128x128xf32> to vector<128x128xf32>
      %dot_general3A_63 = arith.constant dense<0.000000e+00> : vector<1x128xf32>
      %dot_general3A_64 = tpu.matmul %get3A_57, %get3A_62, %dot_general3A_63 {dimension_numbers = #tpu.dot_dimension_numbers<[1], [0], [0], [1], [0, 0, 1, 1], [], []>, transpose_lhs_hint = false} : vector<1x128xf32>, vector<128x128xf32>, vector<1x128xf32> -> vector<1x128xf32>
      %add3A_65 = arith.addf %dot_general3A_54, %dot_general3A_64 : vector<1x128xf32>
      %get3A_66 = arith.constant 0 : index
      %get3A_67 = arith.constant 0 : index
      %get3A_68 = vector.load %arg7[%get3A_66, %get3A_67] : memref<3x128xf32, #tpu.memory_space<vmem>>, vector<3x128xf32>
      %reduce_sum3A_69 = arith.constant dense<0.000000e+00> : vector<128xf32>
      %reduce_sum3A_70 = vector.multi_reduction <add>, %get3A_68, %reduce_sum3A_69 [0] : vector<3x128xf32> to vector<128xf32>
      %broadcast_in_dim3A_71 = vector.shape_cast %reduce_sum3A_70 : vector<128xf32> to vector<1x128xf32>
      %mul3A_72 = arith.constant 1.000000e+04 : f32
      %mul3A_73 = vector.broadcast %mul3A_72 : f32 to vector<1x128xf32>
      %mul3A_74 = arith.mulf %mul3A_73, %broadcast_in_dim3A_71 : vector<1x128xf32>
      %add3A_75 = arith.addf %add3A_65, %mul3A_74 : vector<1x128xf32>
      %add3A_76 = arith.addf %add3A_75, %dot_general3A_38 : vector<1x128xf32>
      %swap3A = arith.constant 0 : index
      %swap3A_77 = arith.constant 0 : index
      %swap3A_78 = vector.load %arg9[%swap3A, %swap3A_77] : memref<1x128xf32, #tpu.memory_space<vmem>>, vector<1x128xf32>
      tpu.vector_store %arg9[%swap3A, %swap3A_77], %add3A_76 {strides = array<i32>} : memref<1x128xf32, #tpu.memory_space<vmem>>, vector<1x128xf32>,
    } else {
    }
    %gt3A = arith.constant 0 : i32
    %gt3A_41 = arith.cmpi sgt, %arg0, %gt3A : i32
    %convert_element_type3A_42 = arith.extui %gt3A_41 : i1 to i32
    %cond3A_43 = arith.constant 0 : i32
    %cond3A_44 = arith.cmpi ne, %convert_element_type3A_42, %cond3A_43 : i32
    scf.if %cond3A_44 {
      %get3A_45 = arith.constant 0 : index
      %get3A_46 = arith.constant 0 : index
      %get3A_47 = vector.load %arg9[%get3A_45, %get3A_46] : memref<1x128xf32, #tpu.memory_space<vmem>>, vector<1x128xf32>
      %add3A_48 = arith.addf %get3A_47, %dot_general3A_38 : vector<1x128xf32>
      %swap3A = arith.constant 0 : index
      %swap3A_49 = arith.constant 0 : index
      %swap3A_50 = vector.load %arg9[%swap3A, %swap3A_49] : memref<1x128xf32, #tpu.memory_space<vmem>>, vector<1x128xf32>
      tpu.vector_store %arg9[%swap3A, %swap3A_49], %add3A_48 {strides = array<i32>} : memref<1x128xf32, #tpu.memory_space<vmem>>, vector<1x128xf32>,
    } else {
    }
    return
  }
  func.func @transform_0(%arg0: i32) -> (i32, i32, i32) {
    %c0_i32 = arith.constant 0 : i32
    %c0_i32_0 = arith.constant 0 : i32
    %c0_i32_1 = arith.constant 0 : i32
    return %c0_i32, %arg0, %c0_i32_0 : i32, i32, i32
  }
  func.func @transform_1(%arg0: i32) -> (i32, i32) {
    %c0_i32 = arith.constant 0 : i32
    %c0_i32_0 = arith.constant 0 : i32
    return %arg0, %c0_i32 : i32, i32
  }
  func.func @transform_2(%arg0: i32) -> (i32, i32) {
    %c0_i32 = arith.constant 0 : i32
    %c0_i32_0 = arith.constant 0 : i32
    %c0_i32_1 = arith.constant 0 : i32
    return %c0_i32, %c0_i32_0 : i32, i32
  }
  func.func @transform_3(%arg0: i32) -> (i32, i32) {
    %c0_i32 = arith.constant 0 : i32
    %c0_i32_0 = arith.constant 0 : i32
    %c0_i32_1 = arith.constant 0 : i32
    return %c0_i32, %c0_i32_0 : i32, i32
  }
  func.func @transform_4(%arg0: i32) -> (i32, i32) {
    %c0_i32 = arith.constant 0 : i32
    %c0_i32_0 = arith.constant 0 : i32
    %c0_i32_1 = arith.constant 0 : i32
    return %c0_i32, %c0_i32_0 : i32, i32
  }
  func.func @transform_5(%arg0: i32) -> (i32, i32, i32) {
    %c0_i32 = arith.constant 0 : i32
    %c0_i32_0 = arith.constant 0 : i32
    %c0_i32_1 = arith.constant 0 : i32
    %c0_i32_2 = arith.constant 0 : i32
    return %c0_i32, %c0_i32_0, %c0_i32_1 : i32, i32, i32
  }
  func.func @transform_6(%arg0: i32) -> (i32, i32) {
    %c0_i32 = arith.constant 0 : i32
    %c0_i32_0 = arith.constant 0 : i32
    %c0_i32_1 = arith.constant 0 : i32
    return %c0_i32, %c0_i32_0 : i32, i32
  }
  func.func @transform_7(%arg0: i32) -> (i32, i32) {
    %c0_i32 = arith.constant 0 : i32
    %c0_i32_0 = arith.constant 0 : i32
    %c0_i32_1 = arith.constant 0 : i32
    return %c0_i32, %c0_i32_0 : i32, i32
  }
  func.func @transform_8(%arg0: i32) -> (i32, i32) {
    %c0_i32 = arith.constant 0 : i32
    %c0_i32_0 = arith.constant 0 : i32
    %c0_i32_1 = arith.constant 0 : i32
    return %c0_i32, %c0_i32_0 : i32, i32
  }
}

</mosaic_0001>

<sc_bundles>
// kernel: kernel.10.cloned.1.call-start
scs
__scs_entry_jumppad:
0x0: {  	(pc) =	sbr.rel $0x88, $3  }
0x1: {  	(tag) =	ssettag $0x0;
	lr =	simm.s32 $0x1  }
0x2: {  	[smem:$0x3F99] =	sst lr;
	_ =	strace $0xD0000000  }
0x3: {  	_ = 	snop  }
0x4: {  	_ = 	snop  }
0x5: {  	_ = 	snop  }
0x6: {  	_ = 	snop  }
0x7: {  	_ = 	snop  }
__scs_overlays_trampoline_lowered:
0x8: {  	[smem:$0x3FA8] =	sst s0  }
0x9: {  	[smem:$0x3FA9] =	sst s1  }
0xa: {  	[smem:$0x3FAA] =	sst s2  }
0xb: {  	[smem:$0x3FAB] =	sst s3  }
0xc: {  	[smem:$0x3FAC] =	sst s4  }
0xd: {  	[smem:$0x3FAD] =	sst s5  }
0xe: {  	[smem:$0x3FAE] =	sst s6  }
0xf: {  	[smem:$0x3FAF] =	sst s7  }
0x10: {  	[smem:$0x3FB0] =	sst s8  }
0x11: {  	[smem:$0x3FB1] =	sst s9;
	s0 =	simm.s32 @!p0 $0x0  }
0x12: {  	s1 =	sld [smem:$0x3F97];
	s0 =	simm.s32 @p0 $0x1  }
0x13: {  	[smem:$0x3FB2] =	sst s0;
	s0 =	simm.s32 @!p1 $0x0  }
0x14: {  	s2 =	sld [smem:$0x3F96];
	s0 =	simm.s32 @p1 $0x1  }
0x15: {  	[smem:$0x3FB3] =	sst s0;
	s0 =	simm.s32 @!p2 $0x0  }
0x16: {  	s3 =	sld [smem:$0x3FDB];
	s0 =	simm.s32 @p2 $0x1  }
0x17: {  	s4 =	simm.s32 $0x1BF5;
	[smem:$0x3FB5] =	sst s0  }
0x18: {  	s0 =	sld [smem:$0x3F98];
	_ =	swait.ge [sflag:s4], $0x0  }
0x19: {  	s7 =	sld [smem:$0x3F99]  }
0x1a: {  	s8 =	sadd.s32 $0xFFFFE003, lr  }
0x1b: {  	s9 =	sadd.s32 $0xFFFFFEF7, lr;
	s5 =	simm.s32 $0xFFFFFFFF;
	p2 =	slt.u32 s8, $0xFFFFF086  }
0x1c: {  	p1 =	slt.u32 s9, $0xF7A;
	s5 =	simm.s32 @!p2 $0x0  }
0x1d: {  	s5 =	simm.s32 @p1 $0x1;
	p0 =	seq.s32 s7, s2  }
0x1e: {  	s7 =	smul.u32 @!p0 $0xF7A, s2;
	p2 =	seq.s32 @!p0 s5, $0x0  }
0x1f: {  	s9 =	smul.u32 $0xF7A, s1;
	s8 =	simm.s32 @!p0 $0x1BF5;
	p2 =	por !p2, p0  }
0x20: {  	[sflag:s8] =	ssyncset.s32 @!p0 $0xFFFFF086;
	s6 =	sadd.s32 @!p0 s3, s7;
	s7 =	simm.s32 @!p0 $0x108  }
0x21: {  	s3 =	sadd.s32 s3, s9;
	s6 =	sadd.s32 @!p0 $0x88, s6;
	s7 =	simm.s32 @p2 $0x1082  }
0x22: {  	[simem:s7], [sflag:s8] =	dma.local @!p0 [hbm:s6], $0xF7A  }
0x23: {  	s9 =	sor.u32 $0xD0000000, s2;
	s6 =	simm.s32 $0x108;
	_ =	swait.ge @!p0 [sflag:s8], $0x0  }
0x24: {  	s3 =	sadd.s32 $0x88, s3;
	s6 =	simm.s32 @!p1 $0x1082;
	[sflag:s4] =	ssyncset.s32 $0xFFFFF086  }
0x25: {  	[simem:s6], [sflag:s4] =	dma.local [hbm:s3], $0xF7A  }
0x26: {  	[smem:$0x3F99] =	sst s1;
	(tag) =	ssettag s2;
	_ =	strace s9  }
0x27: {  	s1 =	sld [smem:$0x3FA9]  }
0x28: {  	s2 =	sld [smem:$0x3FAA]  }
0x29: {  	s4 =	sld [smem:$0x3FAC]  }
0x2a: {  	p0 =	seq.s32 s5, $0x0;
	s5 =	sld [smem:$0x3FAD]  }
0x2b: {  	s6 =	sld [smem:$0x3FAE]  }
0x2c: {  	s7 =	sld [smem:$0x3FAF]  }
0x2d: {  	s3 =	simm.s32 $0x108;
	s8 =	sld [smem:$0x3FB0]  }
0x2e: {  	s3 =	simm.s32 @!p0 $0x1082;
	s9 =	sld [smem:$0x3FB1]  }
0x2f: {  	lr =	sadd.s32 s0, s3;
	s0 =	sld [smem:$0x3FA8]  }
0x30: {  	s3 =	sld [smem:$0x3FAB]  }
0x31: {  	[smem:$0x3FB4] =	sst s10  }
0x32: {  	s10 =	sld [smem:$0x3FB2];
	_ =	sdelay $0x3  }
0x33: {  	p0 =	seq.s32 s10, $0x1;
	s10 =	sld [smem:$0x3FB4];
	_ =	sdelay $0x3  }
0x34: {  	[smem:$0x3FB4] =	sst s10  }
0x35: {  	s10 =	sld [smem:$0x3FB3];
	_ =	sdelay $0x3  }
0x36: {  	p1 =	seq.s32 s10, $0x1;
	s10 =	sld [smem:$0x3FB4];
	_ =	sdelay $0x3  }
0x37: {  	[smem:$0x3FB4] =	sst s10  }
0x38: {  	s10 =	sld [smem:$0x3FB5]  }
0x39: {  	_ = 	snop;
	(pc) =	sbr.ind lr, $3  }
0x3a: {  	_ = 	snop  }
0x3b: {  	_ = 	snop  }
0x3c: {  	p2 =	seq.s32 s10, $0x1;
	s10 =	sld [smem:$0x3FB4]  }
0x3d: {  	_ =	shalt  }
0x3e: {  	_ =	shalt  }
0x3f: {  	_ =	shalt  }
0x40: {  	_ =	shalt  }
0x41: {  	_ =	shalt  }
0x42: {  	_ =	shalt  }
0x43: {  	_ =	shalt  }
0x44: {  	_ =	shalt  }
0x45: {  	_ =	shalt  }
0x46: {  	_ =	shalt  }
0x47: {  	_ =	shalt  }
0x48: {  	_ =	shalt  }
0x49: {  	_ =	shalt  }
0x4a: {  	_ =	shalt  }
0x4b: {  	_ =	shalt  }
0x4c: {  	_ =	shalt  }
0x4d: {  	_ =	shalt  }
0x4e: {  	_ =	shalt  }
0x4f: {  	_ =	shalt  }
0x50: {  	_ =	shalt  }
0x51: {  	_ =	shalt  }
0x52: {  	_ =	shalt  }
0x53: {  	_ =	shalt  }
0x54: {  	_ =	shalt  }
0x55: {  	_ =	shalt  }
0x56: {  	_ =	shalt  }
0x57: {  	_ =	shalt  }
0x58: {  	_ =	shalt  }
0x59: {  	_ =	shalt  }
0x5a: {  	_ =	shalt  }
0x5b: {  	_ =	shalt  }
0x5c: {  	_ =	shalt  }
0x5d: {  	_ =	shalt  }
0x5e: {  	_ =	shalt  }
0x5f: {  	_ =	shalt  }
0x60: {  	_ =	shalt  }
0x61: {  	_ =	shalt  }
0x62: {  	_ =	shalt  }
0x63: {  	_ =	shalt  }
0x64: {  	_ =	shalt  }
0x65: {  	_ =	shalt  }
0x66: {  	_ =	shalt  }
0x67: {  	_ =	shalt  }
0x68: {  	_ =	shalt  }
0x69: {  	_ =	shalt  }
0x6a: {  	_ =	shalt  }
0x6b: {  	_ =	shalt  }
0x6c: {  	_ =	shalt  }
0x6d: {  	_ =	shalt  }
0x6e: {  	_ =	shalt  }
0x6f: {  	_ =	shalt  }
0x70: {  	_ =	shalt  }
0x71: {  	_ =	shalt  }
0x72: {  	_ =	shalt  }
0x73: {  	_ =	shalt  }
0x74: {  	_ =	shalt  }
0x75: {  	_ =	shalt  }
0x76: {  	_ =	shalt  }
0x77: {  	_ =	shalt  }
0x78: {  	_ =	shalt  }
0x79: {  	_ =	shalt  }
0x7a: {  	_ =	shalt  }
0x7b: {  	_ =	shalt  }
0x7c: {  	_ =	shalt  }
0x7d: {  	_ =	shalt  }
0x7e: {  	_ =	shalt  }
0x7f: {  	_ =	shalt  }
0x80: {  	_ =	shalt  }
0x81: {  	_ =	shalt  }
0x82: {  	_ =	shalt  }
0x83: {  	_ =	shalt  }
0x84: {  	_ =	shalt  }
0x85: {  	_ =	shalt  }
0x86: {  	_ =	shalt  }
0x87: {  	_ =	shalt  }
.Lfunc_end0:
.L_simem_size_0:
called_computation.1_lowered:
.L_overlay_start_0:
0x88: {  	s2 =	sld [smem:$0x3FD9]  }
0x89: {  	s3 =	sld [smem:$0x3FFE];
	_ =	sdelay $0x1  }
0x8a: {  	s1 =	srdreg.scid  }
0x8b: {  	s0 =	sand.u32 $0x1, s1  }
0x8c: {  	s16 =	sshll.u32 s0, $0xA;
	s2 =	sadd.s32 s3, s2  }
0x8d: {  	s2 =	sadd.s32 s2, s16  }
0x8e: {  	[smem:$0x3FC0] =	sst s2  }
0x8f: {  	_ = 	snop  }
0x90: {  	(tm) =	ssettm $0x1  }
0x91: {  	s17 =	sld [smem:$0x3FFB];
	_ =	sdelay $0x3  }
0x92: {  	_ =	strace s17  }
0x93: {  	s2 =	sld [smem:$0x3FFC];
	_ =	sdelay $0x3  }
0x94: {  	_ =	strace s2  }
0x95: {  	s2 =	sld [smem:$0x3FFD];
	_ =	sdelay $0x3  }
0x96: {  	_ =	strace s2  }
0x97: {  	_ =	strace $0x8FFFFFFF  }
0x98: {  	s18 =	sld [smem:$0x3FDB];
	_ =	sdelay $0x1  }
0x99: {  	s19 =	simm.s32 $_scs_section_size  }
0x9a: {  	s4 =	simm.s32 $_size__tile_overlayer_lowered;
	s5 =	simm.s32 $_tile_overlayer_lowered  }
0x9b: {  	s22 =	simm.s32 $0x1BFF;
	s21 =	sshll.u32 s5, $0x1;
	s2 =	sadd.s32 s19, s18  }
0x9c: {  	s6 =	simm.s32 $0x0;
	s20 =	sshll.u32 s4, $0x1;
	s4 =	sadd.s32 s21, s2  }
0x9d: {  	[timem:s6], [sflag:s22] =	dma.local [hbm:s4], s20  }
0x9e: {  	_ =	swait.ge [sflag:s22], s20  }
0x9f: {  	s3 =	ssub.s32 $0x0, s20;
	[sflag:s22] =	ssyncset.done $0x0  }
0xa0: {  	[sflag:s22] =	ssyncadd.s32 s3;
	_ =	sdelay $0x1  }
0xa1: {  	s23 =	simm.s32 $0x1B8B  }
0xa2: {  	_ =	swait.ge [sflag:s23], $0x1  }
0xa3: {  	[sflag:s23] =	ssyncset.done $0x0  }
0xa4: {  	s25 =	simm.s32 $0x1B8E;
	s24 =	sld [smem:$0x3FFE];
	[sflag:s23] =	ssyncadd.s32 $0xFFFFFFFF  }
0xa5: {  	s26 =	simm.s32 $execute0_lowered;
	[smem:$0x3FD2] =	sst s25  }
0xa6: {  	s4 =	sshll.u32 s26, $0x1;
	_ =	strace $0x80000049;
	[dreg:$0x1] =	wrdreg $0xFFFFFFFF  }
0xa7: {  	s28 =	simm.s32 $_size_execute0_lowered;
	s2 =	sadd.s32 s2, s4;
	[dreg:$0x0] =	wrdreg $0x0  }
0xa8: {  	s4 =	sshll.u32 s28, $0x1;
	[dreg:$0x2] =	wrdreg s2  }
0xa9: {  	[dreg:$0x3] =	wrdreg s4  }
0xaa: {  	[dreg:$0x4] =	wrdreg $0xC0  }
0xab: {  	_ =	task [dreg:s6], $0x5FFFF  }
0xac: {  	[dreg:$0x1] =	wrdreg $0xFFFFFFFF  }
0xad: {  	[dreg:$0x0] =	wrdreg $0x60  }
0xae: {  	[dreg:$0x2] =	wrdreg s24  }
0xaf: {  	[dreg:$0x3] =	wrdreg $0xB0000  }
0xb0: {  	[dreg:$0x4] =	wrdreg $0x9  }
0xb1: {  	_ =	task.clear_ibuf [dreg:s6], $0x5FFFF;
	_ =	strace $0x90000049  }
0xb2: {  	s29 =	simm.s32 $0x9;
	_ =	strace $0x8000004B  }
0xb3: {  	_ =	swait.ge [sflag:s29], $0x1  }
0xb4: {  	[sflag:s29] =	ssyncadd.s32 $0xFFFFFFFF  }
0xb5: {  	_ =	strace $0x9000004B  }
0xb6: {  	_ =	sfence  }
0xb7: {  	s30 =	sld [smem:$0x0];
	_ =	sdelay $0x2  }
0xb8: {  	s31 =	sshll.u32 s1, $0xD;
	s1 =	sshrl.u32 s1, $0x2  }
0xb9: {  	s3 =	sand.u32 $0x4000, s31;
	s1 =	sadd.s32 s1, s30  }
0xba: {  	s0 =	sor.u32 s3, s0;
	s1 =	sshll.u32 s1, $0x11  }
0xbb: {  	s0 =	sor.u32 s1, s0  }
0xbc: {  	s0 =	sadd.s32 $0x8F2B, s0  }
0xbd: {  	[sflag:s0] =	ssyncadd.remote.s32 $0x1  }
0xbe: {  	_ =	sfence.sel $0xFFFF  }
0xbf: {  	[dreg:$0x0] =	wrdreg $0xFFFFFFFF;
	(pc) =	sbr.abs _section_cstart, $3  }
0xc0: {  	[dreg:$0x1] =	wrdreg $0xFFFFFFFF  }
0xc1: {  	_ =	task.clear_ibuf [dreg:s6], $0x2FFFF;
	_ =	strace $0x9FFFFFFF  }
0xc2: {  	(tm) =	ssettm $0x7FFFFFFF  }
0xc3: {  	_ =	shalt  }
tec
execute0_lowered:
.L_overlay_start_1:
0x0: {  	(tag) =	ssettag $0x1  }
0x1: {  	s0 =	rddreg [dreg:$0x0]  }
0x2: {  	s1 =	rddreg [dreg:$0x1]  }
0x3: {  	s2 =	simm.s32 $0x0;
	s5 =	srdreg.scid;
	s11 =	stileid.u32  }
0x4: {  	s14 =	simm.s32 $0x7;
	s15 =	simm.s32 $0x2800;
	s16 =	simm.s32 $0x40  }
0x5: {  	s17 =	simm.s32 $0x5000;
	s18 =	simm.s32 $0x80;
	s28 =	simm.s32 $0x5  }
0x6: {  	s29 =	simm.s32 $0x200;
	s30 =	simm.s32 $0x3;
	s31 =	simm.s32 $0x2900  }
0x7: {  	[smem:$0x7FF] =	sst s2;
	s4 =	sadd.s32 $0x3600, s0;
	s3 =	sadd.s32 $0x2B600, s0  }
0x8: {  	s7 =	sadd.s32 $0x3F600, s0;
	s5 =	sand.u32 $0x1, s5;
	s6 =	smul.u32 $0x2800, s11  }
0x9: {  	s8 =	sadd.s32 $0x53600, s0;
	s9 =	sshll.u32 s11, $0x1;
	s20 =	smul.u32 $0x50000, s11  }
0xa: {  	s23 =	sshll.u32 s11, $0x6;
	_ =	strace $0x8000004A;
	[dreg:$0x3] =	wrdreg s8  }
0xb: {  	s19 =	smul.u32 $0x28000, s5;
	s10 =	ssub.s32 $0x2, s5;
	s5 =	sor.u32 s5, s9  }
0xc: {  	s21 =	sshrl.u32 s10, $0x1;
	s5 =	smul.u32 $0x5000, s5;
	s22 =	sshrl.u32 s20, $0x2  }
0xd: {  	s20 =	simm.s32 $0x100;
	s6 =	sadd.s32 s6, s19;
	s8 =	ssub.s32 s10, s21  }
0xe: {  	s9 =	sadd.s32 s22, s1;
	s19 =	simm.s32 $0x7000;
	s21 =	simm.s32 $0x9000  }
0xf: {  	s22 =	simm.s32 $0x1;
	s0 =	sadd.s32 s6, s0;
	s5 =	sshrl.u32 s5, $0x3  }
0x10: {  	s6 =	sor.u32 $0x1C07, s23;
	s12 =	smax.u32 s8, $0x1;
	s13 =	sshrl.u32 s9, $0x3  }
0x11: {  	s23 =	simm.s32 $0x4;
	s24 =	sadd.s32 s3, s5;
	s25 =	sadd.s32 $0x500, s5  }
0x12: {  	s5 =	sadd.s32 s7, s5;
	s11 =	sadd.s32 $0x55E00, s0;
	[dreg:$0x4] =	wrdreg s24  }
0x13: {  	s0 =	simm.s32 $0x6;
	[dreg:$0x5] =	wrdreg s5;
	s3 =	sadd.s32 s3, s25  }
0x14: {  	s26 =	sadd.s32 s7, s25;
	s24 =	simm.s32 $0x180;
	s25 =	simm.s32 $0x2  }
0x15: {  	s5 =	simm.s32 $0x4F80;
	s7 =	simm.s32 $0x0;
	[dreg:$0x6] =	wrdreg s3  }
0x16: {  	[dreg:$0x7] =	wrdreg s26;
	s26 =	simm.s32 $0x2880;
	s3 =	simm.s32 $0x4F00  }
.LBB2_1:
0x17: {  	s8 =	rddreg [dreg:$0x3]  }
0x18: {  	[spmem:s13], [sflag:s6] =	dma.local [hbm:s8], $0x2800  }
0x19: {  	_ =	swait.ge [sflag:s14], $0x2800  }
0x1a: {  	[sflag:s14] =	ssyncset.done $0x0  }
0x1b: {  	[sflag:s14] =	ssyncadd.s32 $0xFFFFD800  }
0x1c: {  	[bflag:$0x0] =	sbarrier.arrive $0xFFFF  }
0x1d: {  	s10 =	rddreg [dreg:$0x4]  }
0x1e: {  	[tilespmem:s2], [sflag:$0x7] =	stream.linear.gather [hbm4b:s10+s2], $0x2800, $0x38;
	[tilespmem:$0x1F000] =	vst v63  }
0x1f: {  	_ =	swait.ge [sflag:s14], $0x2800  }
0x20: {  	[sflag:s14] =	ssyncset.done $0x0  }
0x21: {  	s9 =	rddreg [dreg:$0x5];
	[sflag:s14] =	ssyncadd.s32 $0xFFFFD800  }
0x22: {  	[tilespmem:s15], [sflag:$0x7] =	stream.linear.gather [hbm4b:s9+s2], $0x2800, $0x38;
	[tilespmem:$0x1F000] =	vst v63  }
0x23: {  	_ =	swait.ge [sflag:s14], $0x2800  }
0x24: {  	[sflag:s14] =	ssyncset.done $0x0  }
0x25: {  	[sflag:s14] =	ssyncadd.s32 $0xFFFFD800  }
0x26: {  	[tilespmem:s17], [sflag:$0x1] =	stream.indirect.gather [hbm4b:s4+s16], $0x80, s2, s16, $0xb8;
	[tilespmem:$0x1F000] =	vst v63  }
0x27: {  	_ = 	snop  }
0x28: {  	[tilespmem:s19], [sflag:$0x2] =	stream.indirect.gather [hbm4b:s4+s16], $0x80, s18, s16, $0xb8;
	[tilespmem:$0x1F000] =	vst v63  }
0x29: {  	_ = 	snop  }
0x2a: {  	[tilespmem:s21], [sflag:$0x3] =	stream.indirect.gather [hbm4b:s4+s16], $0x80, s20, s16, $0xb8;
	[tilespmem:$0x1F000] =	vst v63  }
0x2b: {  	_ =	swait.ge [sflag:s22], $0x2000  }
0x2c: {  	[sflag:s22] =	ssyncset.done $0x0  }
0x2d: {  	[sflag:s22] =	ssyncadd.s32 $0xFFFFE000  }
0x2e: {  	[spmem:s1] =	stream.indirect.scatter.add.f32 [tilespmem:s17], [sflag:$0x4], $0x80, s15, s16, $0xb8;
	[tilespmem:$0x1F000] =	vst v63  }
0x2f: {  	_ =	swait.ge [sflag:s23], $0x2000  }
0x30: {  	[sflag:s23] =	ssyncset.done $0x0  }
0x31: {  	[sflag:s23] =	ssyncadd.s32 $0xFFFFE000  }
0x32: {  	[tilespmem:s17], [sflag:$0x1] =	stream.indirect.gather [hbm4b:s4+s16], $0x80, s24, s16, $0xb8;
	[tilespmem:$0x1F000] =	vst v63  }
0x33: {  	_ =	swait.ge [sflag:s25], $0x2000  }
0x34: {  	[sflag:s25] =	ssyncset.done $0x0  }
0x35: {  	[sflag:s25] =	ssyncadd.s32 $0xFFFFE000  }
0x36: {  	[spmem:s1] =	stream.indirect.scatter.add.f32 [tilespmem:s19], [sflag:$0x5], $0x80, s26, s16, $0xb8;
	[tilespmem:$0x1F000] =	vst v63  }
0x37: {  	_ =	swait.ge [sflag:s28], $0x2000  }
0x38: {  	[sflag:s28] =	ssyncset.done $0x0  }
0x39: {  	[sflag:s28] =	ssyncadd.s32 $0xFFFFE000  }
0x3a: {  	[tilespmem:s19], [sflag:$0x2] =	stream.indirect.gather [hbm4b:s4+s16], $0x80, s29, s16, $0xb8;
	[tilespmem:$0x1F000] =	vst v63  }
0x3b: {  	_ =	swait.ge [sflag:s30], $0x2000  }
0x3c: {  	[sflag:s30] =	ssyncset.done $0x0  }
0x3d: {  	[sflag:s30] =	ssyncadd.s32 $0xFFFFE000  }
0x3e: {  	[spmem:s1] =	stream.indirect.scatter.add.f32 [tilespmem:s21], [sflag:$0x6], $0x80, s31, s16, $0xb8;
	[tilespmem:$0x1F000] =	vst v63  }
0x3f: {  	_ =	swait.ge [sflag:s0], $0x2000  }
0x40: {  	[sflag:s0] =	ssyncset.done $0x0  }
0x41: {  	s10 =	simm.s32 $0x280;
	[sflag:s0] =	ssyncadd.s32 $0xFFFFE000  }
0x42: {  	[tilespmem:s21], [sflag:$0x3] =	stream.indirect.gather [hbm4b:s4+s16], $0x80, s10, s16, $0xb8;
	[tilespmem:$0x1F000] =	vst v63  }
0x43: {  	_ =	swait.ge [sflag:s22], $0x2000  }
0x44: {  	[sflag:s22] =	ssyncset.done $0x0  }
0x45: {  	s9 =	simm.s32 $0x2980;
	[sflag:s22] =	ssyncadd.s32 $0xFFFFE000  }
0x46: {  	[spmem:s1] =	stream.indirect.scatter.add.f32 [tilespmem:s17], [sflag:$0x4], $0x80, s9, s16, $0xb8;
	[tilespmem:$0x1F000] =	vst v63  }
0x47: {  	_ =	swait.ge [sflag:s23], $0x2000  }
0x48: {  	[sflag:s23] =	ssyncset.done $0x0  }
0x49: {  	s10 =	simm.s32 $0x300;
	[sflag:s23] =	ssyncadd.s32 $0xFFFFE000  }
0x4a: {  	[tilespmem:s17], [sflag:$0x1] =	stream.indirect.gather [hbm4b:s4+s16], $0x80, s10, s16, $0xb8;
	[tilespmem:$0x1F000] =	vst v63  }
0x4b: {  	_ =	swait.ge [sflag:s25], $0x2000  }
0x4c: {  	[sflag:s25] =	ssyncset.done $0x0  }
0x4d: {  	s9 =	simm.s32 $0x2A00;
	[sflag:s25] =	ssyncadd.s32 $0xFFFFE000  }
0x4e: {  	[spmem:s1] =	stream.indirect.scatter.add.f32 [tilespmem:s19], [sflag:$0x5], $0x80, s9, s16, $0xb8;
	[tilespmem:$0x1F000] =	vst v63  }
0x4f: {  	_ =	swait.ge [sflag:s28], $0x2000  }
0x50: {  	[sflag:s28] =	ssyncset.done $0x0  }
0x51: {  	s10 =	simm.s32 $0x380;
	[sflag:s28] =	ssyncadd.s32 $0xFFFFE000  }
0x52: {  	[tilespmem:s19], [sflag:$0x2] =	stream.indirect.gather [hbm4b:s4+s16], $0x80, s10, s16, $0xb8;
	[tilespmem:$0x1F000] =	vst v63  }
0x53: {  	_ =	swait.ge [sflag:s30], $0x2000  }
0x54: {  	[sflag:s30] =	ssyncset.done $0x0  }
0x55: {  	s8 =	simm.s32 $0x600;
	s9 =	simm.s32 $0x2A80;
	[sflag:s30] =	ssyncadd.s32 $0xFFFFE000  }
.LBB2_2:
0x56: {  	[spmem:s1] =	stream.indirect.scatter.add.f32 [tilespmem:s21], [sflag:$0x6], $0x80, s9, s16, $0xb8;
	[tilespmem:$0x1F000] =	vst v63  }
0x57: {  	s9 =	smov.u32 s8  }
0x58: {  	p0 =	sne.s32 s8, $0x9000;
	s8 =	sadd.s32 $0x600, s8;
	_ =	swait.ge [sflag:s0], $0x2000  }
0x59: {  	s9 =	sshra.s32 s9, $0x2;
	[sflag:s0] =	ssyncset.done $0x0  }
0x5a: {  	s10 =	sadd.s32 $0x280, s9;
	[sflag:s0] =	ssyncadd.s32 $0xFFFFE000  }
0x5b: {  	[tilespmem:s21], [sflag:$0x3] =	stream.indirect.gather [hbm4b:s4+s16], $0x80, s10, s16, $0xb8;
	[tilespmem:$0x1F000] =	vst v63  }
0x5c: {  	_ =	swait.ge [sflag:s22], $0x2000  }
0x5d: {  	[sflag:s22] =	ssyncset.done $0x0  }
0x5e: {  	s10 =	sadd.s32 $0x2980, s9;
	[sflag:s22] =	ssyncadd.s32 $0xFFFFE000  }
0x5f: {  	[spmem:s1] =	stream.indirect.scatter.add.f32 [tilespmem:s17], [sflag:$0x4], $0x80, s10, s16, $0xb8;
	[tilespmem:$0x1F000] =	vst v63  }
0x60: {  	_ =	swait.ge [sflag:s23], $0x2000  }
0x61: {  	[sflag:s23] =	ssyncset.done $0x0  }
0x62: {  	s10 =	sadd.s32 $0x300, s9;
	[sflag:s23] =	ssyncadd.s32 $0xFFFFE000  }
0x63: {  	[tilespmem:s17], [sflag:$0x1] =	stream.indirect.gather [hbm4b:s4+s16], $0x80, s10, s16, $0xb8;
	[tilespmem:$0x1F000] =	vst v63  }
0x64: {  	_ =	swait.ge [sflag:s25], $0x2000  }
0x65: {  	[sflag:s25] =	ssyncset.done $0x0  }
0x66: {  	s10 =	sadd.s32 $0x2A00, s9;
	[sflag:s25] =	ssyncadd.s32 $0xFFFFE000  }
0x67: {  	[spmem:s1] =	stream.indirect.scatter.add.f32 [tilespmem:s19], [sflag:$0x5], $0x80, s10, s16, $0xb8;
	[tilespmem:$0x1F000] =	vst v63  }
0x68: {  	_ =	swait.ge [sflag:s28], $0x2000  }
0x69: {  	[sflag:s28] =	ssyncset.done $0x0  }
.Ltmp0:
0x6a: {  	s10 =	sadd.s32 $0x380, s9;
	[sflag:s28] =	ssyncadd.s32 $0xFFFFE000;
	(pc) =	sbr.rel @p0 .LBB2_2-.Ltmp0, $4  }
0x6b: {  	[tilespmem:s19], [sflag:$0x2] =	stream.indirect.gather [hbm4b:s4+s16], $0x80, s10, s16, $0xb8;
	[tilespmem:$0x1F000] =	vst v63  }
0x6c: {  	_ =	swait.ge [sflag:s30], $0x2000  }
0x6d: {  	[sflag:s30] =	ssyncset.done $0x0  }
0x6e: {  	s9 =	sadd.s32 $0x2A80, s9;
	[sflag:s30] =	ssyncadd.s32 $0xFFFFE000  }
0x6f: {  	[spmem:s1] =	stream.indirect.scatter.add.f32 [tilespmem:s21], [sflag:$0x6], $0x80, s9, s16, $0xb8;
	[tilespmem:$0x1F000] =	vst v63  }
0x70: {  	_ =	swait.ge [sflag:s22], $0x2000  }
0x71: {  	[sflag:s22] =	ssyncset.done $0x0  }
0x72: {  	[sflag:s22] =	ssyncadd.s32 $0xFFFFE000  }
0x73: {  	[spmem:s1] =	stream.indirect.scatter.add.f32 [tilespmem:s17], [sflag:$0x4], $0x80, s3, s16, $0xb8;
	[tilespmem:$0x1F000] =	vst v63  }
0x74: {  	_ =	swait.ge [sflag:s25], $0x2000  }
0x75: {  	[sflag:s25] =	ssyncset.done $0x0  }
0x76: {  	[sflag:s25] =	ssyncadd.s32 $0xFFFFE000  }
0x77: {  	[spmem:s1] =	stream.indirect.scatter.add.f32 [tilespmem:s19], [sflag:$0x5], $0x80, s5, s16, $0xb8;
	[tilespmem:$0x1F000] =	vst v63  }
0x78: {  	_ =	swait.ge [sflag:s23], $0x2000  }
0x79: {  	[sflag:s23] =	ssyncset.done $0x0  }
0x7a: {  	[sflag:s23] =	ssyncadd.s32 $0xFFFFE000  }
0x7b: {  	_ =	swait.ge [sflag:s28], $0x2000  }
0x7c: {  	[sflag:s28] =	ssyncset.done $0x0  }
0x7d: {  	[sflag:s28] =	ssyncadd.s32 $0xFFFFE000  }
0x7e: {  	_ =	swait.ge [sflag:s0], $0x2000  }
0x7f: {  	[sflag:s0] =	ssyncset.done $0x0  }
0x80: {  	s8 =	simm.s32 $0x0;
	s10 =	rddreg [dreg:$0x6];
	[sflag:s0] =	ssyncadd.s32 $0xFFFFE000  }
0x81: {  	[tilespmem:s8], [sflag:$0x7] =	stream.linear.gather [hbm4b:s10+s8], $0x2800, $0x38;
	[tilespmem:$0x1F000] =	vst v63  }
0x82: {  	_ =	swait.ge [sflag:s14], $0x2800  }
0x83: {  	[sflag:s14] =	ssyncset.done $0x0  }
0x84: {  	s10 =	rddreg [dreg:$0x7];
	[sflag:s14] =	ssyncadd.s32 $0xFFFFD800  }
0x85: {  	[tilespmem:s15], [sflag:$0x7] =	stream.linear.gather [hbm4b:s10+s8], $0x2800, $0x38;
	[tilespmem:$0x1F000] =	vst v63  }
0x86: {  	_ =	swait.ge [sflag:s14], $0x2800  }
0x87: {  	[sflag:s14] =	ssyncset.done $0x0  }
0x88: {  	[sflag:s14] =	ssyncadd.s32 $0xFFFFD800  }
0x89: {  	[tilespmem:s17], [sflag:$0x1] =	stream.indirect.gather [hbm4b:s4+s16], $0x80, s8, s16, $0xb8;
	[tilespmem:$0x1F000] =	vst v63  }
0x8a: {  	_ = 	snop  }
0x8b: {  	[tilespmem:s19], [sflag:$0x2] =	stream.indirect.gather [hbm4b:s4+s16], $0x80, s18, s16, $0xb8;
	[tilespmem:$0x1F000] =	vst v63  }
0x8c: {  	_ = 	snop  }
0x8d: {  	[tilespmem:s21], [sflag:$0x3] =	stream.indirect.gather [hbm4b:s4+s16], $0x80, s20, s16, $0xb8;
	[tilespmem:$0x1F000] =	vst v63  }
0x8e: {  	_ =	swait.ge [sflag:s22], $0x2000  }
0x8f: {  	[sflag:s22] =	ssyncset.done $0x0  }
0x90: {  	[sflag:s22] =	ssyncadd.s32 $0xFFFFE000  }
0x91: {  	[spmem:s1] =	stream.indirect.scatter.add.f32 [tilespmem:s17], [sflag:$0x4], $0x80, s15, s16, $0xb8;
	[tilespmem:$0x1F000] =	vst v63  }
0x92: {  	_ =	swait.ge [sflag:s23], $0x2000  }
0x93: {  	[sflag:s23] =	ssyncset.done $0x0  }
0x94: {  	[sflag:s23] =	ssyncadd.s32 $0xFFFFE000  }
0x95: {  	[tilespmem:s17], [sflag:$0x1] =	stream.indirect.gather [hbm4b:s4+s16], $0x80, s24, s16, $0xb8;
	[tilespmem:$0x1F000] =	vst v63  }
0x96: {  	_ =	swait.ge [sflag:s25], $0x2000  }
0x97: {  	[sflag:s25] =	ssyncset.done $0x0  }
0x98: {  	[sflag:s25] =	ssyncadd.s32 $0xFFFFE000  }
0x99: {  	[spmem:s1] =	stream.indirect.scatter.add.f32 [tilespmem:s19], [sflag:$0x5], $0x80, s26, s16, $0xb8;
	[tilespmem:$0x1F000] =	vst v63  }
0x9a: {  	_ =	swait.ge [sflag:s28], $0x2000  }
0x9b: {  	[sflag:s28] =	ssyncset.done $0x0  }
0x9c: {  	[sflag:s28] =	ssyncadd.s32 $0xFFFFE000  }
0x9d: {  	[tilespmem:s19], [sflag:$0x2] =	stream.indirect.gather [hbm4b:s4+s16], $0x80, s29, s16, $0xb8;
	[tilespmem:$0x1F000] =	vst v63  }
0x9e: {  	_ =	swait.ge [sflag:s30], $0x2000  }
0x9f: {  	[sflag:s30] =	ssyncset.done $0x0  }
0xa0: {  	[sflag:s30] =	ssyncadd.s32 $0xFFFFE000  }
0xa1: {  	[spmem:s1] =	stream.indirect.scatter.add.f32 [tilespmem:s21], [sflag:$0x6], $0x80, s31, s16, $0xb8;
	[tilespmem:$0x1F000] =	vst v63  }
0xa2: {  	_ =	swait.ge [sflag:s0], $0x2000  }
0xa3: {  	[sflag:s0] =	ssyncset.done $0x0  }
0xa4: {  	s10 =	simm.s32 $0x280;
	[sflag:s0] =	ssyncadd.s32 $0xFFFFE000  }
0xa5: {  	[tilespmem:s21], [sflag:$0x3] =	stream.indirect.gather [hbm4b:s4+s16], $0x80, s10, s16, $0xb8;
	[tilespmem:$0x1F000] =	vst v63  }
0xa6: {  	_ =	swait.ge [sflag:s22], $0x2000  }
0xa7: {  	[sflag:s22] =	ssyncset.done $0x0  }
0xa8: {  	s9 =	simm.s32 $0x2980;
	[sflag:s22] =	ssyncadd.s32 $0xFFFFE000  }
0xa9: {  	[spmem:s1] =	stream.indirect.scatter.add.f32 [tilespmem:s17], [sflag:$0x4], $0x80, s9, s16, $0xb8;
	[tilespmem:$0x1F000] =	vst v63  }
0xaa: {  	_ =	swait.ge [sflag:s23], $0x2000  }
0xab: {  	[sflag:s23] =	ssyncset.done $0x0  }
0xac: {  	s10 =	simm.s32 $0x300;
	[sflag:s23] =	ssyncadd.s32 $0xFFFFE000  }
0xad: {  	[tilespmem:s17], [sflag:$0x1] =	stream.indirect.gather [hbm4b:s4+s16], $0x80, s10, s16, $0xb8;
	[tilespmem:$0x1F000] =	vst v63  }
0xae: {  	_ =	swait.ge [sflag:s25], $0x2000  }
0xaf: {  	[sflag:s25] =	ssyncset.done $0x0  }
0xb0: {  	s9 =	simm.s32 $0x2A00;
	[sflag:s25] =	ssyncadd.s32 $0xFFFFE000  }
0xb1: {  	[spmem:s1] =	stream.indirect.scatter.add.f32 [tilespmem:s19], [sflag:$0x5], $0x80, s9, s16, $0xb8;
	[tilespmem:$0x1F000] =	vst v63  }
0xb2: {  	_ =	swait.ge [sflag:s28], $0x2000  }
0xb3: {  	[sflag:s28] =	ssyncset.done $0x0  }
0xb4: {  	s10 =	simm.s32 $0x380;
	[sflag:s28] =	ssyncadd.s32 $0xFFFFE000  }
0xb5: {  	[tilespmem:s19], [sflag:$0x2] =	stream.indirect.gather [hbm4b:s4+s16], $0x80, s10, s16, $0xb8;
	[tilespmem:$0x1F000] =	vst v63  }
0xb6: {  	_ =	swait.ge [sflag:s30], $0x2000  }
0xb7: {  	[sflag:s30] =	ssyncset.done $0x0  }
0xb8: {  	s8 =	simm.s32 $0x600;
	s9 =	simm.s32 $0x2A80;
	[sflag:s30] =	ssyncadd.s32 $0xFFFFE000  }
.LBB2_4:
0xb9: {  	[spmem:s1] =	stream.indirect.scatter.add.f32 [tilespmem:s21], [sflag:$0x6], $0x80, s9, s16, $0xb8;
	[tilespmem:$0x1F000] =	vst v63  }
0xba: {  	s9 =	smov.u32 s8  }
0xbb: {  	p0 =	sne.s32 s8, $0x9000;
	s8 =	sadd.s32 $0x600, s8;
	_ =	swait.ge [sflag:s0], $0x2000  }
0xbc: {  	s9 =	sshra.s32 s9, $0x2;
	[sflag:s0] =	ssyncset.done $0x0  }
0xbd: {  	s10 =	sadd.s32 $0x280, s9;
	[sflag:s0] =	ssyncadd.s32 $0xFFFFE000  }
0xbe: {  	[tilespmem:s21], [sflag:$0x3] =	stream.indirect.gather [hbm4b:s4+s16], $0x80, s10, s16, $0xb8;
	[tilespmem:$0x1F000] =	vst v63  }
0xbf: {  	_ =	swait.ge [sflag:s22], $0x2000  }
0xc0: {  	[sflag:s22] =	ssyncset.done $0x0  }
0xc1: {  	s10 =	sadd.s32 $0x2980, s9;
	[sflag:s22] =	ssyncadd.s32 $0xFFFFE000  }
0xc2: {  	[spmem:s1] =	stream.indirect.scatter.add.f32 [tilespmem:s17], [sflag:$0x4], $0x80, s10, s16, $0xb8;
	[tilespmem:$0x1F000] =	vst v63  }
0xc3: {  	_ =	swait.ge [sflag:s23], $0x2000  }
0xc4: {  	[sflag:s23] =	ssyncset.done $0x0  }
0xc5: {  	s10 =	sadd.s32 $0x300, s9;
	[sflag:s23] =	ssyncadd.s32 $0xFFFFE000  }
0xc6: {  	[tilespmem:s17], [sflag:$0x1] =	stream.indirect.gather [hbm4b:s4+s16], $0x80, s10, s16, $0xb8;
	[tilespmem:$0x1F000] =	vst v63  }
0xc7: {  	_ =	swait.ge [sflag:s25], $0x2000  }
0xc8: {  	[sflag:s25] =	ssyncset.done $0x0  }
0xc9: {  	s10 =	sadd.s32 $0x2A00, s9;
	[sflag:s25] =	ssyncadd.s32 $0xFFFFE000  }
0xca: {  	[spmem:s1] =	stream.indirect.scatter.add.f32 [tilespmem:s19], [sflag:$0x5], $0x80, s10, s16, $0xb8;
	[tilespmem:$0x1F000] =	vst v63  }
0xcb: {  	_ =	swait.ge [sflag:s28], $0x2000  }
0xcc: {  	[sflag:s28] =	ssyncset.done $0x0  }
.Ltmp1:
0xcd: {  	s10 =	sadd.s32 $0x380, s9;
	[sflag:s28] =	ssyncadd.s32 $0xFFFFE000;
	(pc) =	sbr.rel @p0 .LBB2_4-.Ltmp1, $4  }
0xce: {  	[tilespmem:s19], [sflag:$0x2] =	stream.indirect.gather [hbm4b:s4+s16], $0x80, s10, s16, $0xb8;
	[tilespmem:$0x1F000] =	vst v63  }
0xcf: {  	_ =	swait.ge [sflag:s30], $0x2000  }
0xd0: {  	[sflag:s30] =	ssyncset.done $0x0  }
0xd1: {  	s9 =	sadd.s32 $0x2A80, s9;
	[sflag:s30] =	ssyncadd.s32 $0xFFFFE000  }
0xd2: {  	[spmem:s1] =	stream.indirect.scatter.add.f32 [tilespmem:s21], [sflag:$0x6], $0x80, s9, s16, $0xb8;
	[tilespmem:$0x1F000] =	vst v63  }
0xd3: {  	_ =	swait.ge [sflag:s22], $0x2000  }
0xd4: {  	[sflag:s22] =	ssyncset.done $0x0  }
0xd5: {  	[sflag:s22] =	ssyncadd.s32 $0xFFFFE000  }
0xd6: {  	[spmem:s1] =	stream.indirect.scatter.add.f32 [tilespmem:s17], [sflag:$0x4], $0x80, s3, s16, $0xb8;
	[tilespmem:$0x1F000] =	vst v63  }
0xd7: {  	_ =	swait.ge [sflag:s25], $0x2000  }
0xd8: {  	[sflag:s25] =	ssyncset.done $0x0  }
0xd9: {  	[sflag:s25] =	ssyncadd.s32 $0xFFFFE000  }
0xda: {  	[spmem:s1] =	stream.indirect.scatter.add.f32 [tilespmem:s19], [sflag:$0x5], $0x80, s5, s16, $0xb8;
	[tilespmem:$0x1F000] =	vst v63  }
0xdb: {  	_ =	swait.ge [sflag:s23], $0x2000  }
0xdc: {  	[sflag:s23] =	ssyncset.done $0x0  }
0xdd: {  	[sflag:s23] =	ssyncadd.s32 $0xFFFFE000  }
0xde: {  	_ =	swait.ge [sflag:s28], $0x2000  }
0xdf: {  	[sflag:s28] =	ssyncset.done $0x0  }
0xe0: {  	[sflag:s28] =	ssyncadd.s32 $0xFFFFE000  }
0xe1: {  	_ =	swait.ge [sflag:s0], $0x2000  }
0xe2: {  	s7 =	sadd.s32 $0x1, s7;
	[sflag:s0] =	ssyncset.done $0x0  }
0xe3: {  	p0 =	sne.s32 s7, s12;
	[sflag:s0] =	ssyncadd.s32 $0xFFFFE000  }
.Ltmp2:
0xe4: {  	[bflag:$0x0] =	sbarrier.arrive $0xFFFF;
	(pc) =	sbr.rel @p0 .LBB2_1-.Ltmp2, $4  }
0xe5: {  	[hbm:s11], [sflag:s6] =	dma.local [spmem:s13], $0x2800  }
0xe6: {  	_ =	swait.ge [sflag:s14], $0x2800  }
0xe7: {  	[sflag:s14] =	ssyncset.done $0x0  }
0xe8: {  	[sflag:s14] =	ssyncadd.s32 $0xFFFFD800  }
0xe9: {  	_ =	sfence.sel $0x180000  }
0xea: {  	[bflag:$0x0] =	sbarrier.arrive $0xFFFF  }
0xeb: {  	_ =	strace $0x9000004A  }
0xec: {  	s0 =	stileid.u32;
	[bflag:$0x2] =	sbarrier.arrive $0xFFFF  }
0xed: {  	p0 =	sne.s32 s0, $0x0;
	s0 =	rddreg [dreg:$0x2]  }
0xee: {  	s0 =	sadd.s32 @!p0 $0x100000, s0  }
0xef: {  	[sflag:s0] =	ssyncadd.tile.s32 @!p0 $0x1;
	_ =	shalt  }
.Lfunc_end2:
_tile_overlayer_lowered:
.L_overlay_start_2:
0xf0: {  	(tag) =	ssettag $0x2  }
0xf1: {  	s0 =	rddreg [dreg:$0x0];
	s2 =	stileid.u32  }
0xf2: {  	s1 =	rddreg [dreg:$0x1];
	p0 =	sne.s32 s2, $0x0  }
0xf3: {  	s3 =	rddreg [dreg:$0x2];
	[bflag:$0x3] =	sbarrier.arrive $0xFFFF;
	s2 =	simm.s32 @!p0 $0x1C07  }
0xf4: {  	[timem:s3], [sflag:s2] =	dma.local @!p0 [hbm:s0], s1  }
0xf5: {  	s0 =	simm.s32 @!p0 $0x7  }
0xf6: {  	_ =	swait.ge @!p0 [sflag:s0], s1  }
0xf7: {  	s1 =	ssub.s32 @!p0 $0x0, s1;
	[sflag:s0] =	ssyncset.done @!p0 $0x0  }
0xf8: {  	[sflag:s0] =	ssyncadd.s32 @!p0 s1  }
0xf9: {  	[bflag:$0x3] =	sbarrier.arrive $0xFFFF  }
0xfa: {  	_ =	shalt  }

// kernel: kernel.13.cloned.1.call-start
scs
__scs_entry_jumppad:
0x0: {  	(pc) =	sbr.rel $0x88, $3  }
0x1: {  	(tag) =	ssettag $0x0;
	lr =	simm.s32 $0x1  }
0x2: {  	[smem:$0x3F99] =	sst lr;
	_ =	strace $0xD0000000  }
0x3: {  	_ = 	snop  }
0x4: {  	_ = 	snop  }
0x5: {  	_ = 	snop  }
0x6: {  	_ = 	snop  }
0x7: {  	_ = 	snop  }
__scs_overlays_trampoline_lowered:
0x8: {  	[smem:$0x3FA8] =	sst s0  }
0x9: {  	[smem:$0x3FA9] =	sst s1  }
0xa: {  	[smem:$0x3FAA] =	sst s2  }
0xb: {  	[smem:$0x3FAB] =	sst s3  }
0xc: {  	[smem:$0x3FAC] =	sst s4  }
0xd: {  	[smem:$0x3FAD] =	sst s5  }
0xe: {  	[smem:$0x3FAE] =	sst s6  }
0xf: {  	[smem:$0x3FAF] =	sst s7  }
0x10: {  	[smem:$0x3FB0] =	sst s8  }
0x11: {  	[smem:$0x3FB1] =	sst s9;
	s0 =	simm.s32 @!p0 $0x0  }
0x12: {  	s1 =	sld [smem:$0x3F97];
	s0 =	simm.s32 @p0 $0x1  }
0x13: {  	[smem:$0x3FB2] =	sst s0;
	s0 =	simm.s32 @!p1 $0x0  }
0x14: {  	s2 =	sld [smem:$0x3F96];
	s0 =	simm.s32 @p1 $0x1  }
0x15: {  	[smem:$0x3FB3] =	sst s0;
	s0 =	simm.s32 @!p2 $0x0  }
0x16: {  	s3 =	sld [smem:$0x3FDB];
	s0 =	simm.s32 @p2 $0x1  }
0x17: {  	s4 =	simm.s32 $0x1BF5;
	[smem:$0x3FB5] =	sst s0  }
0x18: {  	s0 =	sld [smem:$0x3F98];
	_ =	swait.ge [sflag:s4], $0x0  }
0x19: {  	s7 =	sld [smem:$0x3F99]  }
0x1a: {  	s8 =	sadd.s32 $0xFFFFE003, lr  }
0x1b: {  	s9 =	sadd.s32 $0xFFFFFEF7, lr;
	s5 =	simm.s32 $0xFFFFFFFF;
	p2 =	slt.u32 s8, $0xFFFFF086  }
0x1c: {  	p1 =	slt.u32 s9, $0xF7A;
	s5 =	simm.s32 @!p2 $0x0  }
0x1d: {  	s5 =	simm.s32 @p1 $0x1;
	p0 =	seq.s32 s7, s2  }
0x1e: {  	s7 =	smul.u32 @!p0 $0xF7A, s2;
	p2 =	seq.s32 @!p0 s5, $0x0  }
0x1f: {  	s9 =	smul.u32 $0xF7A, s1;
	s8 =	simm.s32 @!p0 $0x1BF5;
	p2 =	por !p2, p0  }
0x20: {  	[sflag:s8] =	ssyncset.s32 @!p0 $0xFFFFF086;
	s6 =	sadd.s32 @!p0 s3, s7;
	s7 =	simm.s32 @!p0 $0x108  }
0x21: {  	s3 =	sadd.s32 s3, s9;
	s6 =	sadd.s32 @!p0 $0x88, s6;
	s7 =	simm.s32 @p2 $0x1082  }
0x22: {  	[simem:s7], [sflag:s8] =	dma.local @!p0 [hbm:s6], $0xF7A  }
0x23: {  	s9 =	sor.u32 $0xD0000000, s2;
	s6 =	simm.s32 $0x108;
	_ =	swait.ge @!p0 [sflag:s8], $0x0  }
0x24: {  	s3 =	sadd.s32 $0x88, s3;
	s6 =	simm.s32 @!p1 $0x1082;
	[sflag:s4] =	ssyncset.s32 $0xFFFFF086  }
0x25: {  	[simem:s6], [sflag:s4] =	dma.local [hbm:s3], $0xF7A  }
0x26: {  	[smem:$0x3F99] =	sst s1;
	(tag) =	ssettag s2;
	_ =	strace s9  }
0x27: {  	s1 =	sld [smem:$0x3FA9]  }
0x28: {  	s2 =	sld [smem:$0x3FAA]  }
0x29: {  	s4 =	sld [smem:$0x3FAC]  }
0x2a: {  	p0 =	seq.s32 s5, $0x0;
	s5 =	sld [smem:$0x3FAD]  }
0x2b: {  	s6 =	sld [smem:$0x3FAE]  }
0x2c: {  	s7 =	sld [smem:$0x3FAF]  }
0x2d: {  	s3 =	simm.s32 $0x108;
	s8 =	sld [smem:$0x3FB0]  }
0x2e: {  	s3 =	simm.s32 @!p0 $0x1082;
	s9 =	sld [smem:$0x3FB1]  }
0x2f: {  	lr =	sadd.s32 s0, s3;
	s0 =	sld [smem:$0x3FA8]  }
0x30: {  	s3 =	sld [smem:$0x3FAB]  }
0x31: {  	[smem:$0x3FB4] =	sst s10  }
0x32: {  	s10 =	sld [smem:$0x3FB2];
	_ =	sdelay $0x3  }
0x33: {  	p0 =	seq.s32 s10, $0x1;
	s10 =	sld [smem:$0x3FB4];
	_ =	sdelay $0x3  }
0x34: {  	[smem:$0x3FB4] =	sst s10  }
0x35: {  	s10 =	sld [smem:$0x3FB3];
	_ =	sdelay $0x3  }
0x36: {  	p1 =	seq.s32 s10, $0x1;
	s10 =	sld [smem:$0x3FB4];
	_ =	sdelay $0x3  }
0x37: {  	[smem:$0x3FB4] =	sst s10  }
0x38: {  	s10 =	sld [smem:$0x3FB5]  }
0x39: {  	_ = 	snop;
	(pc) =	sbr.ind lr, $3  }
0x3a: {  	_ = 	snop  }
0x3b: {  	_ = 	snop  }
0x3c: {  	p2 =	seq.s32 s10, $0x1;
	s10 =	sld [smem:$0x3FB4]  }
0x3d: {  	_ =	shalt  }
0x3e: {  	_ =	shalt  }
0x3f: {  	_ =	shalt  }
0x40: {  	_ =	shalt  }
0x41: {  	_ =	shalt  }
0x42: {  	_ =	shalt  }
0x43: {  	_ =	shalt  }
0x44: {  	_ =	shalt  }
0x45: {  	_ =	shalt  }
0x46: {  	_ =	shalt  }
0x47: {  	_ =	shalt  }
0x48: {  	_ =	shalt  }
0x49: {  	_ =	shalt  }
0x4a: {  	_ =	shalt  }
0x4b: {  	_ =	shalt  }
0x4c: {  	_ =	shalt  }
0x4d: {  	_ =	shalt  }
0x4e: {  	_ =	shalt  }
0x4f: {  	_ =	shalt  }
0x50: {  	_ =	shalt  }
0x51: {  	_ =	shalt  }
0x52: {  	_ =	shalt  }
0x53: {  	_ =	shalt  }
0x54: {  	_ =	shalt  }
0x55: {  	_ =	shalt  }
0x56: {  	_ =	shalt  }
0x57: {  	_ =	shalt  }
0x58: {  	_ =	shalt  }
0x59: {  	_ =	shalt  }
0x5a: {  	_ =	shalt  }
0x5b: {  	_ =	shalt  }
0x5c: {  	_ =	shalt  }
0x5d: {  	_ =	shalt  }
0x5e: {  	_ =	shalt  }
0x5f: {  	_ =	shalt  }
0x60: {  	_ =	shalt  }
0x61: {  	_ =	shalt  }
0x62: {  	_ =	shalt  }
0x63: {  	_ =	shalt  }
0x64: {  	_ =	shalt  }
0x65: {  	_ =	shalt  }
0x66: {  	_ =	shalt  }
0x67: {  	_ =	shalt  }
0x68: {  	_ =	shalt  }
0x69: {  	_ =	shalt  }
0x6a: {  	_ =	shalt  }
0x6b: {  	_ =	shalt  }
0x6c: {  	_ =	shalt  }
0x6d: {  	_ =	shalt  }
0x6e: {  	_ =	shalt  }
0x6f: {  	_ =	shalt  }
0x70: {  	_ =	shalt  }
0x71: {  	_ =	shalt  }
0x72: {  	_ =	shalt  }
0x73: {  	_ =	shalt  }
0x74: {  	_ =	shalt  }
0x75: {  	_ =	shalt  }
0x76: {  	_ =	shalt  }
0x77: {  	_ =	shalt  }
0x78: {  	_ =	shalt  }
0x79: {  	_ =	shalt  }
0x7a: {  	_ =	shalt  }
0x7b: {  	_ =	shalt  }
0x7c: {  	_ =	shalt  }
0x7d: {  	_ =	shalt  }
0x7e: {  	_ =	shalt  }
0x7f: {  	_ =	shalt  }
0x80: {  	_ =	shalt  }
0x81: {  	_ =	shalt  }
0x82: {  	_ =	shalt  }
0x83: {  	_ =	shalt  }
0x84: {  	_ =	shalt  }
0x85: {  	_ =	shalt  }
0x86: {  	_ =	shalt  }
0x87: {  	_ =	shalt  }
.Lfunc_end0:
.L_simem_size_0:
called_computation.2_lowered:
.L_overlay_start_0:
0x88: {  	s2 =	sld [smem:$0x3FD9]  }
0x89: {  	s3 =	sld [smem:$0x3FFE];
	_ =	sdelay $0x1  }
0x8a: {  	s1 =	srdreg.scid  }
0x8b: {  	s0 =	sand.u32 $0x1, s1  }
0x8c: {  	s16 =	sshll.u32 s0, $0xA;
	s2 =	sadd.s32 s3, s2  }
0x8d: {  	s2 =	sadd.s32 s2, s16  }
0x8e: {  	[smem:$0x3FC0] =	sst s2  }
0x8f: {  	_ = 	snop  }
0x90: {  	(tm) =	ssettm $0x1  }
0x91: {  	s17 =	sld [smem:$0x3FFB];
	_ =	sdelay $0x3  }
0x92: {  	_ =	strace s17  }
0x93: {  	s2 =	sld [smem:$0x3FFC];
	_ =	sdelay $0x3  }
0x94: {  	_ =	strace s2  }
0x95: {  	s2 =	sld [smem:$0x3FFD];
	_ =	sdelay $0x3  }
0x96: {  	_ =	strace s2  }
0x97: {  	_ =	strace $0x8FFFFFFF  }
0x98: {  	s18 =	sld [smem:$0x3FDB];
	_ =	sdelay $0x1  }
0x99: {  	s19 =	simm.s32 $_scs_section_size  }
0x9a: {  	s4 =	simm.s32 $_size__tile_overlayer_lowered;
	s5 =	simm.s32 $_tile_overlayer_lowered  }
0x9b: {  	s22 =	simm.s32 $0x1BFF;
	s21 =	sshll.u32 s5, $0x1;
	s2 =	sadd.s32 s19, s18  }
0x9c: {  	s6 =	simm.s32 $0x0;
	s20 =	sshll.u32 s4, $0x1;
	s4 =	sadd.s32 s21, s2  }
0x9d: {  	[timem:s6], [sflag:s22] =	dma.local [hbm:s4], s20  }
0x9e: {  	_ =	swait.ge [sflag:s22], s20  }
0x9f: {  	s3 =	ssub.s32 $0x0, s20;
	[sflag:s22] =	ssyncset.done $0x0  }
0xa0: {  	[sflag:s22] =	ssyncadd.s32 s3;
	_ =	sdelay $0x1  }
0xa1: {  	s23 =	simm.s32 $0x1B8B  }
0xa2: {  	_ =	swait.ge [sflag:s23], $0x1  }
0xa3: {  	[sflag:s23] =	ssyncset.done $0x0  }
0xa4: {  	s25 =	simm.s32 $0x1B8E;
	s24 =	sld [smem:$0x3FFE];
	[sflag:s23] =	ssyncadd.s32 $0xFFFFFFFF  }
0xa5: {  	s26 =	simm.s32 $execute0_lowered;
	[smem:$0x3FD2] =	sst s25  }
0xa6: {  	s4 =	sshll.u32 s26, $0x1;
	_ =	strace $0x8000004C;
	[dreg:$0x1] =	wrdreg $0xFFFFFFFF  }
0xa7: {  	s28 =	simm.s32 $_size_execute0_lowered;
	s2 =	sadd.s32 s2, s4;
	[dreg:$0x0] =	wrdreg $0x0  }
0xa8: {  	s4 =	sshll.u32 s28, $0x1;
	[dreg:$0x2] =	wrdreg s2  }
0xa9: {  	[dreg:$0x3] =	wrdreg s4  }
0xaa: {  	[dreg:$0x4] =	wrdreg $0xC0  }
0xab: {  	_ =	task [dreg:s6], $0x5FFFF  }
0xac: {  	[dreg:$0x1] =	wrdreg $0xFFFFFFFF  }
0xad: {  	[dreg:$0x0] =	wrdreg $0x60  }
0xae: {  	[dreg:$0x2] =	wrdreg s24  }
0xaf: {  	[dreg:$0x3] =	wrdreg $0xB0000  }
0xb0: {  	[dreg:$0x4] =	wrdreg $0x9  }
0xb1: {  	_ =	task.clear_ibuf [dreg:s6], $0x5FFFF;
	_ =	strace $0x9000004C  }
0xb2: {  	s29 =	simm.s32 $0x9;
	_ =	strace $0x8000004E  }
0xb3: {  	_ =	swait.ge [sflag:s29], $0x1  }
0xb4: {  	[sflag:s29] =	ssyncadd.s32 $0xFFFFFFFF  }
0xb5: {  	_ =	strace $0x9000004E  }
0xb6: {  	_ =	sfence  }
0xb7: {  	s30 =	sld [smem:$0x0];
	_ =	sdelay $0x2  }
0xb8: {  	s31 =	sshll.u32 s1, $0xD;
	s1 =	sshrl.u32 s1, $0x2  }
0xb9: {  	s3 =	sand.u32 $0x4000, s31;
	s1 =	sadd.s32 s1, s30  }
0xba: {  	s0 =	sor.u32 s3, s0;
	s1 =	sshll.u32 s1, $0x11  }
0xbb: {  	s0 =	sor.u32 s1, s0  }
0xbc: {  	s0 =	sadd.s32 $0x8F2B, s0  }
0xbd: {  	[sflag:s0] =	ssyncadd.remote.s32 $0x1  }
0xbe: {  	_ =	sfence.sel $0xFFFF  }
0xbf: {  	[dreg:$0x0] =	wrdreg $0xFFFFFFFF;
	(pc) =	sbr.abs _section_cstart, $3  }
0xc0: {  	[dreg:$0x1] =	wrdreg $0xFFFFFFFF  }
0xc1: {  	_ =	task.clear_ibuf [dreg:s6], $0x2FFFF;
	_ =	strace $0x9FFFFFFF  }
0xc2: {  	(tm) =	ssettm $0x7FFFFFFF  }
0xc3: {  	_ =	shalt  }
tec
execute0_lowered:
.L_overlay_start_1:
0x0: {  	(tag) =	ssettag $0x1  }
0x1: {  	s0 =	rddreg [dreg:$0x0]  }
0x2: {  	s1 =	rddreg [dreg:$0x1]  }
0x3: {  	s2 =	simm.s32 $0x0;
	s5 =	srdreg.scid;
	s11 =	stileid.u32  }
0x4: {  	s14 =	simm.s32 $0x7;
	s15 =	simm.s32 $0x2800;
	s16 =	simm.s32 $0x40  }
0x5: {  	s17 =	simm.s32 $0x5000;
	s18 =	simm.s32 $0x80;
	s28 =	simm.s32 $0x5  }
0x6: {  	s29 =	simm.s32 $0x200;
	s30 =	simm.s32 $0x3;
	s31 =	simm.s32 $0x2900  }
0x7: {  	[smem:$0x7FF] =	sst s2;
	s4 =	sadd.s32 $0x2E00, s0;
	s3 =	sadd.s32 $0x2B600, s0  }
0x8: {  	s7 =	sadd.s32 $0x3F600, s0;
	s5 =	sand.u32 $0x1, s5;
	s6 =	smul.u32 $0x2800, s11  }
0x9: {  	s8 =	sadd.s32 $0x53600, s0;
	s9 =	sshll.u32 s11, $0x1;
	s20 =	smul.u32 $0x50000, s11  }
0xa: {  	s23 =	sshll.u32 s11, $0x6;
	_ =	strace $0x8000004D;
	[dreg:$0x3] =	wrdreg s8  }
0xb: {  	s19 =	smul.u32 $0x28000, s5;
	s10 =	ssub.s32 $0x2, s5;
	s5 =	sor.u32 s5, s9  }
0xc: {  	s21 =	sshrl.u32 s10, $0x1;
	s5 =	smul.u32 $0x5000, s5;
	s22 =	sshrl.u32 s20, $0x2  }
0xd: {  	s20 =	simm.s32 $0x100;
	s6 =	sadd.s32 s6, s19;
	s8 =	ssub.s32 s10, s21  }
0xe: {  	s9 =	sadd.s32 s22, s1;
	s19 =	simm.s32 $0x7000;
	s21 =	simm.s32 $0x9000  }
0xf: {  	s22 =	simm.s32 $0x1;
	s0 =	sadd.s32 s6, s0;
	s5 =	sshrl.u32 s5, $0x3  }
0x10: {  	s6 =	sor.u32 $0x1C07, s23;
	s12 =	smax.u32 s8, $0x1;
	s13 =	sshrl.u32 s9, $0x3  }
0x11: {  	s23 =	simm.s32 $0x4;
	s24 =	sadd.s32 s3, s5;
	s25 =	sadd.s32 $0x500, s5  }
0x12: {  	s5 =	sadd.s32 s7, s5;
	s11 =	sadd.s32 $0x55E00, s0;
	[dreg:$0x4] =	wrdreg s24  }
0x13: {  	s0 =	simm.s32 $0x6;
	[dreg:$0x5] =	wrdreg s5;
	s3 =	sadd.s32 s3, s25  }
0x14: {  	s26 =	sadd.s32 s7, s25;
	s24 =	simm.s32 $0x180;
	s25 =	simm.s32 $0x2  }
0x15: {  	s5 =	simm.s32 $0x4F80;
	s7 =	simm.s32 $0x0;
	[dreg:$0x6] =	wrdreg s3  }
0x16: {  	[dreg:$0x7] =	wrdreg s26;
	s26 =	simm.s32 $0x2880;
	s3 =	simm.s32 $0x4F00  }
.LBB2_1:
0x17: {  	s8 =	rddreg [dreg:$0x3]  }
0x18: {  	[spmem:s13], [sflag:s6] =	dma.local [hbm:s8], $0x2800  }
0x19: {  	_ =	swait.ge [sflag:s14], $0x2800  }
0x1a: {  	[sflag:s14] =	ssyncset.done $0x0  }
0x1b: {  	[sflag:s14] =	ssyncadd.s32 $0xFFFFD800  }
0x1c: {  	[bflag:$0x0] =	sbarrier.arrive $0xFFFF  }
0x1d: {  	s10 =	rddreg [dreg:$0x4]  }
0x1e: {  	[tilespmem:s2], [sflag:$0x7] =	stream.linear.gather [hbm4b:s10+s2], $0x2800, $0x38;
	[tilespmem:$0x1F000] =	vst v63  }
0x1f: {  	_ =	swait.ge [sflag:s14], $0x2800  }
0x20: {  	[sflag:s14] =	ssyncset.done $0x0  }
0x21: {  	s9 =	rddreg [dreg:$0x5];
	[sflag:s14] =	ssyncadd.s32 $0xFFFFD800  }
0x22: {  	[tilespmem:s15], [sflag:$0x7] =	stream.linear.gather [hbm4b:s9+s2], $0x2800, $0x38;
	[tilespmem:$0x1F000] =	vst v63  }
0x23: {  	_ =	swait.ge [sflag:s14], $0x2800  }
0x24: {  	[sflag:s14] =	ssyncset.done $0x0  }
0x25: {  	[sflag:s14] =	ssyncadd.s32 $0xFFFFD800  }
0x26: {  	[tilespmem:s17], [sflag:$0x1] =	stream.indirect.gather [hbm4b:s4+s16], $0x80, s2, s16, $0xb8;
	[tilespmem:$0x1F000] =	vst v63  }
0x27: {  	_ = 	snop  }
0x28: {  	[tilespmem:s19], [sflag:$0x2] =	stream.indirect.gather [hbm4b:s4+s16], $0x80, s18, s16, $0xb8;
	[tilespmem:$0x1F000] =	vst v63  }
0x29: {  	_ = 	snop  }
0x2a: {  	[tilespmem:s21], [sflag:$0x3] =	stream.indirect.gather [hbm4b:s4+s16], $0x80, s20, s16, $0xb8;
	[tilespmem:$0x1F000] =	vst v63  }
0x2b: {  	_ =	swait.ge [sflag:s22], $0x2000  }
0x2c: {  	[sflag:s22] =	ssyncset.done $0x0  }
0x2d: {  	[sflag:s22] =	ssyncadd.s32 $0xFFFFE000  }
0x2e: {  	[spmem:s1] =	stream.indirect.scatter.add.f32 [tilespmem:s17], [sflag:$0x4], $0x80, s15, s16, $0xb8;
	[tilespmem:$0x1F000] =	vst v63  }
0x2f: {  	_ =	swait.ge [sflag:s23], $0x2000  }
0x30: {  	[sflag:s23] =	ssyncset.done $0x0  }
0x31: {  	[sflag:s23] =	ssyncadd.s32 $0xFFFFE000  }
0x32: {  	[tilespmem:s17], [sflag:$0x1] =	stream.indirect.gather [hbm4b:s4+s16], $0x80, s24, s16, $0xb8;
	[tilespmem:$0x1F000] =	vst v63  }
0x33: {  	_ =	swait.ge [sflag:s25], $0x2000  }
0x34: {  	[sflag:s25] =	ssyncset.done $0x0  }
0x35: {  	[sflag:s25] =	ssyncadd.s32 $0xFFFFE000  }
0x36: {  	[spmem:s1] =	stream.indirect.scatter.add.f32 [tilespmem:s19], [sflag:$0x5], $0x80, s26, s16, $0xb8;
	[tilespmem:$0x1F000] =	vst v63  }
0x37: {  	_ =	swait.ge [sflag:s28], $0x2000  }
0x38: {  	[sflag:s28] =	ssyncset.done $0x0  }
0x39: {  	[sflag:s28] =	ssyncadd.s32 $0xFFFFE000  }
0x3a: {  	[tilespmem:s19], [sflag:$0x2] =	stream.indirect.gather [hbm4b:s4+s16], $0x80, s29, s16, $0xb8;
	[tilespmem:$0x1F000] =	vst v63  }
0x3b: {  	_ =	swait.ge [sflag:s30], $0x2000  }
0x3c: {  	[sflag:s30] =	ssyncset.done $0x0  }
0x3d: {  	[sflag:s30] =	ssyncadd.s32 $0xFFFFE000  }
0x3e: {  	[spmem:s1] =	stream.indirect.scatter.add.f32 [tilespmem:s21], [sflag:$0x6], $0x80, s31, s16, $0xb8;
	[tilespmem:$0x1F000] =	vst v63  }
0x3f: {  	_ =	swait.ge [sflag:s0], $0x2000  }
0x40: {  	[sflag:s0] =	ssyncset.done $0x0  }
0x41: {  	s10 =	simm.s32 $0x280;
	[sflag:s0] =	ssyncadd.s32 $0xFFFFE000  }
0x42: {  	[tilespmem:s21], [sflag:$0x3] =	stream.indirect.gather [hbm4b:s4+s16], $0x80, s10, s16, $0xb8;
	[tilespmem:$0x1F000] =	vst v63  }
0x43: {  	_ =	swait.ge [sflag:s22], $0x2000  }
0x44: {  	[sflag:s22] =	ssyncset.done $0x0  }
0x45: {  	s9 =	simm.s32 $0x2980;
	[sflag:s22] =	ssyncadd.s32 $0xFFFFE000  }
0x46: {  	[spmem:s1] =	stream.indirect.scatter.add.f32 [tilespmem:s17], [sflag:$0x4], $0x80, s9, s16, $0xb8;
	[tilespmem:$0x1F000] =	vst v63  }
0x47: {  	_ =	swait.ge [sflag:s23], $0x2000  }
0x48: {  	[sflag:s23] =	ssyncset.done $0x0  }
0x49: {  	s10 =	simm.s32 $0x300;
	[sflag:s23] =	ssyncadd.s32 $0xFFFFE000  }
0x4a: {  	[tilespmem:s17], [sflag:$0x1] =	stream.indirect.gather [hbm4b:s4+s16], $0x80, s10, s16, $0xb8;
	[tilespmem:$0x1F000] =	vst v63  }
0x4b: {  	_ =	swait.ge [sflag:s25], $0x2000  }
0x4c: {  	[sflag:s25] =	ssyncset.done $0x0  }
0x4d: {  	s9 =	simm.s32 $0x2A00;
	[sflag:s25] =	ssyncadd.s32 $0xFFFFE000  }
0x4e: {  	[spmem:s1] =	stream.indirect.scatter.add.f32 [tilespmem:s19], [sflag:$0x5], $0x80, s9, s16, $0xb8;
	[tilespmem:$0x1F000] =	vst v63  }
0x4f: {  	_ =	swait.ge [sflag:s28], $0x2000  }
0x50: {  	[sflag:s28] =	ssyncset.done $0x0  }
0x51: {  	s10 =	simm.s32 $0x380;
	[sflag:s28] =	ssyncadd.s32 $0xFFFFE000  }
0x52: {  	[tilespmem:s19], [sflag:$0x2] =	stream.indirect.gather [hbm4b:s4+s16], $0x80, s10, s16, $0xb8;
	[tilespmem:$0x1F000] =	vst v63  }
0x53: {  	_ =	swait.ge [sflag:s30], $0x2000  }
0x54: {  	[sflag:s30] =	ssyncset.done $0x0  }
0x55: {  	s8 =	simm.s32 $0x600;
	s9 =	simm.s32 $0x2A80;
	[sflag:s30] =	ssyncadd.s32 $0xFFFFE000  }
.LBB2_2:
0x56: {  	[spmem:s1] =	stream.indirect.scatter.add.f32 [tilespmem:s21], [sflag:$0x6], $0x80, s9, s16, $0xb8;
	[tilespmem:$0x1F000] =	vst v63  }
0x57: {  	s9 =	smov.u32 s8  }
0x58: {  	p0 =	sne.s32 s8, $0x9000;
	s8 =	sadd.s32 $0x600, s8;
	_ =	swait.ge [sflag:s0], $0x2000  }
0x59: {  	s9 =	sshra.s32 s9, $0x2;
	[sflag:s0] =	ssyncset.done $0x0  }
0x5a: {  	s10 =	sadd.s32 $0x280, s9;
	[sflag:s0] =	ssyncadd.s32 $0xFFFFE000  }
0x5b: {  	[tilespmem:s21], [sflag:$0x3] =	stream.indirect.gather [hbm4b:s4+s16], $0x80, s10, s16, $0xb8;
	[tilespmem:$0x1F000] =	vst v63  }
0x5c: {  	_ =	swait.ge [sflag:s22], $0x2000  }
0x5d: {  	[sflag:s22] =	ssyncset.done $0x0  }
0x5e: {  	s10 =	sadd.s32 $0x2980, s9;
	[sflag:s22] =	ssyncadd.s32 $0xFFFFE000  }
0x5f: {  	[spmem:s1] =	stream.indirect.scatter.add.f32 [tilespmem:s17], [sflag:$0x4], $0x80, s10, s16, $0xb8;
	[tilespmem:$0x1F000] =	vst v63  }
0x60: {  	_ =	swait.ge [sflag:s23], $0x2000  }
0x61: {  	[sflag:s23] =	ssyncset.done $0x0  }
0x62: {  	s10 =	sadd.s32 $0x300, s9;
	[sflag:s23] =	ssyncadd.s32 $0xFFFFE000  }
0x63: {  	[tilespmem:s17], [sflag:$0x1] =	stream.indirect.gather [hbm4b:s4+s16], $0x80, s10, s16, $0xb8;
	[tilespmem:$0x1F000] =	vst v63  }
0x64: {  	_ =	swait.ge [sflag:s25], $0x2000  }
0x65: {  	[sflag:s25] =	ssyncset.done $0x0  }
0x66: {  	s10 =	sadd.s32 $0x2A00, s9;
	[sflag:s25] =	ssyncadd.s32 $0xFFFFE000  }
0x67: {  	[spmem:s1] =	stream.indirect.scatter.add.f32 [tilespmem:s19], [sflag:$0x5], $0x80, s10, s16, $0xb8;
	[tilespmem:$0x1F000] =	vst v63  }
0x68: {  	_ =	swait.ge [sflag:s28], $0x2000  }
0x69: {  	[sflag:s28] =	ssyncset.done $0x0  }
.Ltmp0:
0x6a: {  	s10 =	sadd.s32 $0x380, s9;
	[sflag:s28] =	ssyncadd.s32 $0xFFFFE000;
	(pc) =	sbr.rel @p0 .LBB2_2-.Ltmp0, $4  }
0x6b: {  	[tilespmem:s19], [sflag:$0x2] =	stream.indirect.gather [hbm4b:s4+s16], $0x80, s10, s16, $0xb8;
	[tilespmem:$0x1F000] =	vst v63  }
0x6c: {  	_ =	swait.ge [sflag:s30], $0x2000  }
0x6d: {  	[sflag:s30] =	ssyncset.done $0x0  }
0x6e: {  	s9 =	sadd.s32 $0x2A80, s9;
	[sflag:s30] =	ssyncadd.s32 $0xFFFFE000  }
0x6f: {  	[spmem:s1] =	stream.indirect.scatter.add.f32 [tilespmem:s21], [sflag:$0x6], $0x80, s9, s16, $0xb8;
	[tilespmem:$0x1F000] =	vst v63  }
0x70: {  	_ =	swait.ge [sflag:s22], $0x2000  }
0x71: {  	[sflag:s22] =	ssyncset.done $0x0  }
0x72: {  	[sflag:s22] =	ssyncadd.s32 $0xFFFFE000  }
0x73: {  	[spmem:s1] =	stream.indirect.scatter.add.f32 [tilespmem:s17], [sflag:$0x4], $0x80, s3, s16, $0xb8;
	[tilespmem:$0x1F000] =	vst v63  }
0x74: {  	_ =	swait.ge [sflag:s25], $0x2000  }
0x75: {  	[sflag:s25] =	ssyncset.done $0x0  }
0x76: {  	[sflag:s25] =	ssyncadd.s32 $0xFFFFE000  }
0x77: {  	[spmem:s1] =	stream.indirect.scatter.add.f32 [tilespmem:s19], [sflag:$0x5], $0x80, s5, s16, $0xb8;
	[tilespmem:$0x1F000] =	vst v63  }
0x78: {  	_ =	swait.ge [sflag:s23], $0x2000  }
0x79: {  	[sflag:s23] =	ssyncset.done $0x0  }
0x7a: {  	[sflag:s23] =	ssyncadd.s32 $0xFFFFE000  }
0x7b: {  	_ =	swait.ge [sflag:s28], $0x2000  }
0x7c: {  	[sflag:s28] =	ssyncset.done $0x0  }
0x7d: {  	[sflag:s28] =	ssyncadd.s32 $0xFFFFE000  }
0x7e: {  	_ =	swait.ge [sflag:s0], $0x2000  }
0x7f: {  	[sflag:s0] =	ssyncset.done $0x0  }
0x80: {  	s8 =	simm.s32 $0x0;
	s10 =	rddreg [dreg:$0x6];
	[sflag:s0] =	ssyncadd.s32 $0xFFFFE000  }
0x81: {  	[tilespmem:s8], [sflag:$0x7] =	stream.linear.gather [hbm4b:s10+s8], $0x2800, $0x38;
	[tilespmem:$0x1F000] =	vst v63  }
0x82: {  	_ =	swait.ge [sflag:s14], $0x2800  }
0x83: {  	[sflag:s14] =	ssyncset.done $0x0  }
0x84: {  	s10 =	rddreg [dreg:$0x7];
	[sflag:s14] =	ssyncadd.s32 $0xFFFFD800  }
0x85: {  	[tilespmem:s15], [sflag:$0x7] =	stream.linear.gather [hbm4b:s10+s8], $0x2800, $0x38;
	[tilespmem:$0x1F000] =	vst v63  }
0x86: {  	_ =	swait.ge [sflag:s14], $0x2800  }
0x87: {  	[sflag:s14] =	ssyncset.done $0x0  }
0x88: {  	[sflag:s14] =	ssyncadd.s32 $0xFFFFD800  }
0x89: {  	[tilespmem:s17], [sflag:$0x1] =	stream.indirect.gather [hbm4b:s4+s16], $0x80, s8, s16, $0xb8;
	[tilespmem:$0x1F000] =	vst v63  }
0x8a: {  	_ = 	snop  }
0x8b: {  	[tilespmem:s19], [sflag:$0x2] =	stream.indirect.gather [hbm4b:s4+s16], $0x80, s18, s16, $0xb8;
	[tilespmem:$0x1F000] =	vst v63  }
0x8c: {  	_ = 	snop  }
0x8d: {  	[tilespmem:s21], [sflag:$0x3] =	stream.indirect.gather [hbm4b:s4+s16], $0x80, s20, s16, $0xb8;
	[tilespmem:$0x1F000] =	vst v63  }
0x8e: {  	_ =	swait.ge [sflag:s22], $0x2000  }
0x8f: {  	[sflag:s22] =	ssyncset.done $0x0  }
0x90: {  	[sflag:s22] =	ssyncadd.s32 $0xFFFFE000  }
0x91: {  	[spmem:s1] =	stream.indirect.scatter.add.f32 [tilespmem:s17], [sflag:$0x4], $0x80, s15, s16, $0xb8;
	[tilespmem:$0x1F000] =	vst v63  }
0x92: {  	_ =	swait.ge [sflag:s23], $0x2000  }
0x93: {  	[sflag:s23] =	ssyncset.done $0x0  }
0x94: {  	[sflag:s23] =	ssyncadd.s32 $0xFFFFE000  }
0x95: {  	[tilespmem:s17], [sflag:$0x1] =	stream.indirect.gather [hbm4b:s4+s16], $0x80, s24, s16, $0xb8;
	[tilespmem:$0x1F000] =	vst v63  }
0x96: {  	_ =	swait.ge [sflag:s25], $0x2000  }
0x97: {  	[sflag:s25] =	ssyncset.done $0x0  }
0x98: {  	[sflag:s25] =	ssyncadd.s32 $0xFFFFE000  }
0x99: {  	[spmem:s1] =	stream.indirect.scatter.add.f32 [tilespmem:s19], [sflag:$0x5], $0x80, s26, s16, $0xb8;
	[tilespmem:$0x1F000] =	vst v63  }
0x9a: {  	_ =	swait.ge [sflag:s28], $0x2000  }
0x9b: {  	[sflag:s28] =	ssyncset.done $0x0  }
0x9c: {  	[sflag:s28] =	ssyncadd.s32 $0xFFFFE000  }
0x9d: {  	[tilespmem:s19], [sflag:$0x2] =	stream.indirect.gather [hbm4b:s4+s16], $0x80, s29, s16, $0xb8;
	[tilespmem:$0x1F000] =	vst v63  }
0x9e: {  	_ =	swait.ge [sflag:s30], $0x2000  }
0x9f: {  	[sflag:s30] =	ssyncset.done $0x0  }
0xa0: {  	[sflag:s30] =	ssyncadd.s32 $0xFFFFE000  }
0xa1: {  	[spmem:s1] =	stream.indirect.scatter.add.f32 [tilespmem:s21], [sflag:$0x6], $0x80, s31, s16, $0xb8;
	[tilespmem:$0x1F000] =	vst v63  }
0xa2: {  	_ =	swait.ge [sflag:s0], $0x2000  }
0xa3: {  	[sflag:s0] =	ssyncset.done $0x0  }
0xa4: {  	s10 =	simm.s32 $0x280;
	[sflag:s0] =	ssyncadd.s32 $0xFFFFE000  }
0xa5: {  	[tilespmem:s21], [sflag:$0x3] =	stream.indirect.gather [hbm4b:s4+s16], $0x80, s10, s16, $0xb8;
	[tilespmem:$0x1F000] =	vst v63  }
0xa6: {  	_ =	swait.ge [sflag:s22], $0x2000  }
0xa7: {  	[sflag:s22] =	ssyncset.done $0x0  }
0xa8: {  	s9 =	simm.s32 $0x2980;
	[sflag:s22] =	ssyncadd.s32 $0xFFFFE000  }
0xa9: {  	[spmem:s1] =	stream.indirect.scatter.add.f32 [tilespmem:s17], [sflag:$0x4], $0x80, s9, s16, $0xb8;
	[tilespmem:$0x1F000] =	vst v63  }
0xaa: {  	_ =	swait.ge [sflag:s23], $0x2000  }
0xab: {  	[sflag:s23] =	ssyncset.done $0x0  }
0xac: {  	s10 =	simm.s32 $0x300;
	[sflag:s23] =	ssyncadd.s32 $0xFFFFE000  }
0xad: {  	[tilespmem:s17], [sflag:$0x1] =	stream.indirect.gather [hbm4b:s4+s16], $0x80, s10, s16, $0xb8;
	[tilespmem:$0x1F000] =	vst v63  }
0xae: {  	_ =	swait.ge [sflag:s25], $0x2000  }
0xaf: {  	[sflag:s25] =	ssyncset.done $0x0  }
0xb0: {  	s9 =	simm.s32 $0x2A00;
	[sflag:s25] =	ssyncadd.s32 $0xFFFFE000  }
0xb1: {  	[spmem:s1] =	stream.indirect.scatter.add.f32 [tilespmem:s19], [sflag:$0x5], $0x80, s9, s16, $0xb8;
	[tilespmem:$0x1F000] =	vst v63  }
0xb2: {  	_ =	swait.ge [sflag:s28], $0x2000  }
0xb3: {  	[sflag:s28] =	ssyncset.done $0x0  }
0xb4: {  	s10 =	simm.s32 $0x380;
	[sflag:s28] =	ssyncadd.s32 $0xFFFFE000  }
0xb5: {  	[tilespmem:s19], [sflag:$0x2] =	stream.indirect.gather [hbm4b:s4+s16], $0x80, s10, s16, $0xb8;
	[tilespmem:$0x1F000] =	vst v63  }
0xb6: {  	_ =	swait.ge [sflag:s30], $0x2000  }
0xb7: {  	[sflag:s30] =	ssyncset.done $0x0  }
0xb8: {  	s8 =	simm.s32 $0x600;
	s9 =	simm.s32 $0x2A80;
	[sflag:s30] =	ssyncadd.s32 $0xFFFFE000  }
.LBB2_4:
0xb9: {  	[spmem:s1] =	stream.indirect.scatter.add.f32 [tilespmem:s21], [sflag:$0x6], $0x80, s9, s16, $0xb8;
	[tilespmem:$0x1F000] =	vst v63  }
0xba: {  	s9 =	smov.u32 s8  }
0xbb: {  	p0 =	sne.s32 s8, $0x9000;
	s8 =	sadd.s32 $0x600, s8;
	_ =	swait.ge [sflag:s0], $0x2000  }
0xbc: {  	s9 =	sshra.s32 s9, $0x2;
	[sflag:s0] =	ssyncset.done $0x0  }
0xbd: {  	s10 =	sadd.s32 $0x280, s9;
	[sflag:s0] =	ssyncadd.s32 $0xFFFFE000  }
0xbe: {  	[tilespmem:s21], [sflag:$0x3] =	stream.indirect.gather [hbm4b:s4+s16], $0x80, s10, s16, $0xb8;
	[tilespmem:$0x1F000] =	vst v63  }
0xbf: {  	_ =	swait.ge [sflag:s22], $0x2000  }
0xc0: {  	[sflag:s22] =	ssyncset.done $0x0  }
0xc1: {  	s10 =	sadd.s32 $0x2980, s9;
	[sflag:s22] =	ssyncadd.s32 $0xFFFFE000  }
0xc2: {  	[spmem:s1] =	stream.indirect.scatter.add.f32 [tilespmem:s17], [sflag:$0x4], $0x80, s10, s16, $0xb8;
	[tilespmem:$0x1F000] =	vst v63  }
0xc3: {  	_ =	swait.ge [sflag:s23], $0x2000  }
0xc4: {  	[sflag:s23] =	ssyncset.done $0x0  }
0xc5: {  	s10 =	sadd.s32 $0x300, s9;
	[sflag:s23] =	ssyncadd.s32 $0xFFFFE000  }
0xc6: {  	[tilespmem:s17], [sflag:$0x1] =	stream.indirect.gather [hbm4b:s4+s16], $0x80, s10, s16, $0xb8;
	[tilespmem:$0x1F000] =	vst v63  }
0xc7: {  	_ =	swait.ge [sflag:s25], $0x2000  }
0xc8: {  	[sflag:s25] =	ssyncset.done $0x0  }
0xc9: {  	s10 =	sadd.s32 $0x2A00, s9;
	[sflag:s25] =	ssyncadd.s32 $0xFFFFE000  }
0xca: {  	[spmem:s1] =	stream.indirect.scatter.add.f32 [tilespmem:s19], [sflag:$0x5], $0x80, s10, s16, $0xb8;
	[tilespmem:$0x1F000] =	vst v63  }
0xcb: {  	_ =	swait.ge [sflag:s28], $0x2000  }
0xcc: {  	[sflag:s28] =	ssyncset.done $0x0  }
.Ltmp1:
0xcd: {  	s10 =	sadd.s32 $0x380, s9;
	[sflag:s28] =	ssyncadd.s32 $0xFFFFE000;
	(pc) =	sbr.rel @p0 .LBB2_4-.Ltmp1, $4  }
0xce: {  	[tilespmem:s19], [sflag:$0x2] =	stream.indirect.gather [hbm4b:s4+s16], $0x80, s10, s16, $0xb8;
	[tilespmem:$0x1F000] =	vst v63  }
0xcf: {  	_ =	swait.ge [sflag:s30], $0x2000  }
0xd0: {  	[sflag:s30] =	ssyncset.done $0x0  }
0xd1: {  	s9 =	sadd.s32 $0x2A80, s9;
	[sflag:s30] =	ssyncadd.s32 $0xFFFFE000  }
0xd2: {  	[spmem:s1] =	stream.indirect.scatter.add.f32 [tilespmem:s21], [sflag:$0x6], $0x80, s9, s16, $0xb8;
	[tilespmem:$0x1F000] =	vst v63  }
0xd3: {  	_ =	swait.ge [sflag:s22], $0x2000  }
0xd4: {  	[sflag:s22] =	ssyncset.done $0x0  }
0xd5: {  	[sflag:s22] =	ssyncadd.s32 $0xFFFFE000  }
0xd6: {  	[spmem:s1] =	stream.indirect.scatter.add.f32 [tilespmem:s17], [sflag:$0x4], $0x80, s3, s16, $0xb8;
	[tilespmem:$0x1F000] =	vst v63  }
0xd7: {  	_ =	swait.ge [sflag:s25], $0x2000  }
0xd8: {  	[sflag:s25] =	ssyncset.done $0x0  }
0xd9: {  	[sflag:s25] =	ssyncadd.s32 $0xFFFFE000  }
0xda: {  	[spmem:s1] =	stream.indirect.scatter.add.f32 [tilespmem:s19], [sflag:$0x5], $0x80, s5, s16, $0xb8;
	[tilespmem:$0x1F000] =	vst v63  }
0xdb: {  	_ =	swait.ge [sflag:s23], $0x2000  }
0xdc: {  	[sflag:s23] =	ssyncset.done $0x0  }
0xdd: {  	[sflag:s23] =	ssyncadd.s32 $0xFFFFE000  }
0xde: {  	_ =	swait.ge [sflag:s28], $0x2000  }
0xdf: {  	[sflag:s28] =	ssyncset.done $0x0  }
0xe0: {  	[sflag:s28] =	ssyncadd.s32 $0xFFFFE000  }
0xe1: {  	_ =	swait.ge [sflag:s0], $0x2000  }
0xe2: {  	s7 =	sadd.s32 $0x1, s7;
	[sflag:s0] =	ssyncset.done $0x0  }
0xe3: {  	p0 =	sne.s32 s7, s12;
	[sflag:s0] =	ssyncadd.s32 $0xFFFFE000  }
.Ltmp2:
0xe4: {  	[bflag:$0x0] =	sbarrier.arrive $0xFFFF;
	(pc) =	sbr.rel @p0 .LBB2_1-.Ltmp2, $4  }
0xe5: {  	[hbm:s11], [sflag:s6] =	dma.local [spmem:s13], $0x2800  }
0xe6: {  	_ =	swait.ge [sflag:s14], $0x2800  }
0xe7: {  	[sflag:s14] =	ssyncset.done $0x0  }
0xe8: {  	[sflag:s14] =	ssyncadd.s32 $0xFFFFD800  }
0xe9: {  	_ =	sfence.sel $0x180000  }
0xea: {  	[bflag:$0x0] =	sbarrier.arrive $0xFFFF  }
0xeb: {  	_ =	strace $0x9000004D  }
0xec: {  	s0 =	stileid.u32;
	[bflag:$0x2] =	sbarrier.arrive $0xFFFF  }
0xed: {  	p0 =	sne.s32 s0, $0x0;
	s0 =	rddreg [dreg:$0x2]  }
0xee: {  	s0 =	sadd.s32 @!p0 $0x100000, s0  }
0xef: {  	[sflag:s0] =	ssyncadd.tile.s32 @!p0 $0x1;
	_ =	shalt  }
.Lfunc_end2:
_tile_overlayer_lowered:
.L_overlay_start_2:
0xf0: {  	(tag) =	ssettag $0x2  }
0xf1: {  	s0 =	rddreg [dreg:$0x0];
	s2 =	stileid.u32  }
0xf2: {  	s1 =	rddreg [dreg:$0x1];
	p0 =	sne.s32 s2, $0x0  }
0xf3: {  	s3 =	rddreg [dreg:$0x2];
	[bflag:$0x3] =	sbarrier.arrive $0xFFFF;
	s2 =	simm.s32 @!p0 $0x1C07  }
0xf4: {  	[timem:s3], [sflag:s2] =	dma.local @!p0 [hbm:s0], s1  }
0xf5: {  	s0 =	simm.s32 @!p0 $0x7  }
0xf6: {  	_ =	swait.ge @!p0 [sflag:s0], s1  }
0xf7: {  	s1 =	ssub.s32 @!p0 $0x0, s1;
	[sflag:s0] =	ssyncset.done @!p0 $0x0  }
0xf8: {  	[sflag:s0] =	ssyncadd.s32 @!p0 s1  }
0xf9: {  	[bflag:$0x3] =	sbarrier.arrive $0xFFFF  }
0xfa: {  	_ =	shalt  }

// kernel: kernel.7.cloned.1.call-start
scs
__scs_entry_jumppad:
0x0: {  	(pc) =	sbr.rel $0x88, $3  }
0x1: {  	(tag) =	ssettag $0x0;
	lr =	simm.s32 $0x1  }
0x2: {  	[smem:$0x3F99] =	sst lr;
	_ =	strace $0xD0000000  }
0x3: {  	_ = 	snop  }
0x4: {  	_ = 	snop  }
0x5: {  	_ = 	snop  }
0x6: {  	_ = 	snop  }
0x7: {  	_ = 	snop  }
__scs_overlays_trampoline_lowered:
0x8: {  	[smem:$0x3FA8] =	sst s0  }
0x9: {  	[smem:$0x3FA9] =	sst s1  }
0xa: {  	[smem:$0x3FAA] =	sst s2  }
0xb: {  	[smem:$0x3FAB] =	sst s3  }
0xc: {  	[smem:$0x3FAC] =	sst s4  }
0xd: {  	[smem:$0x3FAD] =	sst s5  }
0xe: {  	[smem:$0x3FAE] =	sst s6  }
0xf: {  	[smem:$0x3FAF] =	sst s7  }
0x10: {  	[smem:$0x3FB0] =	sst s8  }
0x11: {  	[smem:$0x3FB1] =	sst s9;
	s0 =	simm.s32 @!p0 $0x0  }
0x12: {  	s1 =	sld [smem:$0x3F97];
	s0 =	simm.s32 @p0 $0x1  }
0x13: {  	[smem:$0x3FB2] =	sst s0;
	s0 =	simm.s32 @!p1 $0x0  }
0x14: {  	s2 =	sld [smem:$0x3F96];
	s0 =	simm.s32 @p1 $0x1  }
0x15: {  	[smem:$0x3FB3] =	sst s0;
	s0 =	simm.s32 @!p2 $0x0  }
0x16: {  	s3 =	sld [smem:$0x3FDB];
	s0 =	simm.s32 @p2 $0x1  }
0x17: {  	s4 =	simm.s32 $0x1BF5;
	[smem:$0x3FB5] =	sst s0  }
0x18: {  	s0 =	sld [smem:$0x3F98];
	_ =	swait.ge [sflag:s4], $0x0  }
0x19: {  	s7 =	sld [smem:$0x3F99]  }
0x1a: {  	s8 =	sadd.s32 $0xFFFFE003, lr  }
0x1b: {  	s9 =	sadd.s32 $0xFFFFFEF7, lr;
	s5 =	simm.s32 $0xFFFFFFFF;
	p2 =	slt.u32 s8, $0xFFFFF086  }
0x1c: {  	p1 =	slt.u32 s9, $0xF7A;
	s5 =	simm.s32 @!p2 $0x0  }
0x1d: {  	s5 =	simm.s32 @p1 $0x1;
	p0 =	seq.s32 s7, s2  }
0x1e: {  	s7 =	smul.u32 @!p0 $0xF7A, s2;
	p2 =	seq.s32 @!p0 s5, $0x0  }
0x1f: {  	s9 =	smul.u32 $0xF7A, s1;
	s8 =	simm.s32 @!p0 $0x1BF5;
	p2 =	por !p2, p0  }
0x20: {  	[sflag:s8] =	ssyncset.s32 @!p0 $0xFFFFF086;
	s6 =	sadd.s32 @!p0 s3, s7;
	s7 =	simm.s32 @!p0 $0x108  }
0x21: {  	s3 =	sadd.s32 s3, s9;
	s6 =	sadd.s32 @!p0 $0x88, s6;
	s7 =	simm.s32 @p2 $0x1082  }
0x22: {  	[simem:s7], [sflag:s8] =	dma.local @!p0 [hbm:s6], $0xF7A  }
0x23: {  	s9 =	sor.u32 $0xD0000000, s2;
	s6 =	simm.s32 $0x108;
	_ =	swait.ge @!p0 [sflag:s8], $0x0  }
0x24: {  	s3 =	sadd.s32 $0x88, s3;
	s6 =	simm.s32 @!p1 $0x1082;
	[sflag:s4] =	ssyncset.s32 $0xFFFFF086  }
0x25: {  	[simem:s6], [sflag:s4] =	dma.local [hbm:s3], $0xF7A  }
0x26: {  	[smem:$0x3F99] =	sst s1;
	(tag) =	ssettag s2;
	_ =	strace s9  }
0x27: {  	s1 =	sld [smem:$0x3FA9]  }
0x28: {  	s2 =	sld [smem:$0x3FAA]  }
0x29: {  	s4 =	sld [smem:$0x3FAC]  }
0x2a: {  	p0 =	seq.s32 s5, $0x0;
	s5 =	sld [smem:$0x3FAD]  }
0x2b: {  	s6 =	sld [smem:$0x3FAE]  }
0x2c: {  	s7 =	sld [smem:$0x3FAF]  }
0x2d: {  	s3 =	simm.s32 $0x108;
	s8 =	sld [smem:$0x3FB0]  }
0x2e: {  	s3 =	simm.s32 @!p0 $0x1082;
	s9 =	sld [smem:$0x3FB1]  }
0x2f: {  	lr =	sadd.s32 s0, s3;
	s0 =	sld [smem:$0x3FA8]  }
0x30: {  	s3 =	sld [smem:$0x3FAB]  }
0x31: {  	[smem:$0x3FB4] =	sst s10  }
0x32: {  	s10 =	sld [smem:$0x3FB2];
	_ =	sdelay $0x3  }
0x33: {  	p0 =	seq.s32 s10, $0x1;
	s10 =	sld [smem:$0x3FB4];
	_ =	sdelay $0x3  }
0x34: {  	[smem:$0x3FB4] =	sst s10  }
0x35: {  	s10 =	sld [smem:$0x3FB3];
	_ =	sdelay $0x3  }
0x36: {  	p1 =	seq.s32 s10, $0x1;
	s10 =	sld [smem:$0x3FB4];
	_ =	sdelay $0x3  }
0x37: {  	[smem:$0x3FB4] =	sst s10  }
0x38: {  	s10 =	sld [smem:$0x3FB5]  }
0x39: {  	_ = 	snop;
	(pc) =	sbr.ind lr, $3  }
0x3a: {  	_ = 	snop  }
0x3b: {  	_ = 	snop  }
0x3c: {  	p2 =	seq.s32 s10, $0x1;
	s10 =	sld [smem:$0x3FB4]  }
0x3d: {  	_ =	shalt  }
0x3e: {  	_ =	shalt  }
0x3f: {  	_ =	shalt  }
0x40: {  	_ =	shalt  }
0x41: {  	_ =	shalt  }
0x42: {  	_ =	shalt  }
0x43: {  	_ =	shalt  }
0x44: {  	_ =	shalt  }
0x45: {  	_ =	shalt  }
0x46: {  	_ =	shalt  }
0x47: {  	_ =	shalt  }
0x48: {  	_ =	shalt  }
0x49: {  	_ =	shalt  }
0x4a: {  	_ =	shalt  }
0x4b: {  	_ =	shalt  }
0x4c: {  	_ =	shalt  }
0x4d: {  	_ =	shalt  }
0x4e: {  	_ =	shalt  }
0x4f: {  	_ =	shalt  }
0x50: {  	_ =	shalt  }
0x51: {  	_ =	shalt  }
0x52: {  	_ =	shalt  }
0x53: {  	_ =	shalt  }
0x54: {  	_ =	shalt  }
0x55: {  	_ =	shalt  }
0x56: {  	_ =	shalt  }
0x57: {  	_ =	shalt  }
0x58: {  	_ =	shalt  }
0x59: {  	_ =	shalt  }
0x5a: {  	_ =	shalt  }
0x5b: {  	_ =	shalt  }
0x5c: {  	_ =	shalt  }
0x5d: {  	_ =	shalt  }
0x5e: {  	_ =	shalt  }
0x5f: {  	_ =	shalt  }
0x60: {  	_ =	shalt  }
0x61: {  	_ =	shalt  }
0x62: {  	_ =	shalt  }
0x63: {  	_ =	shalt  }
0x64: {  	_ =	shalt  }
0x65: {  	_ =	shalt  }
0x66: {  	_ =	shalt  }
0x67: {  	_ =	shalt  }
0x68: {  	_ =	shalt  }
0x69: {  	_ =	shalt  }
0x6a: {  	_ =	shalt  }
0x6b: {  	_ =	shalt  }
0x6c: {  	_ =	shalt  }
0x6d: {  	_ =	shalt  }
0x6e: {  	_ =	shalt  }
0x6f: {  	_ =	shalt  }
0x70: {  	_ =	shalt  }
0x71: {  	_ =	shalt  }
0x72: {  	_ =	shalt  }
0x73: {  	_ =	shalt  }
0x74: {  	_ =	shalt  }
0x75: {  	_ =	shalt  }
0x76: {  	_ =	shalt  }
0x77: {  	_ =	shalt  }
0x78: {  	_ =	shalt  }
0x79: {  	_ =	shalt  }
0x7a: {  	_ =	shalt  }
0x7b: {  	_ =	shalt  }
0x7c: {  	_ =	shalt  }
0x7d: {  	_ =	shalt  }
0x7e: {  	_ =	shalt  }
0x7f: {  	_ =	shalt  }
0x80: {  	_ =	shalt  }
0x81: {  	_ =	shalt  }
0x82: {  	_ =	shalt  }
0x83: {  	_ =	shalt  }
0x84: {  	_ =	shalt  }
0x85: {  	_ =	shalt  }
0x86: {  	_ =	shalt  }
0x87: {  	_ =	shalt  }
.Lfunc_end0:
.L_simem_size_0:
called_computation_lowered:
.L_overlay_start_0:
0x88: {  	s2 =	sld [smem:$0x3FD9]  }
0x89: {  	s3 =	sld [smem:$0x3FFE];
	_ =	sdelay $0x1  }
0x8a: {  	s1 =	srdreg.scid  }
0x8b: {  	s0 =	sand.u32 $0x1, s1  }
0x8c: {  	s17 =	sshll.u32 s0, $0xA;
	s2 =	sadd.s32 s3, s2  }
0x8d: {  	s2 =	sadd.s32 s2, s17  }
0x8e: {  	[smem:$0x3FC0] =	sst s2  }
0x8f: {  	_ = 	snop  }
0x90: {  	s2 =	sld [smem:$0x3FC7];
	(tm) =	ssettm $0x1  }
0x91: {  	s18 =	sld [smem:$0x3FFB];
	_ =	sdelay $0x3  }
0x92: {  	_ =	strace s18  }
0x93: {  	s3 =	sld [smem:$0x3FFC];
	_ =	sdelay $0x3  }
0x94: {  	_ =	strace s3  }
0x95: {  	s3 =	sld [smem:$0x3FFD];
	_ =	sdelay $0x3  }
0x96: {  	_ =	strace s3  }
0x97: {  	_ =	strace $0x8FFFFFFF  }
0x98: {  	s19 =	sld [smem:$0x3FDB];
	_ =	sdelay $0x1  }
0x99: {  	s4 =	simm.s32 $_scs_section_size  }
0x9a: {  	s5 =	simm.s32 $_size__tile_overlayer_lowered;
	s6 =	simm.s32 $_tile_overlayer_lowered  }
0x9b: {  	s22 =	simm.s32 $0x1BFF;
	s21 =	sshll.u32 s6, $0x1;
	s3 =	sadd.s32 s4, s19  }
0x9c: {  	s7 =	simm.s32 $0x0;
	s20 =	sshll.u32 s5, $0x1;
	s5 =	sadd.s32 s21, s3  }
0x9d: {  	[timem:s7], [sflag:s22] =	dma.local [hbm:s5], s20  }
0x9e: {  	_ =	swait.ge [sflag:s22], s20  }
0x9f: {  	s4 =	ssub.s32 $0x0, s20;
	[sflag:s22] =	ssyncset.done $0x0  }
0xa0: {  	[sflag:s22] =	ssyncadd.s32 s4;
	_ =	sdelay $0x1  }
0xa1: {  	s23 =	simm.s32 $0x1B8B  }
0xa2: {  	_ =	swait.ge [sflag:s23], $0x1  }
0xa3: {  	[sflag:s23] =	ssyncset.done $0x0  }
0xa4: {  	s25 =	simm.s32 $0x1B8E;
	s24 =	sld [smem:$0x3FFE];
	[sflag:s23] =	ssyncadd.s32 $0xFFFFFFFF  }
0xa5: {  	s26 =	simm.s32 $execute0_lowered;
	[smem:$0x3FD2] =	sst s25  }
0xa6: {  	s5 =	sshll.u32 s26, $0x1;
	_ =	strace $0x80000046;
	[dreg:$0x1] =	wrdreg $0xFFFFFFFF  }
0xa7: {  	s28 =	simm.s32 $_size_execute0_lowered;
	s3 =	sadd.s32 s3, s5;
	[dreg:$0x0] =	wrdreg $0x0  }
0xa8: {  	s5 =	sshll.u32 s28, $0x1;
	[dreg:$0x2] =	wrdreg s3  }
0xa9: {  	[dreg:$0x3] =	wrdreg s5  }
0xaa: {  	[dreg:$0x4] =	wrdreg $0xC0  }
0xab: {  	_ =	task [dreg:s7], $0x5FFFF  }
0xac: {  	[dreg:$0x1] =	wrdreg $0xFFFFFFFF  }
0xad: {  	[dreg:$0x0] =	wrdreg $0x60  }
0xae: {  	[dreg:$0x2] =	wrdreg s2  }
0xaf: {  	[dreg:$0x3] =	wrdreg s24  }
0xb0: {  	[dreg:$0x4] =	wrdreg $0x9  }
0xb1: {  	_ =	task.clear_ibuf [dreg:s7], $0x5FFFF;
	_ =	strace $0x90000046  }
0xb2: {  	s29 =	simm.s32 $0x9;
	_ =	strace $0x80000048  }
0xb3: {  	_ =	swait.ge [sflag:s29], $0x1  }
0xb4: {  	[sflag:s29] =	ssyncadd.s32 $0xFFFFFFFF  }
0xb5: {  	_ =	strace $0x90000048  }
0xb6: {  	_ =	sfence  }
0xb7: {  	s30 =	sld [smem:$0x0];
	_ =	sdelay $0x2  }
0xb8: {  	s31 =	sshll.u32 s1, $0xD;
	s1 =	sshrl.u32 s1, $0x2  }
0xb9: {  	s3 =	sand.u32 $0x4000, s31;
	s1 =	sadd.s32 s1, s30  }
0xba: {  	s0 =	sor.u32 s3, s0;
	s1 =	sshll.u32 s1, $0x11  }
0xbb: {  	s0 =	sor.u32 s1, s0  }
0xbc: {  	s0 =	sadd.s32 $0x8F2B, s0  }
0xbd: {  	[sflag:s0] =	ssyncadd.remote.s32 $0x1  }
0xbe: {  	_ =	sfence.sel $0xFFFF  }
0xbf: {  	[dreg:$0x0] =	wrdreg $0xFFFFFFFF;
	(pc) =	sbr.abs _section_cstart, $3  }
0xc0: {  	[dreg:$0x1] =	wrdreg $0xFFFFFFFF  }
0xc1: {  	_ =	task.clear_ibuf [dreg:s7], $0x2FFFF;
	_ =	strace $0x9FFFFFFF  }
0xc2: {  	(tm) =	ssettm $0x7FFFFFFF  }
0xc3: {  	_ =	shalt  }
tec
execute0_lowered:
.L_overlay_start_1:
0x0: {  	(tag) =	ssettag $0x1  }
0x1: {  	s1 =	srdreg.scid;
	s0 =	stileid.u32  }
0x2: {  	s2 =	rddreg [dreg:$0x0];
	s17 =	sand.u32 $0x1, s1;
	s30 =	sshll.u32 s0, $0x1  }
0x3: {  	s11 =	rddreg [dreg:$0x1];
	s12 =	sor.u32 s17, s30  }
0x4: {  	s3 =	simm.s32 $0x0;
	s1 =	rddreg [dreg:$0x2];
	s4 =	sshll.u32 s12, $0x6  }
0x5: {  	[smem:$0x7FF] =	sst s3;
	s4 =	sadd.s32 s4, s11  }
0x6: {  	_ =	strace $0x80000047;
	s5 =	sadd.s32 $0x2E00, s4;
	s4 =	simm.s32 $0x3  }
0x7: {  	[tilespmem:s3], [sflag:$0x3] =	stream.linear.gather [hbm4b:s5+s3], $0x200, $0x38;
	[tilespmem:$0x5200] =	vst v63  }
0x8: {  	_ =	swait.ge [sflag:s4], $0x200  }
0x9: {  	[sflag:s4] =	ssyncset.done $0x0  }
0xa: {  	s6 =	simm.s32 $0x50;
	s7 =	simm.s32 $0x200;
	[sflag:s4] =	ssyncadd.s32 $0xFFFFFE00  }
0xb: {  	[tilespmem:s7], [sflag:$0x1] =	stream.indirect.gather [hbm4b:s2+s6], $0x80, s3, s6, $0xb8;
	[tilespmem:$0x5200] =	vst v63  }
0xc: {  	s8 =	simm.s32 $0x80;
	s9 =	simm.s32 $0x2A00;
	s10 =	simm.s32 $0x1  }
0xd: {  	[tilespmem:s9], [sflag:$0x2] =	stream.indirect.gather [hbm4b:s2+s6], $0x80, s8, s6, $0xb8;
	[tilespmem:$0x5200] =	vst v63  }
0xe: {  	s13 =	smul.u32 $0x1400, s12;
	_ =	swait.ge [sflag:s10], $0x2800  }
0xf: {  	s14 =	sadd.s32 $0x3600, s11;
	[sflag:s10] =	ssyncset.done $0x0  }
0x10: {  	s11 =	sadd.s32 s14, s13;
	[sflag:s10] =	ssyncadd.s32 $0xFFFFD800  }
0x11: {  	[hbm4b:s11+s3] =	stream.linear.scatter [tilespmem:s7], [sflag:$0x3], $0x2800, $0x38;
	[tilespmem:$0x5200] =	vst v63  }
0x12: {  	_ =	swait.ge [sflag:s4], $0x2800  }
0x13: {  	s15 =	smul.u32 $0xA000, s12;
	[sflag:s4] =	ssyncset.done $0x0  }
0x14: {  	s12 =	simm.s32 $0x100;
	s13 =	simm.s32 $0x2;
	[sflag:s4] =	ssyncadd.s32 $0xFFFFD800  }
0x15: {  	[tilespmem:s7], [sflag:$0x1] =	stream.indirect.gather [hbm4b:s2+s6], $0x80, s12, s6, $0xb8;
	[tilespmem:$0x5200] =	vst v63  }
0x16: {  	s15 =	sshrl.u32 s15, $0x3;
	_ =	swait.ge [sflag:s13], $0x2800  }
0x17: {  	s18 =	sadd.s32 s14, s15;
	[sflag:s13] =	ssyncset.done $0x0  }
0x18: {  	s14 =	sadd.s32 $0x500, s18;
	[sflag:s13] =	ssyncadd.s32 $0xFFFFD800  }
0x19: {  	[hbm4b:s14+s3] =	stream.linear.scatter [tilespmem:s9], [sflag:$0x3], $0x2800, $0x38;
	[tilespmem:$0x5200] =	vst v63  }
0x1a: {  	_ =	swait.ge [sflag:s4], $0x2800  }
0x1b: {  	[sflag:s4] =	ssyncset.done $0x0  }
0x1c: {  	s15 =	simm.s32 $0x180;
	[sflag:s4] =	ssyncadd.s32 $0xFFFFD800  }
0x1d: {  	[tilespmem:s9], [sflag:$0x2] =	stream.indirect.gather [hbm4b:s2+s6], $0x80, s15, s6, $0xb8;
	[tilespmem:$0x5200] =	vst v63  }
0x1e: {  	_ =	swait.ge [sflag:s10], $0x2800  }
0x1f: {  	[sflag:s10] =	ssyncset.done $0x0  }
0x20: {  	s17 =	ssub.s32 $0x2, s17;
	s16 =	sadd.s32 $0xA00, s18;
	[sflag:s10] =	ssyncadd.s32 $0xFFFFD800  }
0x21: {  	[hbm4b:s16+s3] =	stream.linear.scatter [tilespmem:s7], [sflag:$0x3], $0x2800, $0x38;
	[tilespmem:$0x5200] =	vst v63  }
0x22: {  	s19 =	sshrl.u32 s17, $0x1;
	_ =	swait.ge [sflag:s4], $0x2800  }
0x23: {  	s19 =	ssub.s32 s17, s19;
	[sflag:s4] =	ssyncset.done $0x0  }
0x24: {  	s31 =	smax.u32 s19, $0x1;
	[sflag:s4] =	ssyncadd.s32 $0xFFFFD800  }
0x25: {  	p0 =	sne.s32 s31, $0x1;
	_ =	swait.ge [sflag:s13], $0x2800  }
.Ltmp0:
0x26: {  	[sflag:s13] =	ssyncset.done $0x0;
	(pc) =	sbr.rel @!p0 .LBB2_2-.Ltmp0, $4  }
0x27: {  	s17 =	sadd.s32 $0xF00, s18;
	[sflag:s13] =	ssyncadd.s32 $0xFFFFD800  }
0x28: {  	[hbm4b:s17+s3] =	stream.linear.scatter [tilespmem:s9], [sflag:$0x3], $0x2800, $0x38;
	[tilespmem:$0x5200] =	vst v63  }
0x29: {  	_ =	swait.ge [sflag:s4], $0x2800  }
0x2a: {  	s18 =	sadd.s32 $0xFFFFFFFF, s31;
	[sflag:s4] =	ssyncset.done $0x0  }
.LBB2_1:
0x2b: {  	p0 =	sne.s32 s18, $0x1;
	s18 =	sadd.s32 $0xFFFFFFFF, s18;
	[sflag:s4] =	ssyncadd.s32 $0xFFFFD800  }
0x2c: {  	[tilespmem:s3], [sflag:$0x3] =	stream.linear.gather [hbm4b:s5+s3], $0x200, $0x38;
	[tilespmem:$0x5200] =	vst v63  }
0x2d: {  	_ =	swait.ge [sflag:s4], $0x200  }
0x2e: {  	[sflag:s4] =	ssyncset.done $0x0  }
0x2f: {  	[sflag:s4] =	ssyncadd.s32 $0xFFFFFE00  }
0x30: {  	[tilespmem:s7], [sflag:$0x1] =	stream.indirect.gather [hbm4b:s2+s6], $0x80, s3, s6, $0xb8;
	[tilespmem:$0x5200] =	vst v63  }
0x31: {  	_ = 	snop  }
0x32: {  	[tilespmem:s9], [sflag:$0x2] =	stream.indirect.gather [hbm4b:s2+s6], $0x80, s8, s6, $0xb8;
	[tilespmem:$0x5200] =	vst v63  }
0x33: {  	_ =	swait.ge [sflag:s10], $0x2800  }
0x34: {  	[sflag:s10] =	ssyncset.done $0x0  }
0x35: {  	[sflag:s10] =	ssyncadd.s32 $0xFFFFD800  }
0x36: {  	[hbm4b:s11+s3] =	stream.linear.scatter [tilespmem:s7], [sflag:$0x3], $0x2800, $0x38;
	[tilespmem:$0x5200] =	vst v63  }
0x37: {  	_ =	swait.ge [sflag:s4], $0x2800  }
0x38: {  	[sflag:s4] =	ssyncset.done $0x0  }
0x39: {  	[sflag:s4] =	ssyncadd.s32 $0xFFFFD800  }
0x3a: {  	[tilespmem:s7], [sflag:$0x1] =	stream.indirect.gather [hbm4b:s2+s6], $0x80, s12, s6, $0xb8;
	[tilespmem:$0x5200] =	vst v63  }
0x3b: {  	_ =	swait.ge [sflag:s13], $0x2800  }
0x3c: {  	[sflag:s13] =	ssyncset.done $0x0  }
0x3d: {  	[sflag:s13] =	ssyncadd.s32 $0xFFFFD800  }
0x3e: {  	[hbm4b:s14+s3] =	stream.linear.scatter [tilespmem:s9], [sflag:$0x3], $0x2800, $0x38;
	[tilespmem:$0x5200] =	vst v63  }
0x3f: {  	_ =	swait.ge [sflag:s4], $0x2800  }
0x40: {  	[sflag:s4] =	ssyncset.done $0x0  }
0x41: {  	[sflag:s4] =	ssyncadd.s32 $0xFFFFD800  }
0x42: {  	[tilespmem:s9], [sflag:$0x2] =	stream.indirect.gather [hbm4b:s2+s6], $0x80, s15, s6, $0xb8;
	[tilespmem:$0x5200] =	vst v63  }
0x43: {  	_ =	swait.ge [sflag:s10], $0x2800  }
0x44: {  	[sflag:s10] =	ssyncset.done $0x0  }
0x45: {  	[sflag:s10] =	ssyncadd.s32 $0xFFFFD800  }
0x46: {  	[hbm4b:s16+s3] =	stream.linear.scatter [tilespmem:s7], [sflag:$0x3], $0x2800, $0x38;
	[tilespmem:$0x5200] =	vst v63  }
0x47: {  	_ =	swait.ge [sflag:s4], $0x2800  }
0x48: {  	[sflag:s4] =	ssyncset.done $0x0  }
0x49: {  	[sflag:s4] =	ssyncadd.s32 $0xFFFFD800  }
0x4a: {  	_ =	swait.ge [sflag:s13], $0x2800  }
.Ltmp1:
0x4b: {  	[sflag:s13] =	ssyncset.done $0x0;
	(pc) =	sbr.rel @p0 .LBB2_1-.Ltmp1, $4  }
0x4c: {  	[sflag:s13] =	ssyncadd.s32 $0xFFFFD800  }
0x4d: {  	[hbm4b:s17+s3] =	stream.linear.scatter [tilespmem:s9], [sflag:$0x3], $0x2800, $0x38;
	[tilespmem:$0x5200] =	vst v63  }
0x4e: {  	_ =	swait.ge [sflag:s4], $0x2800  }
0x4f: {  	[sflag:s4] =	ssyncset.done $0x0  }
.LBB2_2:
0x50: {  	[sflag:s4] =	ssyncadd.s32 $0xFFFFD800  }
0x51: {  	_ =	sfence.sel $0x180000  }
0x52: {  	[bflag:$0x0] =	sbarrier.arrive $0xFFFF  }
0x53: {  	p0 =	sne.s32 s0, $0x0;
	_ =	strace $0x90000047  }
0x54: {  	s0 =	sadd.s32 @!p0 $0x100000, s1;
	[bflag:$0x2] =	sbarrier.arrive $0xFFFF  }
0x55: {  	[sflag:s0] =	ssyncadd.tile.s32 @!p0 $0x1;
	_ =	shalt  }
.Lfunc_end2:
_tile_overlayer_lowered:
.L_overlay_start_2:
0x56: {  	(tag) =	ssettag $0x2  }
0x57: {  	s0 =	rddreg [dreg:$0x0];
	s2 =	stileid.u32  }
0x58: {  	s1 =	rddreg [dreg:$0x1];
	p0 =	sne.s32 s2, $0x0  }
0x59: {  	s3 =	rddreg [dreg:$0x2];
	[bflag:$0x3] =	sbarrier.arrive $0xFFFF;
	s2 =	simm.s32 @!p0 $0x1C03  }
0x5a: {  	[timem:s3], [sflag:s2] =	dma.local @!p0 [hbm:s0], s1  }
0x5b: {  	s0 =	simm.s32 @!p0 $0x3  }
0x5c: {  	_ =	swait.ge @!p0 [sflag:s0], s1  }
0x5d: {  	s1 =	ssub.s32 @!p0 $0x0, s1;
	[sflag:s0] =	ssyncset.done @!p0 $0x0  }
0x5e: {  	[sflag:s0] =	ssyncadd.s32 @!p0 s1  }
0x5f: {  	[bflag:$0x3] =	sbarrier.arrive $0xFFFF  }
0x60: {  	_ =	shalt  }

</sc_bundles>
